<compile_context>
chip_gen: v7x
topology: tpu7x:2x2x1
jax: 0.10.2.dev20260603
libtpu: 0.0.44.dev20260713+nightly
codegen_flags: <defaults>
</compile_context>

<pallas_src>
import jax
import jax.numpy as jnp
from jax import lax
from jax.experimental import pallas as pl
from jax.experimental.pallas import tpu as pltpu
from jax.experimental.pallas import tpu_sc as plsc

_N = 10000
_E = 320000
_H = 128
_G = 64
_XP = 16
_NC = 2
_NS = 16
_NP = 10240
_EPT = _E // (_NC * _NS)
_RPT = _NP // _NS
_K1 = 2000
_K2 = 200
_ZR = 128


def _sc1_body(xp_hbm, src_hbm, dst_hbm, z16_hbm, agg1_out,
              sbuf, dbuf, rows, zb16, acc1, sem):
    cid = lax.axis_index("c")
    sid = lax.axis_index("s")
    r0 = sid * _RPT
    pltpu.sync_copy(z16_hbm.at[pl.ds(r0, _RPT), :], zb16)
    pltpu.sync_copy(zb16, acc1.at[pl.ds(r0, _RPT), :])
    plsc.subcore_barrier()

    base = (sid * _NC + cid) * _EPT

    def chunk(c, carry):
        off = base + c * _K1
        pltpu.sync_copy(src_hbm.at[pl.ds(off, _K1)], sbuf)
        pltpu.sync_copy(dst_hbm.at[pl.ds(off, _K1)], dbuf)
        pltpu.async_copy(xp_hbm.at[sbuf], rows, sem).wait()
        pltpu.sync_copy(rows, acc1.at[dbuf], add=True)
        return carry

    lax.fori_loop(0, _EPT // _K1, chunk, 0)
    plsc.subcore_barrier()
    pltpu.sync_copy(acc1.at[pl.ds(r0, _RPT), :], zb16)
    pltpu.sync_copy(zb16, agg1_out.at[cid, pl.ds(r0, _RPT), :])


def _sc1_call(xp, src, dst, z16):
    mesh = plsc.VectorSubcoreMesh(core_axis_name="c", subcore_axis_name="s")
    f = pl.kernel(
        _sc1_body,
        out_type=jax.ShapeDtypeStruct((_NC, _NP, _XP), jnp.float32),
        mesh=mesh,
        scratch_types=[
            pltpu.VMEM((_K1,), jnp.int32),
            pltpu.VMEM((_K1,), jnp.int32),
            pltpu.VMEM((_K1, _XP), jnp.float32),
            pltpu.VMEM((_RPT, _XP), jnp.float32),
            pltpu.VMEM_SHARED((_NP, _XP), jnp.float32),
            pltpu.SemaphoreType.DMA,
        ],
        compiler_params=pltpu.CompilerParams(use_tc_tiling_on_sc=False),
    )
    return f(xp, src, dst, z16)


def _sc2_body(h_hbm, src_hbm, dst_hbm, z128_hbm, agg_out,
              sbuf, dbuf, rows, acc, sem):
    cid = lax.axis_index("c")
    sid = lax.axis_index("s")
    r0 = sid * _RPT
    zb = rows.at[pl.ds(0, _ZR), :]
    pltpu.sync_copy(z128_hbm.at[pl.ds(0, _ZR), :], zb)
    for k in range(_RPT // _ZR):
        pltpu.sync_copy(zb, acc.at[pl.ds(r0 + k * _ZR, _ZR), :])
    plsc.subcore_barrier()

    base = (sid * _NC + cid) * _EPT

    def chunk(c, carry):
        off = base + c * _K2
        pltpu.sync_copy(src_hbm.at[pl.ds(off, _K2)], sbuf)
        pltpu.sync_copy(dst_hbm.at[pl.ds(off, _K2)], dbuf)
        pltpu.async_copy(h_hbm.at[sbuf], rows, sem).wait()
        pltpu.sync_copy(rows, acc.at[dbuf], add=True)
        return carry

    lax.fori_loop(0, _EPT // _K2, chunk, 0)
    plsc.subcore_barrier()
    for k in range(_RPT // _ZR):
        pltpu.sync_copy(acc.at[pl.ds(r0 + k * _ZR, _ZR), :], zb)
        pltpu.sync_copy(zb, agg_out.at[cid, pl.ds(r0 + k * _ZR, _ZR), :])


def _sc2_call(h, src, dst, z128):
    mesh = plsc.VectorSubcoreMesh(core_axis_name="c", subcore_axis_name="s")
    f = pl.kernel(
        _sc2_body,
        out_type=jax.ShapeDtypeStruct((_NC, _NP, _H), jnp.float32),
        mesh=mesh,
        scratch_types=[
            pltpu.VMEM((_K2,), jnp.int32),
            pltpu.VMEM((_K2,), jnp.int32),
            pltpu.VMEM((_K2, _H), jnp.float32),
            pltpu.VMEM_SHARED((_NP, _H), jnp.float32),
            pltpu.SemaphoreType.DMA,
        ],
    )
    return f(h, src, dst, z128)


_R = 1000
_NCH = _N // _R


def _tc1_body(a0, a1, xp, wr, wt, b, out):
    agg = a0[...] + a1[...]
    out[...] = jax.nn.relu(
        (jnp.dot(agg, wr[...], preferred_element_type=jnp.float32) + b[...])
        + jnp.dot(xp[...], wt[...], preferred_element_type=jnp.float32))


def _tc1_call(a0, a1, xp, wr, wt, b):
    row = lambda i: (i, 0)
    fixed = lambda i: (0, 0)
    return pl.pallas_call(
        _tc1_body,
        grid=(_NCH,),
        in_specs=[
            pl.BlockSpec((_R, _XP), row),
            pl.BlockSpec((_R, _XP), row),
            pl.BlockSpec((_R, _XP), row),
            pl.BlockSpec((_XP, _H), fixed),
            pl.BlockSpec((_XP, _H), fixed),
            pl.BlockSpec((1, _H), fixed),
        ],
        out_specs=pl.BlockSpec((_R, _H), row),
        out_shape=jax.ShapeDtypeStruct((_N, _H), jnp.float32),
    )(a0, a1, xp, wr, wt, b)


def _tc2_body(a0, a1, h1, wr, wt, b, out):
    agg = a0[...] + a1[...]
    out[...] = jax.nn.relu(
        (jnp.dot(agg, wr[...], preferred_element_type=jnp.float32) + b[...])
        + jnp.dot(h1[...], wt[...], preferred_element_type=jnp.float32))


def _tc2_call(a0, a1, h1, wr, wt, b):
    row = lambda i: (i, 0)
    fixed = lambda i: (0, 0)
    return pl.pallas_call(
        _tc2_body,
        grid=(_NCH,),
        in_specs=[
            pl.BlockSpec((_R, _H), row),
            pl.BlockSpec((_R, _H), row),
            pl.BlockSpec((_R, _H), row),
            pl.BlockSpec((_H, _H), fixed),
            pl.BlockSpec((_H, _H), fixed),
            pl.BlockSpec((1, _H), fixed),
        ],
        out_specs=pl.BlockSpec((_R, _H), row),
        out_shape=jax.ShapeDtypeStruct((_N, _H), jnp.float32),
    )(a0, a1, h1, wr, wt, b)


def _tc3_body(a0, a1, h2, batch3, wr3, wt3, b3, wl1, bl1, wl2, bl2,
              x1_out, x2_out, acc_t, acc_n):
    i = pl.program_id(0)

    @pl.when(i == 0)
    def _init():
        acc_t[...] = jnp.zeros_like(acc_t)
        acc_n[...] = jnp.zeros_like(acc_n)

    agg = a0[...] + a1[...]
    h3 = ((jnp.dot(agg, wr3[...], preferred_element_type=jnp.float32) + b3[...])
          + jnp.dot(h2[...], wt3[...], preferred_element_type=jnp.float32))
    bv = batch3[0, 0, :]
    oh = (bv[:, None] == lax.broadcasted_iota(jnp.int32, (_R, _G), 1)
          ).astype(jnp.float32)
    dnum = (((0,), (0,)), ((), ()))
    acc_t[...] += lax.dot_general(oh, h3, dnum,
                                  preferred_element_type=jnp.float32,
                                  precision=lax.Precision.HIGHEST)
    acc_n[...] += jnp.sum(oh, axis=0, keepdims=True)

    @pl.when(i == _NCH - 1)
    def _fin():
        cnt = acc_n[0, :]
        pooled = acc_t[...] / jnp.clip(cnt, 1.0, None)[:, None]
        x1_out[...] = jnp.dot(pooled, wl1[...],
                              preferred_element_type=jnp.float32) + bl1[...]
        x2_out[...] = jnp.dot(pooled, wl2[...],
                              preferred_element_type=jnp.float32) + bl2[...]


def _tc3_call(a0, a1, h2, batch3, wr3, wt3, b3, wl1, bl1, wl2, bl2):
    row = lambda i: (i, 0)
    fixed = lambda i: (0, 0)
    return pl.pallas_call(
        _tc3_body,
        grid=(_NCH,),
        in_specs=[
            pl.BlockSpec((_R, _H), row),
            pl.BlockSpec((_R, _H), row),
            pl.BlockSpec((_R, _H), row),
            pl.BlockSpec((1, 1, _R), lambda i: (i, 0, 0)),
            pl.BlockSpec((_H, _H), fixed),
            pl.BlockSpec((_H, _H), fixed),
            pl.BlockSpec((1, _H), fixed),
            pl.BlockSpec((_H, 1), fixed),
            pl.BlockSpec((1, 1), fixed),
            pl.BlockSpec((_H, 1), fixed),
            pl.BlockSpec((1, 1), fixed),
        ],
        out_specs=[pl.BlockSpec((_G, 1), fixed), pl.BlockSpec((_G, 1), fixed)],
        out_shape=[jax.ShapeDtypeStruct((_G, 1), jnp.float32),
                   jax.ShapeDtypeStruct((_G, 1), jnp.float32)],
        scratch_shapes=[
            pltpu.VMEM((_G, _H), jnp.float32),
            pltpu.VMEM((1, _G), jnp.float32),
        ],
    )(a0, a1, h2, batch3, wr3, wt3, b3, wl1, bl1, wl2, bl2)


def kernel(x, edge_index, batch, W_rel1, b_rel1, W_root1, W_rel2, b_rel2,
           W_root2, W_rel3, b_rel3, W_root3, W_lin1, b_lin1, W_lin2, b_lin2):
    src = edge_index[0]
    dst = edge_index[1]
    xp = jnp.pad(x, ((0, 0), (0, _XP - x.shape[1])))
    wr1 = jnp.pad(W_rel1, ((0, _XP - W_rel1.shape[0]), (0, 0)))
    wt1 = jnp.pad(W_root1, ((0, _XP - W_root1.shape[0]), (0, 0)))
    z16 = jnp.zeros((_NP, _XP), jnp.float32)
    z128 = jnp.zeros((_NP, _H), jnp.float32)

    agg1p = _sc1_call(xp, src, dst, z16)
    h1 = _tc1_call(agg1p[0, :_N], agg1p[1, :_N], xp, wr1, wt1,
                   b_rel1.reshape(1, _H))
    agg2p = _sc2_call(h1, src, dst, z128)
    h2 = _tc2_call(agg2p[0, :_N], agg2p[1, :_N], h1,
                   W_rel2, W_root2, b_rel2.reshape(1, _H))
    agg3p = _sc2_call(h2, src, dst, z128)
    batch3 = batch.reshape(_NCH, 1, _R)
    x1, x2 = _tc3_call(agg3p[0, :_N], agg3p[1, :_N], h2, batch3,
                       W_rel3, W_root3, b_rel3.reshape(1, _H),
                       W_lin1, b_lin1.reshape(1, 1),
                       W_lin2, b_lin2.reshape(1, 1))
    return (x1, x2)

# --- scband reference (transcript-rebuilt; emitter-appended) ---
"""Pipeline reference for scband-gnn-1769526526179 (READ-ONLY COPY).

The authoritative reference and input builder live on the scoring server;
editing this copy changes nothing except your own understanding.
"""

import jax, jax.numpy as jnp
import numpy as np

N = 10000
E = 320000
H = 128
G = 64
IN = 3

def _init_linear(key, fan_in, fan_out, bias=True):
    k1, k2 = jax.random.split(key)
    bound = 1.0 / np.sqrt(fan_in)
    W = jax.random.uniform(k1, (fan_in, fan_out), jnp.float32, -bound, bound)
    if bias:
        b = jax.random.uniform(k2, (fan_out,), jnp.float32, -bound, bound)
        return W, b
    return W, None

def setup_inputs(seed: int = 0) -> dict:
    key = jax.random.key(seed)
    ks = jax.random.split(key, 12)
    x = jax.random.normal(ks[0], (N, IN), jnp.float32)
    edge_index = jax.random.randint(ks[1], (2, E), 0, N)
    batch = jnp.sort(jax.random.randint(ks[2], (N,), 0, G))
    W_rel1, b_rel1 = _init_linear(ks[3], IN, H)
    W_root1, _ = _init_linear(ks[4], IN, H, bias=False)
    W_rel2, b_rel2 = _init_linear(ks[5], H, H)
    W_root2, _ = _init_linear(ks[6], H, H, bias=False)
    W_rel3, b_rel3 = _init_linear(ks[7], H, H)
    W_root3, _ = _init_linear(ks[8], H, H, bias=False)
    W_lin1, b_lin1 = _init_linear(ks[9], H, 1)
    W_lin2, b_lin2 = _init_linear(ks[10], H, 1)
    return {"x": x, "edge_index": edge_index, "batch": batch,
            "W_rel1": W_rel1, "b_rel1": b_rel1, "W_root1": W_root1,
            "W_rel2": W_rel2, "b_rel2": b_rel2, "W_root2": W_root2,
            "W_rel3": W_rel3, "b_rel3": b_rel3, "W_root3": W_root3,
            "W_lin1": W_lin1, "b_lin1": b_lin1, "W_lin2": W_lin2, "b_lin2": b_lin2}

def _graph_conv(x, src, dst, W_rel, b_rel, W_root):
    # PyG GraphConv, aggr='add': out = lin_rel(sum_{j in N(i)} x_j) + lin_root(x_i)
    agg = jax.ops.segment_sum(jnp.take(x, src, axis=0), dst, num_segments=N)
    return agg @ W_rel + b_rel + x @ W_root

def _global_mean_pool(x, batch):
    s = jax.ops.segment_sum(x, batch, num_segments=G)
    cnt = jax.ops.segment_sum(jnp.ones((x.shape[0],), jnp.float32), batch, num_segments=G)
    return s / jnp.clip(cnt, 1.0, None)[:, None]

def reference(x, edge_index, batch, W_rel1, b_rel1, W_root1, W_rel2, b_rel2, W_root2, W_rel3, b_rel3, W_root3, W_lin1, b_lin1, W_lin2, b_lin2):
    src = edge_index[0]
    dst = edge_index[1]
    h = jax.nn.relu(_graph_conv(x, src, dst, W_rel1, b_rel1, W_root1))
    h = jax.nn.relu(_graph_conv(h, src, dst, W_rel2, b_rel2, W_root2))
    h = _graph_conv(h, src, dst, W_rel3, b_rel3, W_root3)
    pooled = _global_mean_pool(h, batch)
    # dropout p=0.1 is identity in eval mode
    x1 = pooled @ W_lin1 + b_lin1
    x2 = pooled @ W_lin2 + b_lin2
    return (x1, x2)

if __name__ == "__main__":
    import jax
    _d = setup_inputs()
    print(jax.jit(kernel)(*tuple(_d.values())))

</pallas_src>

<mosaic_0001>
#map = affine_map<(d0, d1) -> (0, 0)>
#map1 = affine_map<(d0, d1) -> (0)>
#map2 = affine_map<(d0, d1) -> (0, 0, 0)>
module attributes {stable_mosaic.version = 14 : i64} {
  func.func @_sc1_body(%arg0: i32, %arg1: i32, %arg2: memref<10000x16xf32, #tpu.memory_space<hbm>>, %arg3: memref<320000xi32, #tpu.memory_space<hbm>>, %arg4: memref<320000xi32, #tpu.memory_space<hbm>>, %arg5: memref<10240x16xf32, #tpu.memory_space<hbm>>, %arg6: memref<2x10240x16xf32, #tpu.memory_space<hbm>>, %arg7: memref<2000xi32, #tpu.memory_space<vmem>>, %arg8: memref<2000xi32, #tpu.memory_space<vmem>>, %arg9: memref<2000x16xf32, #tpu.memory_space<vmem>>, %arg10: memref<640x16xf32, #tpu.memory_space<vmem>>, %arg11: memref<10240x16xf32, #tpu.memory_space<vmem_shared>>, %arg12: memref<!tpu.dma_semaphore, #tpu.memory_space<semaphore_mem>>) attributes {dimension_semantics = [#tpu.dimension_semantics<core_parallel>, #tpu.dimension_semantics<subcore_parallel>], iteration_bounds = array<i64: 2, 16>, scalar_prefetch = 0 : i64, scratch_operands = 6 : i64, tpu.core_type = #tpu.core_type<sc_vector_subcore>, window_params = [{transform_indices = #map}, {transform_indices = #map1}, {transform_indices = #map1}, {transform_indices = #map}, {transform_indices = #map2}]} {
    %mul3A = arith.constant 640 : i32
    %mul3A_0 = arith.muli %arg1, %mul3A : i32
    "tpu.region"() ({
      %run_scoped3A = tpu.sem_alloc : memref<!tpu.dma_semaphore, #tpu.memory_space<semaphore_mem>>
      %dma_start3A = arith.constant 0 : i32
      %dma_start3A_11 = tpu.memref_slice %arg5[%mul3A_0, %dma_start3A] : memref<10240x16xf32, #tpu.memory_space<hbm>> -> memref<640x16xf32, #tpu.memory_space<hbm>>
      %dma_start3A_12 = arith.constant 0 : i32
      %dma_start3A_13 = tpu.memref_slice %arg5[%mul3A_0, %dma_start3A_12] : memref<10240x16xf32, #tpu.memory_space<hbm>> -> memref<640x16xf32, #tpu.memory_space<hbm>>
      tpu.enqueue_dma source(%dma_start3A_13 : memref<640x16xf32, #tpu.memory_space<hbm>>) target(%arg10 : memref<640x16xf32, #tpu.memory_space<vmem>>) target_semaphore(%run_scoped3A : memref<!tpu.dma_semaphore, #tpu.memory_space<semaphore_mem>>)
      %dma_wait3A = arith.constant 0 : i32
      %dma_wait3A_14 = tpu.memref_slice %arg5[%mul3A_0, %dma_wait3A] : memref<10240x16xf32, #tpu.memory_space<hbm>> -> memref<640x16xf32, #tpu.memory_space<hbm>>
      %dma_wait3A_15 = arith.constant 0 : i32
      %dma_wait3A_16 = tpu.memref_slice %arg5[%mul3A_0, %dma_wait3A_15] : memref<10240x16xf32, #tpu.memory_space<hbm>> -> memref<640x16xf32, #tpu.memory_space<hbm>>
      tpu.wait_dma2 semaphore(%run_scoped3A : memref<!tpu.dma_semaphore, #tpu.memory_space<semaphore_mem>>) src(%dma_wait3A_16 : memref<640x16xf32, #tpu.memory_space<hbm>>) dst(%arg10 : memref<640x16xf32, #tpu.memory_space<vmem>>)
      tpu.yield
    }) : () -> ()
    "tpu.region"() ({
      %run_scoped3A = tpu.sem_alloc : memref<!tpu.dma_semaphore, #tpu.memory_space<semaphore_mem>>
      %dma_start3A = arith.constant 0 : i32
      %dma_start3A_11 = tpu.memref_slice %arg11[%mul3A_0, %dma_start3A] : memref<10240x16xf32, #tpu.memory_space<vmem_shared>> -> memref<640x16xf32, #tpu.memory_space<vmem_shared>>
      %dma_start3A_12 = arith.constant 0 : i32
      %dma_start3A_13 = tpu.memref_slice %arg11[%mul3A_0, %dma_start3A_12] : memref<10240x16xf32, #tpu.memory_space<vmem_shared>> -> memref<640x16xf32, #tpu.memory_space<vmem_shared>>
      tpu.enqueue_dma source(%arg10 : memref<640x16xf32, #tpu.memory_space<vmem>>) target(%dma_start3A_13 : memref<640x16xf32, #tpu.memory_space<vmem_shared>>) target_semaphore(%run_scoped3A : memref<!tpu.dma_semaphore, #tpu.memory_space<semaphore_mem>>)
      %dma_wait3A = arith.constant 0 : i32
      %dma_wait3A_14 = tpu.memref_slice %arg11[%mul3A_0, %dma_wait3A] : memref<10240x16xf32, #tpu.memory_space<vmem_shared>> -> memref<640x16xf32, #tpu.memory_space<vmem_shared>>
      %dma_wait3A_15 = arith.constant 0 : i32
      %dma_wait3A_16 = tpu.memref_slice %arg11[%mul3A_0, %dma_wait3A_15] : memref<10240x16xf32, #tpu.memory_space<vmem_shared>> -> memref<640x16xf32, #tpu.memory_space<vmem_shared>>
      tpu.wait_dma2 semaphore(%run_scoped3A : memref<!tpu.dma_semaphore, #tpu.memory_space<semaphore_mem>>) src(%arg10 : memref<640x16xf32, #tpu.memory_space<vmem>>) dst(%dma_wait3A_16 : memref<640x16xf32, #tpu.memory_space<vmem_shared>>)
      tpu.yield
    }) : () -> ()
    %barrier3A = arith.constant 0 : index
    tpu.barrier barrier_id(%barrier3A)
    %mul3A_1 = arith.constant 2 : i32
    %mul3A_2 = arith.muli %arg1, %mul3A_1 : i32
    %add3A = arith.addi %mul3A_2, %arg0 : i32
    %mul3A_3 = arith.constant 10000 : i32
    %mul3A_4 = arith.muli %add3A, %mul3A_3 : i32
    %scan3A = arith.constant 0 : i32
    %scan3A_5 = arith.constant 0 : i32
    %scan3A_6 = arith.constant 5 : i32
    %scan3A_7 = arith.addi %scan3A_5, %scan3A_6 : i32
    %scan3A_8 = arith.constant 1 : i32
    scf.for %scan3A_11 = %scan3A_5 to %scan3A_7 step %scan3A_8  : i32 {
      %mul3A_12 = arith.constant 2000 : i32
      %mul3A_13 = arith.muli %scan3A_11, %mul3A_12 : i32
      %add3A_14 = arith.addi %mul3A_4, %mul3A_13 : i32
      "tpu.region"() ({
        %run_scoped3A = tpu.sem_alloc : memref<!tpu.dma_semaphore, #tpu.memory_space<semaphore_mem>>
        %dma_start3A_19 = tpu.memref_slice %arg3[%add3A_14] : memref<320000xi32, #tpu.memory_space<hbm>> -> memref<2000xi32, #tpu.memory_space<hbm>>
        %dma_start3A_20 = tpu.memref_slice %arg3[%add3A_14] : memref<320000xi32, #tpu.memory_space<hbm>> -> memref<2000xi32, #tpu.memory_space<hbm>>
        tpu.enqueue_dma source(%dma_start3A_20 : memref<2000xi32, #tpu.memory_space<hbm>>) target(%arg7 : memref<2000xi32, #tpu.memory_space<vmem>>) target_semaphore(%run_scoped3A : memref<!tpu.dma_semaphore, #tpu.memory_space<semaphore_mem>>)
        %dma_wait3A_21 = tpu.memref_slice %arg3[%add3A_14] : memref<320000xi32, #tpu.memory_space<hbm>> -> memref<2000xi32, #tpu.memory_space<hbm>>
        %dma_wait3A_22 = tpu.memref_slice %arg3[%add3A_14] : memref<320000xi32, #tpu.memory_space<hbm>> -> memref<2000xi32, #tpu.memory_space<hbm>>
        tpu.wait_dma2 semaphore(%run_scoped3A : memref<!tpu.dma_semaphore, #tpu.memory_space<semaphore_mem>>) src(%dma_wait3A_22 : memref<2000xi32, #tpu.memory_space<hbm>>) dst(%arg7 : memref<2000xi32, #tpu.memory_space<vmem>>)
        tpu.yield
      }) : () -> ()
      "tpu.region"() ({
        %run_scoped3A = tpu.sem_alloc : memref<!tpu.dma_semaphore, #tpu.memory_space<semaphore_mem>>
        %dma_start3A_19 = tpu.memref_slice %arg4[%add3A_14] : memref<320000xi32, #tpu.memory_space<hbm>> -> memref<2000xi32, #tpu.memory_space<hbm>>
        %dma_start3A_20 = tpu.memref_slice %arg4[%add3A_14] : memref<320000xi32, #tpu.memory_space<hbm>> -> memref<2000xi32, #tpu.memory_space<hbm>>
        tpu.enqueue_dma source(%dma_start3A_20 : memref<2000xi32, #tpu.memory_space<hbm>>) target(%arg8 : memref<2000xi32, #tpu.memory_space<vmem>>) target_semaphore(%run_scoped3A : memref<!tpu.dma_semaphore, #tpu.memory_space<semaphore_mem>>)
        %dma_wait3A_21 = tpu.memref_slice %arg4[%add3A_14] : memref<320000xi32, #tpu.memory_space<hbm>> -> memref<2000xi32, #tpu.memory_space<hbm>>
        %dma_wait3A_22 = tpu.memref_slice %arg4[%add3A_14] : memref<320000xi32, #tpu.memory_space<hbm>> -> memref<2000xi32, #tpu.memory_space<hbm>>
        tpu.wait_dma2 semaphore(%run_scoped3A : memref<!tpu.dma_semaphore, #tpu.memory_space<semaphore_mem>>) src(%dma_wait3A_22 : memref<2000xi32, #tpu.memory_space<hbm>>) dst(%arg8 : memref<2000xi32, #tpu.memory_space<vmem>>)
        tpu.yield
      }) : () -> ()
      %dma_start3A = arith.constant 0 : i32
      %dma_start3A_15 = arith.constant 0 : i32
      %dma_start3A_16 = tpu.memref_slice %arg2[%dma_start3A, %dma_start3A_15] : memref<10000x16xf32, #tpu.memory_space<hbm>> -> memref<10000x16xf32, #tpu.memory_space<hbm>>
      tpu.enqueue_indirect_dma source(%dma_start3A_16 : memref<10000x16xf32, #tpu.memory_space<hbm>>) target(%arg9 : memref<2000x16xf32, #tpu.memory_space<vmem>>) offsets(%arg7 : memref<2000xi32, #tpu.memory_space<vmem>>) semaphore(%arg12 : memref<!tpu.dma_semaphore, #tpu.memory_space<semaphore_mem>>)
      %dma_wait3A = arith.constant 0 : i32
      %dma_wait3A_17 = arith.constant 0 : i32
      %dma_wait3A_18 = tpu.memref_slice %arg2[%dma_wait3A, %dma_wait3A_17] : memref<10000x16xf32, #tpu.memory_space<hbm>> -> memref<10000x16xf32, #tpu.memory_space<hbm>>
      tpu.wait_indirect_dma semaphore(%arg12 : memref<!tpu.dma_semaphore, #tpu.memory_space<semaphore_mem>>) src(%dma_wait3A_18 : memref<10000x16xf32, #tpu.memory_space<hbm>>) dst(%arg9 : memref<2000x16xf32, #tpu.memory_space<vmem>>)
      "tpu.region"() ({
        %run_scoped3A = tpu.sem_alloc : memref<!tpu.dma_semaphore, #tpu.memory_space<semaphore_mem>>
        %dma_start3A_19 = arith.constant 0 : i32
        %dma_start3A_20 = arith.constant 0 : i32
        %dma_start3A_21 = tpu.memref_slice %arg11[%dma_start3A_19, %dma_start3A_20] : memref<10240x16xf32, #tpu.memory_space<vmem_shared>> -> memref<10240x16xf32, #tpu.memory_space<vmem_shared>>
        tpu.enqueue_indirect_dma source(%arg9 : memref<2000x16xf32, #tpu.memory_space<vmem>>) target(%dma_start3A_21 : memref<10240x16xf32, #tpu.memory_space<vmem_shared>>) offsets(%arg8 : memref<2000xi32, #tpu.memory_space<vmem>>) semaphore(%run_scoped3A : memref<!tpu.dma_semaphore, #tpu.memory_space<semaphore_mem>>) {add = true}
        %dma_wait3A_22 = arith.constant 0 : i32
        %dma_wait3A_23 = arith.constant 0 : i32
        %dma_wait3A_24 = tpu.memref_slice %arg11[%dma_wait3A_22, %dma_wait3A_23] : memref<10240x16xf32, #tpu.memory_space<vmem_shared>> -> memref<10240x16xf32, #tpu.memory_space<vmem_shared>>
        tpu.wait_indirect_dma semaphore(%run_scoped3A : memref<!tpu.dma_semaphore, #tpu.memory_space<semaphore_mem>>) src(%arg9 : memref<2000x16xf32, #tpu.memory_space<vmem>>) dst(%dma_wait3A_24 : memref<10240x16xf32, #tpu.memory_space<vmem_shared>>)
        tpu.yield
      }) : () -> ()
    }
    %scan3A_9 = arith.constant 5 : i32
    %barrier3A_10 = arith.constant 0 : index
    tpu.barrier barrier_id(%barrier3A_10)
    "tpu.region"() ({
      %run_scoped3A = tpu.sem_alloc : memref<!tpu.dma_semaphore, #tpu.memory_space<semaphore_mem>>
      %dma_start3A = arith.constant 0 : i32
      %dma_start3A_11 = tpu.memref_slice %arg11[%mul3A_0, %dma_start3A] : memref<10240x16xf32, #tpu.memory_space<vmem_shared>> -> memref<640x16xf32, #tpu.memory_space<vmem_shared>>
      %dma_start3A_12 = arith.constant 0 : i32
      %dma_start3A_13 = tpu.memref_slice %arg11[%mul3A_0, %dma_start3A_12] : memref<10240x16xf32, #tpu.memory_space<vmem_shared>> -> memref<640x16xf32, #tpu.memory_space<vmem_shared>>
      tpu.enqueue_dma source(%dma_start3A_13 : memref<640x16xf32, #tpu.memory_space<vmem_shared>>) target(%arg10 : memref<640x16xf32, #tpu.memory_space<vmem>>) target_semaphore(%run_scoped3A : memref<!tpu.dma_semaphore, #tpu.memory_space<semaphore_mem>>)
      %dma_wait3A = arith.constant 0 : i32
      %dma_wait3A_14 = tpu.memref_slice %arg11[%mul3A_0, %dma_wait3A] : memref<10240x16xf32, #tpu.memory_space<vmem_shared>> -> memref<640x16xf32, #tpu.memory_space<vmem_shared>>
      %dma_wait3A_15 = arith.constant 0 : i32
      %dma_wait3A_16 = tpu.memref_slice %arg11[%mul3A_0, %dma_wait3A_15] : memref<10240x16xf32, #tpu.memory_space<vmem_shared>> -> memref<640x16xf32, #tpu.memory_space<vmem_shared>>
      tpu.wait_dma2 semaphore(%run_scoped3A : memref<!tpu.dma_semaphore, #tpu.memory_space<semaphore_mem>>) src(%dma_wait3A_16 : memref<640x16xf32, #tpu.memory_space<vmem_shared>>) dst(%arg10 : memref<640x16xf32, #tpu.memory_space<vmem>>)
      tpu.yield
    }) : () -> ()
    "tpu.region"() ({
      %run_scoped3A = tpu.sem_alloc : memref<!tpu.dma_semaphore, #tpu.memory_space<semaphore_mem>>
      %dma_start3A = arith.constant 0 : i32
      %dma_start3A_11 = tpu.memref_slice %arg6[%arg0, %mul3A_0, %dma_start3A] : memref<2x10240x16xf32, #tpu.memory_space<hbm>> -> memref<1x640x16xf32, #tpu.memory_space<hbm>>
      %dma_start3A_12 = tpu.memref_squeeze %dma_start3A_11 : memref<1x640x16xf32, #tpu.memory_space<hbm>> -> memref<640x16xf32, #tpu.memory_space<hbm>>
      %dma_start3A_13 = arith.constant 0 : i32
      %dma_start3A_14 = tpu.memref_slice %arg6[%arg0, %mul3A_0, %dma_start3A_13] : memref<2x10240x16xf32, #tpu.memory_space<hbm>> -> memref<1x640x16xf32, #tpu.memory_space<hbm>>
      %dma_start3A_15 = tpu.memref_squeeze %dma_start3A_14 : memref<1x640x16xf32, #tpu.memory_space<hbm>> -> memref<640x16xf32, #tpu.memory_space<hbm>>
      tpu.enqueue_dma source(%arg10 : memref<640x16xf32, #tpu.memory_space<vmem>>) target(%dma_start3A_15 : memref<640x16xf32, #tpu.memory_space<hbm>>) target_semaphore(%run_scoped3A : memref<!tpu.dma_semaphore, #tpu.memory_space<semaphore_mem>>)
      %dma_wait3A = arith.constant 0 : i32
      %dma_wait3A_16 = tpu.memref_slice %arg6[%arg0, %mul3A_0, %dma_wait3A] : memref<2x10240x16xf32, #tpu.memory_space<hbm>> -> memref<1x640x16xf32, #tpu.memory_space<hbm>>
      %dma_wait3A_17 = tpu.memref_squeeze %dma_wait3A_16 : memref<1x640x16xf32, #tpu.memory_space<hbm>> -> memref<640x16xf32, #tpu.memory_space<hbm>>
      %dma_wait3A_18 = arith.constant 0 : i32
      %dma_wait3A_19 = tpu.memref_slice %arg6[%arg0, %mul3A_0, %dma_wait3A_18] : memref<2x10240x16xf32, #tpu.memory_space<hbm>> -> memref<1x640x16xf32, #tpu.memory_space<hbm>>
      %dma_wait3A_20 = tpu.memref_squeeze %dma_wait3A_19 : memref<1x640x16xf32, #tpu.memory_space<hbm>> -> memref<640x16xf32, #tpu.memory_space<hbm>>
      tpu.wait_dma2 semaphore(%run_scoped3A : memref<!tpu.dma_semaphore, #tpu.memory_space<semaphore_mem>>) src(%arg10 : memref<640x16xf32, #tpu.memory_space<vmem>>) dst(%dma_wait3A_20 : memref<640x16xf32, #tpu.memory_space<hbm>>)
      tpu.yield
    }) : () -> ()
    return
  }
}

#map = affine_map<(d0, d1) -> (0, 0)>
#map1 = affine_map<(d0, d1) -> (0)>
#map2 = affine_map<(d0, d1) -> (0, 0, 0)>
module attributes {stable_mosaic.version = 14 : i64} {
  func.func @_sc2_body(%arg0: i32, %arg1: i32, %arg2: memref<10000x128xf32, #tpu.memory_space<hbm>>, %arg3: memref<320000xi32, #tpu.memory_space<hbm>>, %arg4: memref<320000xi32, #tpu.memory_space<hbm>>, %arg5: memref<10240x128xf32, #tpu.memory_space<hbm>>, %arg6: memref<2x10240x128xf32, #tpu.memory_space<hbm>>, %arg7: memref<200xi32, #tpu.memory_space<vmem>>, %arg8: memref<200xi32, #tpu.memory_space<vmem>>, %arg9: memref<200x128xf32, #tpu.memory_space<vmem>>, %arg10: memref<10240x128xf32, #tpu.memory_space<vmem_shared>>, %arg11: memref<!tpu.dma_semaphore, #tpu.memory_space<semaphore_mem>>) attributes {dimension_semantics = [#tpu.dimension_semantics<core_parallel>, #tpu.dimension_semantics<subcore_parallel>], iteration_bounds = array<i64: 2, 16>, scalar_prefetch = 0 : i64, scratch_operands = 5 : i64, tpu.core_type = #tpu.core_type<sc_vector_subcore>, window_params = [{transform_indices = #map}, {transform_indices = #map1}, {transform_indices = #map1}, {transform_indices = #map}, {transform_indices = #map2}]} {
    %mul3A = arith.constant 640 : i32
    %mul3A_0 = arith.muli %arg1, %mul3A : i32
    "tpu.region"() ({
      %run_scoped3A = tpu.sem_alloc : memref<!tpu.dma_semaphore, #tpu.memory_space<semaphore_mem>>
      %dma_start3A = arith.constant 0 : i32
      %dma_start3A_41 = arith.constant 0 : i32
      %dma_start3A_42 = tpu.memref_slice %arg9[%dma_start3A, %dma_start3A_41] : memref<200x128xf32, #tpu.memory_space<vmem>> -> memref<128x128xf32, #tpu.memory_space<vmem>>
      %dma_start3A_43 = arith.constant 0 : i32
      %dma_start3A_44 = arith.constant 0 : i32
      %dma_start3A_45 = tpu.memref_slice %arg5[%dma_start3A_43, %dma_start3A_44] : memref<10240x128xf32, #tpu.memory_space<hbm>> -> memref<128x128xf32, #tpu.memory_space<hbm>>
      %dma_start3A_46 = arith.constant 0 : i32
      %dma_start3A_47 = arith.constant 0 : i32
      %dma_start3A_48 = tpu.memref_slice %arg9[%dma_start3A_46, %dma_start3A_47] : memref<200x128xf32, #tpu.memory_space<vmem>> -> memref<128x128xf32, #tpu.memory_space<vmem>>
      %dma_start3A_49 = arith.constant 0 : i32
      %dma_start3A_50 = arith.constant 0 : i32
      %dma_start3A_51 = tpu.memref_slice %arg5[%dma_start3A_49, %dma_start3A_50] : memref<10240x128xf32, #tpu.memory_space<hbm>> -> memref<128x128xf32, #tpu.memory_space<hbm>>
      tpu.enqueue_dma source(%dma_start3A_51 : memref<128x128xf32, #tpu.memory_space<hbm>>) target(%dma_start3A_48 : memref<128x128xf32, #tpu.memory_space<vmem>>) target_semaphore(%run_scoped3A : memref<!tpu.dma_semaphore, #tpu.memory_space<semaphore_mem>>)
      %dma_wait3A = arith.constant 0 : i32
      %dma_wait3A_52 = arith.constant 0 : i32
      %dma_wait3A_53 = tpu.memref_slice %arg9[%dma_wait3A, %dma_wait3A_52] : memref<200x128xf32, #tpu.memory_space<vmem>> -> memref<128x128xf32, #tpu.memory_space<vmem>>
      %dma_wait3A_54 = arith.constant 0 : i32
      %dma_wait3A_55 = arith.constant 0 : i32
      %dma_wait3A_56 = tpu.memref_slice %arg5[%dma_wait3A_54, %dma_wait3A_55] : memref<10240x128xf32, #tpu.memory_space<hbm>> -> memref<128x128xf32, #tpu.memory_space<hbm>>
      %dma_wait3A_57 = arith.constant 0 : i32
      %dma_wait3A_58 = arith.constant 0 : i32
      %dma_wait3A_59 = tpu.memref_slice %arg9[%dma_wait3A_57, %dma_wait3A_58] : memref<200x128xf32, #tpu.memory_space<vmem>> -> memref<128x128xf32, #tpu.memory_space<vmem>>
      %dma_wait3A_60 = arith.constant 0 : i32
      %dma_wait3A_61 = arith.constant 0 : i32
      %dma_wait3A_62 = tpu.memref_slice %arg5[%dma_wait3A_60, %dma_wait3A_61] : memref<10240x128xf32, #tpu.memory_space<hbm>> -> memref<128x128xf32, #tpu.memory_space<hbm>>
      tpu.wait_dma2 semaphore(%run_scoped3A : memref<!tpu.dma_semaphore, #tpu.memory_space<semaphore_mem>>) src(%dma_wait3A_62 : memref<128x128xf32, #tpu.memory_space<hbm>>) dst(%dma_wait3A_59 : memref<128x128xf32, #tpu.memory_space<vmem>>)
      tpu.yield
    }) : () -> ()
    %add3A = arith.constant 0 : i32
    %add3A_1 = arith.addi %mul3A_0, %add3A : i32
    "tpu.region"() ({
      %run_scoped3A = tpu.sem_alloc : memref<!tpu.dma_semaphore, #tpu.memory_space<semaphore_mem>>
      %dma_start3A = arith.constant 0 : i32
      %dma_start3A_41 = arith.constant 0 : i32
      %dma_start3A_42 = tpu.memref_slice %arg9[%dma_start3A, %dma_start3A_41] : memref<200x128xf32, #tpu.memory_space<vmem>> -> memref<128x128xf32, #tpu.memory_space<vmem>>
      %dma_start3A_43 = arith.constant 0 : i32
      %dma_start3A_44 = tpu.memref_slice %arg10[%add3A_1, %dma_start3A_43] : memref<10240x128xf32, #tpu.memory_space<vmem_shared>> -> memref<128x128xf32, #tpu.memory_space<vmem_shared>>
      %dma_start3A_45 = arith.constant 0 : i32
      %dma_start3A_46 = tpu.memref_slice %arg10[%add3A_1, %dma_start3A_45] : memref<10240x128xf32, #tpu.memory_space<vmem_shared>> -> memref<128x128xf32, #tpu.memory_space<vmem_shared>>
      %dma_start3A_47 = arith.constant 0 : i32
      %dma_start3A_48 = arith.constant 0 : i32
      %dma_start3A_49 = tpu.memref_slice %arg9[%dma_start3A_47, %dma_start3A_48] : memref<200x128xf32, #tpu.memory_space<vmem>> -> memref<128x128xf32, #tpu.memory_space<vmem>>
      tpu.enqueue_dma source(%dma_start3A_49 : memref<128x128xf32, #tpu.memory_space<vmem>>) target(%dma_start3A_46 : memref<128x128xf32, #tpu.memory_space<vmem_shared>>) target_semaphore(%run_scoped3A : memref<!tpu.dma_semaphore, #tpu.memory_space<semaphore_mem>>)
      %dma_wait3A = arith.constant 0 : i32
      %dma_wait3A_50 = arith.constant 0 : i32
      %dma_wait3A_51 = tpu.memref_slice %arg9[%dma_wait3A, %dma_wait3A_50] : memref<200x128xf32, #tpu.memory_space<vmem>> -> memref<128x128xf32, #tpu.memory_space<vmem>>
      %dma_wait3A_52 = arith.constant 0 : i32
      %dma_wait3A_53 = tpu.memref_slice %arg10[%add3A_1, %dma_wait3A_52] : memref<10240x128xf32, #tpu.memory_space<vmem_shared>> -> memref<128x128xf32, #tpu.memory_space<vmem_shared>>
      %dma_wait3A_54 = arith.constant 0 : i32
      %dma_wait3A_55 = tpu.memref_slice %arg10[%add3A_1, %dma_wait3A_54] : memref<10240x128xf32, #tpu.memory_space<vmem_shared>> -> memref<128x128xf32, #tpu.memory_space<vmem_shared>>
      %dma_wait3A_56 = arith.constant 0 : i32
      %dma_wait3A_57 = arith.constant 0 : i32
      %dma_wait3A_58 = tpu.memref_slice %arg9[%dma_wait3A_56, %dma_wait3A_57] : memref<200x128xf32, #tpu.memory_space<vmem>> -> memref<128x128xf32, #tpu.memory_space<vmem>>
      tpu.wait_dma2 semaphore(%run_scoped3A : memref<!tpu.dma_semaphore, #tpu.memory_space<semaphore_mem>>) src(%dma_wait3A_58 : memref<128x128xf32, #tpu.memory_space<vmem>>) dst(%dma_wait3A_55 : memref<128x128xf32, #tpu.memory_space<vmem_shared>>)
      tpu.yield
    }) : () -> ()
    %add3A_2 = arith.constant 128 : i32
    %add3A_3 = arith.addi %mul3A_0, %add3A_2 : i32
    "tpu.region"() ({
      %run_scoped3A = tpu.sem_alloc : memref<!tpu.dma_semaphore, #tpu.memory_space<semaphore_mem>>
      %dma_start3A = arith.constant 0 : i32
      %dma_start3A_41 = arith.constant 0 : i32
      %dma_start3A_42 = tpu.memref_slice %arg9[%dma_start3A, %dma_start3A_41] : memref<200x128xf32, #tpu.memory_space<vmem>> -> memref<128x128xf32, #tpu.memory_space<vmem>>
      %dma_start3A_43 = arith.constant 0 : i32
      %dma_start3A_44 = tpu.memref_slice %arg10[%add3A_3, %dma_start3A_43] : memref<10240x128xf32, #tpu.memory_space<vmem_shared>> -> memref<128x128xf32, #tpu.memory_space<vmem_shared>>
      %dma_start3A_45 = arith.constant 0 : i32
      %dma_start3A_46 = tpu.memref_slice %arg10[%add3A_3, %dma_start3A_45] : memref<10240x128xf32, #tpu.memory_space<vmem_shared>> -> memref<128x128xf32, #tpu.memory_space<vmem_shared>>
      %dma_start3A_47 = arith.constant 0 : i32
      %dma_start3A_48 = arith.constant 0 : i32
      %dma_start3A_49 = tpu.memref_slice %arg9[%dma_start3A_47, %dma_start3A_48] : memref<200x128xf32, #tpu.memory_space<vmem>> -> memref<128x128xf32, #tpu.memory_space<vmem>>
      tpu.enqueue_dma source(%dma_start3A_49 : memref<128x128xf32, #tpu.memory_space<vmem>>) target(%dma_start3A_46 : memref<128x128xf32, #tpu.memory_space<vmem_shared>>) target_semaphore(%run_scoped3A : memref<!tpu.dma_semaphore, #tpu.memory_space<semaphore_mem>>)
      %dma_wait3A = arith.constant 0 : i32
      %dma_wait3A_50 = arith.constant 0 : i32
      %dma_wait3A_51 = tpu.memref_slice %arg9[%dma_wait3A, %dma_wait3A_50] : memref<200x128xf32, #tpu.memory_space<vmem>> -> memref<128x128xf32, #tpu.memory_space<vmem>>
      %dma_wait3A_52 = arith.constant 0 : i32
      %dma_wait3A_53 = tpu.memref_slice %arg10[%add3A_3, %dma_wait3A_52] : memref<10240x128xf32, #tpu.memory_space<vmem_shared>> -> memref<128x128xf32, #tpu.memory_space<vmem_shared>>
      %dma_wait3A_54 = arith.constant 0 : i32
      %dma_wait3A_55 = tpu.memref_slice %arg10[%add3A_3, %dma_wait3A_54] : memref<10240x128xf32, #tpu.memory_space<vmem_shared>> -> memref<128x128xf32, #tpu.memory_space<vmem_shared>>
      %dma_wait3A_56 = arith.constant 0 : i32
      %dma_wait3A_57 = arith.constant 0 : i32
      %dma_wait3A_58 = tpu.memref_slice %arg9[%dma_wait3A_56, %dma_wait3A_57] : memref<200x128xf32, #tpu.memory_space<vmem>> -> memref<128x128xf32, #tpu.memory_space<vmem>>
      tpu.wait_dma2 semaphore(%run_scoped3A : memref<!tpu.dma_semaphore, #tpu.memory_space<semaphore_mem>>) src(%dma_wait3A_58 : memref<128x128xf32, #tpu.memory_space<vmem>>) dst(%dma_wait3A_55 : memref<128x128xf32, #tpu.memory_space<vmem_shared>>)
      tpu.yield
    }) : () -> ()
    %add3A_4 = arith.constant 256 : i32
    %add3A_5 = arith.addi %mul3A_0, %add3A_4 : i32
    "tpu.region"() ({
      %run_scoped3A = tpu.sem_alloc : memref<!tpu.dma_semaphore, #tpu.memory_space<semaphore_mem>>
      %dma_start3A = arith.constant 0 : i32
      %dma_start3A_41 = arith.constant 0 : i32
      %dma_start3A_42 = tpu.memref_slice %arg9[%dma_start3A, %dma_start3A_41] : memref<200x128xf32, #tpu.memory_space<vmem>> -> memref<128x128xf32, #tpu.memory_space<vmem>>
      %dma_start3A_43 = arith.constant 0 : i32
      %dma_start3A_44 = tpu.memref_slice %arg10[%add3A_5, %dma_start3A_43] : memref<10240x128xf32, #tpu.memory_space<vmem_shared>> -> memref<128x128xf32, #tpu.memory_space<vmem_shared>>
      %dma_start3A_45 = arith.constant 0 : i32
      %dma_start3A_46 = tpu.memref_slice %arg10[%add3A_5, %dma_start3A_45] : memref<10240x128xf32, #tpu.memory_space<vmem_shared>> -> memref<128x128xf32, #tpu.memory_space<vmem_shared>>
      %dma_start3A_47 = arith.constant 0 : i32
      %dma_start3A_48 = arith.constant 0 : i32
      %dma_start3A_49 = tpu.memref_slice %arg9[%dma_start3A_47, %dma_start3A_48] : memref<200x128xf32, #tpu.memory_space<vmem>> -> memref<128x128xf32, #tpu.memory_space<vmem>>
      tpu.enqueue_dma source(%dma_start3A_49 : memref<128x128xf32, #tpu.memory_space<vmem>>) target(%dma_start3A_46 : memref<128x128xf32, #tpu.memory_space<vmem_shared>>) target_semaphore(%run_scoped3A : memref<!tpu.dma_semaphore, #tpu.memory_space<semaphore_mem>>)
      %dma_wait3A = arith.constant 0 : i32
      %dma_wait3A_50 = arith.constant 0 : i32
      %dma_wait3A_51 = tpu.memref_slice %arg9[%dma_wait3A, %dma_wait3A_50] : memref<200x128xf32, #tpu.memory_space<vmem>> -> memref<128x128xf32, #tpu.memory_space<vmem>>
      %dma_wait3A_52 = arith.constant 0 : i32
      %dma_wait3A_53 = tpu.memref_slice %arg10[%add3A_5, %dma_wait3A_52] : memref<10240x128xf32, #tpu.memory_space<vmem_shared>> -> memref<128x128xf32, #tpu.memory_space<vmem_shared>>
      %dma_wait3A_54 = arith.constant 0 : i32
      %dma_wait3A_55 = tpu.memref_slice %arg10[%add3A_5, %dma_wait3A_54] : memref<10240x128xf32, #tpu.memory_space<vmem_shared>> -> memref<128x128xf32, #tpu.memory_space<vmem_shared>>
      %dma_wait3A_56 = arith.constant 0 : i32
      %dma_wait3A_57 = arith.constant 0 : i32
      %dma_wait3A_58 = tpu.memref_slice %arg9[%dma_wait3A_56, %dma_wait3A_57] : memref<200x128xf32, #tpu.memory_space<vmem>> -> memref<128x128xf32, #tpu.memory_space<vmem>>
      tpu.wait_dma2 semaphore(%run_scoped3A : memref<!tpu.dma_semaphore, #tpu.memory_space<semaphore_mem>>) src(%dma_wait3A_58 : memref<128x128xf32, #tpu.memory_space<vmem>>) dst(%dma_wait3A_55 : memref<128x128xf32, #tpu.memory_space<vmem_shared>>)
      tpu.yield
    }) : () -> ()
    %add3A_6 = arith.constant 384 : i32
    %add3A_7 = arith.addi %mul3A_0, %add3A_6 : i32
    "tpu.region"() ({
      %run_scoped3A = tpu.sem_alloc : memref<!tpu.dma_semaphore, #tpu.memory_space<semaphore_mem>>
      %dma_start3A = arith.constant 0 : i32
      %dma_start3A_41 = arith.constant 0 : i32
      %dma_start3A_42 = tpu.memref_slice %arg9[%dma_start3A, %dma_start3A_41] : memref<200x128xf32, #tpu.memory_space<vmem>> -> memref<128x128xf32, #tpu.memory_space<vmem>>
      %dma_start3A_43 = arith.constant 0 : i32
      %dma_start3A_44 = tpu.memref_slice %arg10[%add3A_7, %dma_start3A_43] : memref<10240x128xf32, #tpu.memory_space<vmem_shared>> -> memref<128x128xf32, #tpu.memory_space<vmem_shared>>
      %dma_start3A_45 = arith.constant 0 : i32
      %dma_start3A_46 = tpu.memref_slice %arg10[%add3A_7, %dma_start3A_45] : memref<10240x128xf32, #tpu.memory_space<vmem_shared>> -> memref<128x128xf32, #tpu.memory_space<vmem_shared>>
      %dma_start3A_47 = arith.constant 0 : i32
      %dma_start3A_48 = arith.constant 0 : i32
      %dma_start3A_49 = tpu.memref_slice %arg9[%dma_start3A_47, %dma_start3A_48] : memref<200x128xf32, #tpu.memory_space<vmem>> -> memref<128x128xf32, #tpu.memory_space<vmem>>
      tpu.enqueue_dma source(%dma_start3A_49 : memref<128x128xf32, #tpu.memory_space<vmem>>) target(%dma_start3A_46 : memref<128x128xf32, #tpu.memory_space<vmem_shared>>) target_semaphore(%run_scoped3A : memref<!tpu.dma_semaphore, #tpu.memory_space<semaphore_mem>>)
      %dma_wait3A = arith.constant 0 : i32
      %dma_wait3A_50 = arith.constant 0 : i32
      %dma_wait3A_51 = tpu.memref_slice %arg9[%dma_wait3A, %dma_wait3A_50] : memref<200x128xf32, #tpu.memory_space<vmem>> -> memref<128x128xf32, #tpu.memory_space<vmem>>
      %dma_wait3A_52 = arith.constant 0 : i32
      %dma_wait3A_53 = tpu.memref_slice %arg10[%add3A_7, %dma_wait3A_52] : memref<10240x128xf32, #tpu.memory_space<vmem_shared>> -> memref<128x128xf32, #tpu.memory_space<vmem_shared>>
      %dma_wait3A_54 = arith.constant 0 : i32
      %dma_wait3A_55 = tpu.memref_slice %arg10[%add3A_7, %dma_wait3A_54] : memref<10240x128xf32, #tpu.memory_space<vmem_shared>> -> memref<128x128xf32, #tpu.memory_space<vmem_shared>>
      %dma_wait3A_56 = arith.constant 0 : i32
      %dma_wait3A_57 = arith.constant 0 : i32
      %dma_wait3A_58 = tpu.memref_slice %arg9[%dma_wait3A_56, %dma_wait3A_57] : memref<200x128xf32, #tpu.memory_space<vmem>> -> memref<128x128xf32, #tpu.memory_space<vmem>>
      tpu.wait_dma2 semaphore(%run_scoped3A : memref<!tpu.dma_semaphore, #tpu.memory_space<semaphore_mem>>) src(%dma_wait3A_58 : memref<128x128xf32, #tpu.memory_space<vmem>>) dst(%dma_wait3A_55 : memref<128x128xf32, #tpu.memory_space<vmem_shared>>)
      tpu.yield
    }) : () -> ()
    %add3A_8 = arith.constant 512 : i32
    %add3A_9 = arith.addi %mul3A_0, %add3A_8 : i32
    "tpu.region"() ({
      %run_scoped3A = tpu.sem_alloc : memref<!tpu.dma_semaphore, #tpu.memory_space<semaphore_mem>>
      %dma_start3A = arith.constant 0 : i32
      %dma_start3A_41 = arith.constant 0 : i32
      %dma_start3A_42 = tpu.memref_slice %arg9[%dma_start3A, %dma_start3A_41] : memref<200x128xf32, #tpu.memory_space<vmem>> -> memref<128x128xf32, #tpu.memory_space<vmem>>
      %dma_start3A_43 = arith.constant 0 : i32
      %dma_start3A_44 = tpu.memref_slice %arg10[%add3A_9, %dma_start3A_43] : memref<10240x128xf32, #tpu.memory_space<vmem_shared>> -> memref<128x128xf32, #tpu.memory_space<vmem_shared>>
      %dma_start3A_45 = arith.constant 0 : i32
      %dma_start3A_46 = tpu.memref_slice %arg10[%add3A_9, %dma_start3A_45] : memref<10240x128xf32, #tpu.memory_space<vmem_shared>> -> memref<128x128xf32, #tpu.memory_space<vmem_shared>>
      %dma_start3A_47 = arith.constant 0 : i32
      %dma_start3A_48 = arith.constant 0 : i32
      %dma_start3A_49 = tpu.memref_slice %arg9[%dma_start3A_47, %dma_start3A_48] : memref<200x128xf32, #tpu.memory_space<vmem>> -> memref<128x128xf32, #tpu.memory_space<vmem>>
      tpu.enqueue_dma source(%dma_start3A_49 : memref<128x128xf32, #tpu.memory_space<vmem>>) target(%dma_start3A_46 : memref<128x128xf32, #tpu.memory_space<vmem_shared>>) target_semaphore(%run_scoped3A : memref<!tpu.dma_semaphore, #tpu.memory_space<semaphore_mem>>)
      %dma_wait3A = arith.constant 0 : i32
      %dma_wait3A_50 = arith.constant 0 : i32
      %dma_wait3A_51 = tpu.memref_slice %arg9[%dma_wait3A, %dma_wait3A_50] : memref<200x128xf32, #tpu.memory_space<vmem>> -> memref<128x128xf32, #tpu.memory_space<vmem>>
      %dma_wait3A_52 = arith.constant 0 : i32
      %dma_wait3A_53 = tpu.memref_slice %arg10[%add3A_9, %dma_wait3A_52] : memref<10240x128xf32, #tpu.memory_space<vmem_shared>> -> memref<128x128xf32, #tpu.memory_space<vmem_shared>>
      %dma_wait3A_54 = arith.constant 0 : i32
      %dma_wait3A_55 = tpu.memref_slice %arg10[%add3A_9, %dma_wait3A_54] : memref<10240x128xf32, #tpu.memory_space<vmem_shared>> -> memref<128x128xf32, #tpu.memory_space<vmem_shared>>
      %dma_wait3A_56 = arith.constant 0 : i32
      %dma_wait3A_57 = arith.constant 0 : i32
      %dma_wait3A_58 = tpu.memref_slice %arg9[%dma_wait3A_56, %dma_wait3A_57] : memref<200x128xf32, #tpu.memory_space<vmem>> -> memref<128x128xf32, #tpu.memory_space<vmem>>
      tpu.wait_dma2 semaphore(%run_scoped3A : memref<!tpu.dma_semaphore, #tpu.memory_space<semaphore_mem>>) src(%dma_wait3A_58 : memref<128x128xf32, #tpu.memory_space<vmem>>) dst(%dma_wait3A_55 : memref<128x128xf32, #tpu.memory_space<vmem_shared>>)
      tpu.yield
    }) : () -> ()
    %barrier3A = arith.constant 0 : index
    tpu.barrier barrier_id(%barrier3A)
    %mul3A_10 = arith.constant 2 : i32
    %mul3A_11 = arith.muli %arg1, %mul3A_10 : i32
    %add3A_12 = arith.addi %mul3A_11, %arg0 : i32
    %mul3A_13 = arith.constant 10000 : i32
    %mul3A_14 = arith.muli %add3A_12, %mul3A_13 : i32
    %scan3A = arith.constant 0 : i32
    %scan3A_15 = arith.constant 0 : i32
    %scan3A_16 = arith.constant 50 : i32
    %scan3A_17 = arith.addi %scan3A_15, %scan3A_16 : i32
    %scan3A_18 = arith.constant 1 : i32
    scf.for %scan3A_41 = %scan3A_15 to %scan3A_17 step %scan3A_18  : i32 {
      %mul3A_42 = arith.constant 200 : i32
      %mul3A_43 = arith.muli %scan3A_41, %mul3A_42 : i32
      %add3A_44 = arith.addi %mul3A_14, %mul3A_43 : i32
      "tpu.region"() ({
        %run_scoped3A = tpu.sem_alloc : memref<!tpu.dma_semaphore, #tpu.memory_space<semaphore_mem>>
        %dma_start3A_49 = tpu.memref_slice %arg3[%add3A_44] : memref<320000xi32, #tpu.memory_space<hbm>> -> memref<200xi32, #tpu.memory_space<hbm>>
        %dma_start3A_50 = tpu.memref_slice %arg3[%add3A_44] : memref<320000xi32, #tpu.memory_space<hbm>> -> memref<200xi32, #tpu.memory_space<hbm>>
        tpu.enqueue_dma source(%dma_start3A_50 : memref<200xi32, #tpu.memory_space<hbm>>) target(%arg7 : memref<200xi32, #tpu.memory_space<vmem>>) target_semaphore(%run_scoped3A : memref<!tpu.dma_semaphore, #tpu.memory_space<semaphore_mem>>)
        %dma_wait3A_51 = tpu.memref_slice %arg3[%add3A_44] : memref<320000xi32, #tpu.memory_space<hbm>> -> memref<200xi32, #tpu.memory_space<hbm>>
        %dma_wait3A_52 = tpu.memref_slice %arg3[%add3A_44] : memref<320000xi32, #tpu.memory_space<hbm>> -> memref<200xi32, #tpu.memory_space<hbm>>
        tpu.wait_dma2 semaphore(%run_scoped3A : memref<!tpu.dma_semaphore, #tpu.memory_space<semaphore_mem>>) src(%dma_wait3A_52 : memref<200xi32, #tpu.memory_space<hbm>>) dst(%arg7 : memref<200xi32, #tpu.memory_space<vmem>>)
        tpu.yield
      }) : () -> ()
      "tpu.region"() ({
        %run_scoped3A = tpu.sem_alloc : memref<!tpu.dma_semaphore, #tpu.memory_space<semaphore_mem>>
        %dma_start3A_49 = tpu.memref_slice %arg4[%add3A_44] : memref<320000xi32, #tpu.memory_space<hbm>> -> memref<200xi32, #tpu.memory_space<hbm>>
        %dma_start3A_50 = tpu.memref_slice %arg4[%add3A_44] : memref<320000xi32, #tpu.memory_space<hbm>> -> memref<200xi32, #tpu.memory_space<hbm>>
        tpu.enqueue_dma source(%dma_start3A_50 : memref<200xi32, #tpu.memory_space<hbm>>) target(%arg8 : memref<200xi32, #tpu.memory_space<vmem>>) target_semaphore(%run_scoped3A : memref<!tpu.dma_semaphore, #tpu.memory_space<semaphore_mem>>)
        %dma_wait3A_51 = tpu.memref_slice %arg4[%add3A_44] : memref<320000xi32, #tpu.memory_space<hbm>> -> memref<200xi32, #tpu.memory_space<hbm>>
        %dma_wait3A_52 = tpu.memref_slice %arg4[%add3A_44] : memref<320000xi32, #tpu.memory_space<hbm>> -> memref<200xi32, #tpu.memory_space<hbm>>
        tpu.wait_dma2 semaphore(%run_scoped3A : memref<!tpu.dma_semaphore, #tpu.memory_space<semaphore_mem>>) src(%dma_wait3A_52 : memref<200xi32, #tpu.memory_space<hbm>>) dst(%arg8 : memref<200xi32, #tpu.memory_space<vmem>>)
        tpu.yield
      }) : () -> ()
      %dma_start3A = arith.constant 0 : i32
      %dma_start3A_45 = arith.constant 0 : i32
      %dma_start3A_46 = tpu.memref_slice %arg2[%dma_start3A, %dma_start3A_45] : memref<10000x128xf32, #tpu.memory_space<hbm>> -> memref<10000x128xf32, #tpu.memory_space<hbm>>
      tpu.enqueue_indirect_dma source(%dma_start3A_46 : memref<10000x128xf32, #tpu.memory_space<hbm>>) target(%arg9 : memref<200x128xf32, #tpu.memory_space<vmem>>) offsets(%arg7 : memref<200xi32, #tpu.memory_space<vmem>>) semaphore(%arg11 : memref<!tpu.dma_semaphore, #tpu.memory_space<semaphore_mem>>)
      %dma_wait3A = arith.constant 0 : i32
      %dma_wait3A_47 = arith.constant 0 : i32
      %dma_wait3A_48 = tpu.memref_slice %arg2[%dma_wait3A, %dma_wait3A_47] : memref<10000x128xf32, #tpu.memory_space<hbm>> -> memref<10000x128xf32, #tpu.memory_space<hbm>>
      tpu.wait_indirect_dma semaphore(%arg11 : memref<!tpu.dma_semaphore, #tpu.memory_space<semaphore_mem>>) src(%dma_wait3A_48 : memref<10000x128xf32, #tpu.memory_space<hbm>>) dst(%arg9 : memref<200x128xf32, #tpu.memory_space<vmem>>)
      "tpu.region"() ({
        %run_scoped3A = tpu.sem_alloc : memref<!tpu.dma_semaphore, #tpu.memory_space<semaphore_mem>>
        %dma_start3A_49 = arith.constant 0 : i32
        %dma_start3A_50 = arith.constant 0 : i32
        %dma_start3A_51 = tpu.memref_slice %arg10[%dma_start3A_49, %dma_start3A_50] : memref<10240x128xf32, #tpu.memory_space<vmem_shared>> -> memref<10240x128xf32, #tpu.memory_space<vmem_shared>>
        tpu.enqueue_indirect_dma source(%arg9 : memref<200x128xf32, #tpu.memory_space<vmem>>) target(%dma_start3A_51 : memref<10240x128xf32, #tpu.memory_space<vmem_shared>>) offsets(%arg8 : memref<200xi32, #tpu.memory_space<vmem>>) semaphore(%run_scoped3A : memref<!tpu.dma_semaphore, #tpu.memory_space<semaphore_mem>>) {add = true}
        %dma_wait3A_52 = arith.constant 0 : i32
        %dma_wait3A_53 = arith.constant 0 : i32
        %dma_wait3A_54 = tpu.memref_slice %arg10[%dma_wait3A_52, %dma_wait3A_53] : memref<10240x128xf32, #tpu.memory_space<vmem_shared>> -> memref<10240x128xf32, #tpu.memory_space<vmem_shared>>
        tpu.wait_indirect_dma semaphore(%run_scoped3A : memref<!tpu.dma_semaphore, #tpu.memory_space<semaphore_mem>>) src(%arg9 : memref<200x128xf32, #tpu.memory_space<vmem>>) dst(%dma_wait3A_54 : memref<10240x128xf32, #tpu.memory_space<vmem_shared>>)
        tpu.yield
      }) : () -> ()
    }
    %scan3A_19 = arith.constant 50 : i32
    %barrier3A_20 = arith.constant 0 : index
    tpu.barrier barrier_id(%barrier3A_20)
    %add3A_21 = arith.constant 0 : i32
    %add3A_22 = arith.addi %mul3A_0, %add3A_21 : i32
    "tpu.region"() ({
      %run_scoped3A = tpu.sem_alloc : memref<!tpu.dma_semaphore, #tpu.memory_space<semaphore_mem>>
      %dma_start3A = arith.constant 0 : i32
      %dma_start3A_41 = arith.constant 0 : i32
      %dma_start3A_42 = tpu.memref_slice %arg9[%dma_start3A, %dma_start3A_41] : memref<200x128xf32, #tpu.memory_space<vmem>> -> memref<128x128xf32, #tpu.memory_space<vmem>>
      %dma_start3A_43 = arith.constant 0 : i32
      %dma_start3A_44 = tpu.memref_slice %arg10[%add3A_22, %dma_start3A_43] : memref<10240x128xf32, #tpu.memory_space<vmem_shared>> -> memref<128x128xf32, #tpu.memory_space<vmem_shared>>
      %dma_start3A_45 = arith.constant 0 : i32
      %dma_start3A_46 = arith.constant 0 : i32
      %dma_start3A_47 = tpu.memref_slice %arg9[%dma_start3A_45, %dma_start3A_46] : memref<200x128xf32, #tpu.memory_space<vmem>> -> memref<128x128xf32, #tpu.memory_space<vmem>>
      %dma_start3A_48 = arith.constant 0 : i32
      %dma_start3A_49 = tpu.memref_slice %arg10[%add3A_22, %dma_start3A_48] : memref<10240x128xf32, #tpu.memory_space<vmem_shared>> -> memref<128x128xf32, #tpu.memory_space<vmem_shared>>
      tpu.enqueue_dma source(%dma_start3A_49 : memref<128x128xf32, #tpu.memory_space<vmem_shared>>) target(%dma_start3A_47 : memref<128x128xf32, #tpu.memory_space<vmem>>) target_semaphore(%run_scoped3A : memref<!tpu.dma_semaphore, #tpu.memory_space<semaphore_mem>>)
      %dma_wait3A = arith.constant 0 : i32
      %dma_wait3A_50 = arith.constant 0 : i32
      %dma_wait3A_51 = tpu.memref_slice %arg9[%dma_wait3A, %dma_wait3A_50] : memref<200x128xf32, #tpu.memory_space<vmem>> -> memref<128x128xf32, #tpu.memory_space<vmem>>
      %dma_wait3A_52 = arith.constant 0 : i32
      %dma_wait3A_53 = tpu.memref_slice %arg10[%add3A_22, %dma_wait3A_52] : memref<10240x128xf32, #tpu.memory_space<vmem_shared>> -> memref<128x128xf32, #tpu.memory_space<vmem_shared>>
      %dma_wait3A_54 = arith.constant 0 : i32
      %dma_wait3A_55 = arith.constant 0 : i32
      %dma_wait3A_56 = tpu.memref_slice %arg9[%dma_wait3A_54, %dma_wait3A_55] : memref<200x128xf32, #tpu.memory_space<vmem>> -> memref<128x128xf32, #tpu.memory_space<vmem>>
      %dma_wait3A_57 = arith.constant 0 : i32
      %dma_wait3A_58 = tpu.memref_slice %arg10[%add3A_22, %dma_wait3A_57] : memref<10240x128xf32, #tpu.memory_space<vmem_shared>> -> memref<128x128xf32, #tpu.memory_space<vmem_shared>>
      tpu.wait_dma2 semaphore(%run_scoped3A : memref<!tpu.dma_semaphore, #tpu.memory_space<semaphore_mem>>) src(%dma_wait3A_58 : memref<128x128xf32, #tpu.memory_space<vmem_shared>>) dst(%dma_wait3A_56 : memref<128x128xf32, #tpu.memory_space<vmem>>)
      tpu.yield
    }) : () -> ()
    %add3A_23 = arith.constant 0 : i32
    %add3A_24 = arith.addi %mul3A_0, %add3A_23 : i32
    "tpu.region"() ({
      %run_scoped3A = tpu.sem_alloc : memref<!tpu.dma_semaphore, #tpu.memory_space<semaphore_mem>>
      %dma_start3A = arith.constant 0 : i32
      %dma_start3A_41 = arith.constant 0 : i32
      %dma_start3A_42 = tpu.memref_slice %arg9[%dma_start3A, %dma_start3A_41] : memref<200x128xf32, #tpu.memory_space<vmem>> -> memref<128x128xf32, #tpu.memory_space<vmem>>
      %dma_start3A_43 = arith.constant 0 : i32
      %dma_start3A_44 = tpu.memref_slice %arg6[%arg0, %add3A_24, %dma_start3A_43] : memref<2x10240x128xf32, #tpu.memory_space<hbm>> -> memref<1x128x128xf32, #tpu.memory_space<hbm>>
      %dma_start3A_45 = tpu.memref_squeeze %dma_start3A_44 : memref<1x128x128xf32, #tpu.memory_space<hbm>> -> memref<128x128xf32, #tpu.memory_space<hbm>>
      %dma_start3A_46 = arith.constant 0 : i32
      %dma_start3A_47 = tpu.memref_slice %arg6[%arg0, %add3A_24, %dma_start3A_46] : memref<2x10240x128xf32, #tpu.memory_space<hbm>> -> memref<1x128x128xf32, #tpu.memory_space<hbm>>
      %dma_start3A_48 = tpu.memref_squeeze %dma_start3A_47 : memref<1x128x128xf32, #tpu.memory_space<hbm>> -> memref<128x128xf32, #tpu.memory_space<hbm>>
      %dma_start3A_49 = arith.constant 0 : i32
      %dma_start3A_50 = arith.constant 0 : i32
      %dma_start3A_51 = tpu.memref_slice %arg9[%dma_start3A_49, %dma_start3A_50] : memref<200x128xf32, #tpu.memory_space<vmem>> -> memref<128x128xf32, #tpu.memory_space<vmem>>
      tpu.enqueue_dma source(%dma_start3A_51 : memref<128x128xf32, #tpu.memory_space<vmem>>) target(%dma_start3A_48 : memref<128x128xf32, #tpu.memory_space<hbm>>) target_semaphore(%run_scoped3A : memref<!tpu.dma_semaphore, #tpu.memory_space<semaphore_mem>>)
      %dma_wait3A = arith.constant 0 : i32
      %dma_wait3A_52 = arith.constant 0 : i32
      %dma_wait3A_53 = tpu.memref_slice %arg9[%dma_wait3A, %dma_wait3A_52] : memref<200x128xf32, #tpu.memory_space<vmem>> -> memref<128x128xf32, #tpu.memory_space<vmem>>
      %dma_wait3A_54 = arith.constant 0 : i32
      %dma_wait3A_55 = tpu.memref_slice %arg6[%arg0, %add3A_24, %dma_wait3A_54] : memref<2x10240x128xf32, #tpu.memory_space<hbm>> -> memref<1x128x128xf32, #tpu.memory_space<hbm>>
      %dma_wait3A_56 = tpu.memref_squeeze %dma_wait3A_55 : memref<1x128x128xf32, #tpu.memory_space<hbm>> -> memref<128x128xf32, #tpu.memory_space<hbm>>
      %dma_wait3A_57 = arith.constant 0 : i32
      %dma_wait3A_58 = tpu.memref_slice %arg6[%arg0, %add3A_24, %dma_wait3A_57] : memref<2x10240x128xf32, #tpu.memory_space<hbm>> -> memref<1x128x128xf32, #tpu.memory_space<hbm>>
      %dma_wait3A_59 = tpu.memref_squeeze %dma_wait3A_58 : memref<1x128x128xf32, #tpu.memory_space<hbm>> -> memref<128x128xf32, #tpu.memory_space<hbm>>
      %dma_wait3A_60 = arith.constant 0 : i32
      %dma_wait3A_61 = arith.constant 0 : i32
      %dma_wait3A_62 = tpu.memref_slice %arg9[%dma_wait3A_60, %dma_wait3A_61] : memref<200x128xf32, #tpu.memory_space<vmem>> -> memref<128x128xf32, #tpu.memory_space<vmem>>
      tpu.wait_dma2 semaphore(%run_scoped3A : memref<!tpu.dma_semaphore, #tpu.memory_space<semaphore_mem>>) src(%dma_wait3A_62 : memref<128x128xf32, #tpu.memory_space<vmem>>) dst(%dma_wait3A_59 : memref<128x128xf32, #tpu.memory_space<hbm>>)
      tpu.yield
    }) : () -> ()
    %add3A_25 = arith.constant 128 : i32
    %add3A_26 = arith.addi %mul3A_0, %add3A_25 : i32
    "tpu.region"() ({
      %run_scoped3A = tpu.sem_alloc : memref<!tpu.dma_semaphore, #tpu.memory_space<semaphore_mem>>
      %dma_start3A = arith.constant 0 : i32
      %dma_start3A_41 = arith.constant 0 : i32
      %dma_start3A_42 = tpu.memref_slice %arg9[%dma_start3A, %dma_start3A_41] : memref<200x128xf32, #tpu.memory_space<vmem>> -> memref<128x128xf32, #tpu.memory_space<vmem>>
      %dma_start3A_43 = arith.constant 0 : i32
      %dma_start3A_44 = tpu.memref_slice %arg10[%add3A_26, %dma_start3A_43] : memref<10240x128xf32, #tpu.memory_space<vmem_shared>> -> memref<128x128xf32, #tpu.memory_space<vmem_shared>>
      %dma_start3A_45 = arith.constant 0 : i32
      %dma_start3A_46 = arith.constant 0 : i32
      %dma_start3A_47 = tpu.memref_slice %arg9[%dma_start3A_45, %dma_start3A_46] : memref<200x128xf32, #tpu.memory_space<vmem>> -> memref<128x128xf32, #tpu.memory_space<vmem>>
      %dma_start3A_48 = arith.constant 0 : i32
      %dma_start3A_49 = tpu.memref_slice %arg10[%add3A_26, %dma_start3A_48] : memref<10240x128xf32, #tpu.memory_space<vmem_shared>> -> memref<128x128xf32, #tpu.memory_space<vmem_shared>>
      tpu.enqueue_dma source(%dma_start3A_49 : memref<128x128xf32, #tpu.memory_space<vmem_shared>>) target(%dma_start3A_47 : memref<128x128xf32, #tpu.memory_space<vmem>>) target_semaphore(%run_scoped3A : memref<!tpu.dma_semaphore, #tpu.memory_space<semaphore_mem>>)
      %dma_wait3A = arith.constant 0 : i32
      %dma_wait3A_50 = arith.constant 0 : i32
      %dma_wait3A_51 = tpu.memref_slice %arg9[%dma_wait3A, %dma_wait3A_50] : memref<200x128xf32, #tpu.memory_space<vmem>> -> memref<128x128xf32, #tpu.memory_space<vmem>>
      %dma_wait3A_52 = arith.constant 0 : i32
      %dma_wait3A_53 = tpu.memref_slice %arg10[%add3A_26, %dma_wait3A_52] : memref<10240x128xf32, #tpu.memory_space<vmem_shared>> -> memref<128x128xf32, #tpu.memory_space<vmem_shared>>
      %dma_wait3A_54 = arith.constant 0 : i32
      %dma_wait3A_55 = arith.constant 0 : i32
      %dma_wait3A_56 = tpu.memref_slice %arg9[%dma_wait3A_54, %dma_wait3A_55] : memref<200x128xf32, #tpu.memory_space<vmem>> -> memref<128x128xf32, #tpu.memory_space<vmem>>
      %dma_wait3A_57 = arith.constant 0 : i32
      %dma_wait3A_58 = tpu.memref_slice %arg10[%add3A_26, %dma_wait3A_57] : memref<10240x128xf32, #tpu.memory_space<vmem_shared>> -> memref<128x128xf32, #tpu.memory_space<vmem_shared>>
      tpu.wait_dma2 semaphore(%run_scoped3A : memref<!tpu.dma_semaphore, #tpu.memory_space<semaphore_mem>>) src(%dma_wait3A_58 : memref<128x128xf32, #tpu.memory_space<vmem_shared>>) dst(%dma_wait3A_56 : memref<128x128xf32, #tpu.memory_space<vmem>>)
      tpu.yield
    }) : () -> ()
    %add3A_27 = arith.constant 128 : i32
    %add3A_28 = arith.addi %mul3A_0, %add3A_27 : i32
    "tpu.region"() ({
      %run_scoped3A = tpu.sem_alloc : memref<!tpu.dma_semaphore, #tpu.memory_space<semaphore_mem>>
      %dma_start3A = arith.constant 0 : i32
      %dma_start3A_41 = arith.constant 0 : i32
      %dma_start3A_42 = tpu.memref_slice %arg9[%dma_start3A, %dma_start3A_41] : memref<200x128xf32, #tpu.memory_space<vmem>> -> memref<128x128xf32, #tpu.memory_space<vmem>>
      %dma_start3A_43 = arith.constant 0 : i32
      %dma_start3A_44 = tpu.memref_slice %arg6[%arg0, %add3A_28, %dma_start3A_43] : memref<2x10240x128xf32, #tpu.memory_space<hbm>> -> memref<1x128x128xf32, #tpu.memory_space<hbm>>
      %dma_start3A_45 = tpu.memref_squeeze %dma_start3A_44 : memref<1x128x128xf32, #tpu.memory_space<hbm>> -> memref<128x128xf32, #tpu.memory_space<hbm>>
      %dma_start3A_46 = arith.constant 0 : i32
      %dma_start3A_47 = tpu.memref_slice %arg6[%arg0, %add3A_28, %dma_start3A_46] : memref<2x10240x128xf32, #tpu.memory_space<hbm>> -> memref<1x128x128xf32, #tpu.memory_space<hbm>>
      %dma_start3A_48 = tpu.memref_squeeze %dma_start3A_47 : memref<1x128x128xf32, #tpu.memory_space<hbm>> -> memref<128x128xf32, #tpu.memory_space<hbm>>
      %dma_start3A_49 = arith.constant 0 : i32
      %dma_start3A_50 = arith.constant 0 : i32
      %dma_start3A_51 = tpu.memref_slice %arg9[%dma_start3A_49, %dma_start3A_50] : memref<200x128xf32, #tpu.memory_space<vmem>> -> memref<128x128xf32, #tpu.memory_space<vmem>>
      tpu.enqueue_dma source(%dma_start3A_51 : memref<128x128xf32, #tpu.memory_space<vmem>>) target(%dma_start3A_48 : memref<128x128xf32, #tpu.memory_space<hbm>>) target_semaphore(%run_scoped3A : memref<!tpu.dma_semaphore, #tpu.memory_space<semaphore_mem>>)
      %dma_wait3A = arith.constant 0 : i32
      %dma_wait3A_52 = arith.constant 0 : i32
      %dma_wait3A_53 = tpu.memref_slice %arg9[%dma_wait3A, %dma_wait3A_52] : memref<200x128xf32, #tpu.memory_space<vmem>> -> memref<128x128xf32, #tpu.memory_space<vmem>>
      %dma_wait3A_54 = arith.constant 0 : i32
      %dma_wait3A_55 = tpu.memref_slice %arg6[%arg0, %add3A_28, %dma_wait3A_54] : memref<2x10240x128xf32, #tpu.memory_space<hbm>> -> memref<1x128x128xf32, #tpu.memory_space<hbm>>
      %dma_wait3A_56 = tpu.memref_squeeze %dma_wait3A_55 : memref<1x128x128xf32, #tpu.memory_space<hbm>> -> memref<128x128xf32, #tpu.memory_space<hbm>>
      %dma_wait3A_57 = arith.constant 0 : i32
      %dma_wait3A_58 = tpu.memref_slice %arg6[%arg0, %add3A_28, %dma_wait3A_57] : memref<2x10240x128xf32, #tpu.memory_space<hbm>> -> memref<1x128x128xf32, #tpu.memory_space<hbm>>
      %dma_wait3A_59 = tpu.memref_squeeze %dma_wait3A_58 : memref<1x128x128xf32, #tpu.memory_space<hbm>> -> memref<128x128xf32, #tpu.memory_space<hbm>>
      %dma_wait3A_60 = arith.constant 0 : i32
      %dma_wait3A_61 = arith.constant 0 : i32
      %dma_wait3A_62 = tpu.memref_slice %arg9[%dma_wait3A_60, %dma_wait3A_61] : memref<200x128xf32, #tpu.memory_space<vmem>> -> memref<128x128xf32, #tpu.memory_space<vmem>>
      tpu.wait_dma2 semaphore(%run_scoped3A : memref<!tpu.dma_semaphore, #tpu.memory_space<semaphore_mem>>) src(%dma_wait3A_62 : memref<128x128xf32, #tpu.memory_space<vmem>>) dst(%dma_wait3A_59 : memref<128x128xf32, #tpu.memory_space<hbm>>)
      tpu.yield
    }) : () -> ()
    %add3A_29 = arith.constant 256 : i32
    %add3A_30 = arith.addi %mul3A_0, %add3A_29 : i32
    "tpu.region"() ({
      %run_scoped3A = tpu.sem_alloc : memref<!tpu.dma_semaphore, #tpu.memory_space<semaphore_mem>>
      %dma_start3A = arith.constant 0 : i32
      %dma_start3A_41 = arith.constant 0 : i32
      %dma_start3A_42 = tpu.memref_slice %arg9[%dma_start3A, %dma_start3A_41] : memref<200x128xf32, #tpu.memory_space<vmem>> -> memref<128x128xf32, #tpu.memory_space<vmem>>
      %dma_start3A_43 = arith.constant 0 : i32
      %dma_start3A_44 = tpu.memref_slice %arg10[%add3A_30, %dma_start3A_43] : memref<10240x128xf32, #tpu.memory_space<vmem_shared>> -> memref<128x128xf32, #tpu.memory_space<vmem_shared>>
      %dma_start3A_45 = arith.constant 0 : i32
      %dma_start3A_46 = arith.constant 0 : i32
      %dma_start3A_47 = tpu.memref_slice %arg9[%dma_start3A_45, %dma_start3A_46] : memref<200x128xf32, #tpu.memory_space<vmem>> -> memref<128x128xf32, #tpu.memory_space<vmem>>
      %dma_start3A_48 = arith.constant 0 : i32
      %dma_start3A_49 = tpu.memref_slice %arg10[%add3A_30, %dma_start3A_48] : memref<10240x128xf32, #tpu.memory_space<vmem_shared>> -> memref<128x128xf32, #tpu.memory_space<vmem_shared>>
      tpu.enqueue_dma source(%dma_start3A_49 : memref<128x128xf32, #tpu.memory_space<vmem_shared>>) target(%dma_start3A_47 : memref<128x128xf32, #tpu.memory_space<vmem>>) target_semaphore(%run_scoped3A : memref<!tpu.dma_semaphore, #tpu.memory_space<semaphore_mem>>)
      %dma_wait3A = arith.constant 0 : i32
      %dma_wait3A_50 = arith.constant 0 : i32
      %dma_wait3A_51 = tpu.memref_slice %arg9[%dma_wait3A, %dma_wait3A_50] : memref<200x128xf32, #tpu.memory_space<vmem>> -> memref<128x128xf32, #tpu.memory_space<vmem>>
      %dma_wait3A_52 = arith.constant 0 : i32
      %dma_wait3A_53 = tpu.memref_slice %arg10[%add3A_30, %dma_wait3A_52] : memref<10240x128xf32, #tpu.memory_space<vmem_shared>> -> memref<128x128xf32, #tpu.memory_space<vmem_shared>>
      %dma_wait3A_54 = arith.constant 0 : i32
      %dma_wait3A_55 = arith.constant 0 : i32
      %dma_wait3A_56 = tpu.memref_slice %arg9[%dma_wait3A_54, %dma_wait3A_55] : memref<200x128xf32, #tpu.memory_space<vmem>> -> memref<128x128xf32, #tpu.memory_space<vmem>>
      %dma_wait3A_57 = arith.constant 0 : i32
      %dma_wait3A_58 = tpu.memref_slice %arg10[%add3A_30, %dma_wait3A_57] : memref<10240x128xf32, #tpu.memory_space<vmem_shared>> -> memref<128x128xf32, #tpu.memory_space<vmem_shared>>
      tpu.wait_dma2 semaphore(%run_scoped3A : memref<!tpu.dma_semaphore, #tpu.memory_space<semaphore_mem>>) src(%dma_wait3A_58 : memref<128x128xf32, #tpu.memory_space<vmem_shared>>) dst(%dma_wait3A_56 : memref<128x128xf32, #tpu.memory_space<vmem>>)
      tpu.yield
    }) : () -> ()
    %add3A_31 = arith.constant 256 : i32
    %add3A_32 = arith.addi %mul3A_0, %add3A_31 : i32
    "tpu.region"() ({
      %run_scoped3A = tpu.sem_alloc : memref<!tpu.dma_semaphore, #tpu.memory_space<semaphore_mem>>
      %dma_start3A = arith.constant 0 : i32
      %dma_start3A_41 = arith.constant 0 : i32
      %dma_start3A_42 = tpu.memref_slice %arg9[%dma_start3A, %dma_start3A_41] : memref<200x128xf32, #tpu.memory_space<vmem>> -> memref<128x128xf32, #tpu.memory_space<vmem>>
      %dma_start3A_43 = arith.constant 0 : i32
      %dma_start3A_44 = tpu.memref_slice %arg6[%arg0, %add3A_32, %dma_start3A_43] : memref<2x10240x128xf32, #tpu.memory_space<hbm>> -> memref<1x128x128xf32, #tpu.memory_space<hbm>>
      %dma_start3A_45 = tpu.memref_squeeze %dma_start3A_44 : memref<1x128x128xf32, #tpu.memory_space<hbm>> -> memref<128x128xf32, #tpu.memory_space<hbm>>
      %dma_start3A_46 = arith.constant 0 : i32
      %dma_start3A_47 = tpu.memref_slice %arg6[%arg0, %add3A_32, %dma_start3A_46] : memref<2x10240x128xf32, #tpu.memory_space<hbm>> -> memref<1x128x128xf32, #tpu.memory_space<hbm>>
      %dma_start3A_48 = tpu.memref_squeeze %dma_start3A_47 : memref<1x128x128xf32, #tpu.memory_space<hbm>> -> memref<128x128xf32, #tpu.memory_space<hbm>>
      %dma_start3A_49 = arith.constant 0 : i32
      %dma_start3A_50 = arith.constant 0 : i32
      %dma_start3A_51 = tpu.memref_slice %arg9[%dma_start3A_49, %dma_start3A_50] : memref<200x128xf32, #tpu.memory_space<vmem>> -> memref<128x128xf32, #tpu.memory_space<vmem>>
      tpu.enqueue_dma source(%dma_start3A_51 : memref<128x128xf32, #tpu.memory_space<vmem>>) target(%dma_start3A_48 : memref<128x128xf32, #tpu.memory_space<hbm>>) target_semaphore(%run_scoped3A : memref<!tpu.dma_semaphore, #tpu.memory_space<semaphore_mem>>)
      %dma_wait3A = arith.constant 0 : i32
      %dma_wait3A_52 = arith.constant 0 : i32
      %dma_wait3A_53 = tpu.memref_slice %arg9[%dma_wait3A, %dma_wait3A_52] : memref<200x128xf32, #tpu.memory_space<vmem>> -> memref<128x128xf32, #tpu.memory_space<vmem>>
      %dma_wait3A_54 = arith.constant 0 : i32
      %dma_wait3A_55 = tpu.memref_slice %arg6[%arg0, %add3A_32, %dma_wait3A_54] : memref<2x10240x128xf32, #tpu.memory_space<hbm>> -> memref<1x128x128xf32, #tpu.memory_space<hbm>>
      %dma_wait3A_56 = tpu.memref_squeeze %dma_wait3A_55 : memref<1x128x128xf32, #tpu.memory_space<hbm>> -> memref<128x128xf32, #tpu.memory_space<hbm>>
      %dma_wait3A_57 = arith.constant 0 : i32
      %dma_wait3A_58 = tpu.memref_slice %arg6[%arg0, %add3A_32, %dma_wait3A_57] : memref<2x10240x128xf32, #tpu.memory_space<hbm>> -> memref<1x128x128xf32, #tpu.memory_space<hbm>>
      %dma_wait3A_59 = tpu.memref_squeeze %dma_wait3A_58 : memref<1x128x128xf32, #tpu.memory_space<hbm>> -> memref<128x128xf32, #tpu.memory_space<hbm>>
      %dma_wait3A_60 = arith.constant 0 : i32
      %dma_wait3A_61 = arith.constant 0 : i32
      %dma_wait3A_62 = tpu.memref_slice %arg9[%dma_wait3A_60, %dma_wait3A_61] : memref<200x128xf32, #tpu.memory_space<vmem>> -> memref<128x128xf32, #tpu.memory_space<vmem>>
      tpu.wait_dma2 semaphore(%run_scoped3A : memref<!tpu.dma_semaphore, #tpu.memory_space<semaphore_mem>>) src(%dma_wait3A_62 : memref<128x128xf32, #tpu.memory_space<vmem>>) dst(%dma_wait3A_59 : memref<128x128xf32, #tpu.memory_space<hbm>>)
      tpu.yield
    }) : () -> ()
    %add3A_33 = arith.constant 384 : i32
    %add3A_34 = arith.addi %mul3A_0, %add3A_33 : i32
    "tpu.region"() ({
      %run_scoped3A = tpu.sem_alloc : memref<!tpu.dma_semaphore, #tpu.memory_space<semaphore_mem>>
      %dma_start3A = arith.constant 0 : i32
      %dma_start3A_41 = arith.constant 0 : i32
      %dma_start3A_42 = tpu.memref_slice %arg9[%dma_start3A, %dma_start3A_41] : memref<200x128xf32, #tpu.memory_space<vmem>> -> memref<128x128xf32, #tpu.memory_space<vmem>>
      %dma_start3A_43 = arith.constant 0 : i32
      %dma_start3A_44 = tpu.memref_slice %arg10[%add3A_34, %dma_start3A_43] : memref<10240x128xf32, #tpu.memory_space<vmem_shared>> -> memref<128x128xf32, #tpu.memory_space<vmem_shared>>
      %dma_start3A_45 = arith.constant 0 : i32
      %dma_start3A_46 = arith.constant 0 : i32
      %dma_start3A_47 = tpu.memref_slice %arg9[%dma_start3A_45, %dma_start3A_46] : memref<200x128xf32, #tpu.memory_space<vmem>> -> memref<128x128xf32, #tpu.memory_space<vmem>>
      %dma_start3A_48 = arith.constant 0 : i32
      %dma_start3A_49 = tpu.memref_slice %arg10[%add3A_34, %dma_start3A_48] : memref<10240x128xf32, #tpu.memory_space<vmem_shared>> -> memref<128x128xf32, #tpu.memory_space<vmem_shared>>
      tpu.enqueue_dma source(%dma_start3A_49 : memref<128x128xf32, #tpu.memory_space<vmem_shared>>) target(%dma_start3A_47 : memref<128x128xf32, #tpu.memory_space<vmem>>) target_semaphore(%run_scoped3A : memref<!tpu.dma_semaphore, #tpu.memory_space<semaphore_mem>>)
      %dma_wait3A = arith.constant 0 : i32
      %dma_wait3A_50 = arith.constant 0 : i32
      %dma_wait3A_51 = tpu.memref_slice %arg9[%dma_wait3A, %dma_wait3A_50] : memref<200x128xf32, #tpu.memory_space<vmem>> -> memref<128x128xf32, #tpu.memory_space<vmem>>
      %dma_wait3A_52 = arith.constant 0 : i32
      %dma_wait3A_53 = tpu.memref_slice %arg10[%add3A_34, %dma_wait3A_52] : memref<10240x128xf32, #tpu.memory_space<vmem_shared>> -> memref<128x128xf32, #tpu.memory_space<vmem_shared>>
      %dma_wait3A_54 = arith.constant 0 : i32
      %dma_wait3A_55 = arith.constant 0 : i32
      %dma_wait3A_56 = tpu.memref_slice %arg9[%dma_wait3A_54, %dma_wait3A_55] : memref<200x128xf32, #tpu.memory_space<vmem>> -> memref<128x128xf32, #tpu.memory_space<vmem>>
      %dma_wait3A_57 = arith.constant 0 : i32
      %dma_wait3A_58 = tpu.memref_slice %arg10[%add3A_34, %dma_wait3A_57] : memref<10240x128xf32, #tpu.memory_space<vmem_shared>> -> memref<128x128xf32, #tpu.memory_space<vmem_shared>>
      tpu.wait_dma2 semaphore(%run_scoped3A : memref<!tpu.dma_semaphore, #tpu.memory_space<semaphore_mem>>) src(%dma_wait3A_58 : memref<128x128xf32, #tpu.memory_space<vmem_shared>>) dst(%dma_wait3A_56 : memref<128x128xf32, #tpu.memory_space<vmem>>)
      tpu.yield
    }) : () -> ()
    %add3A_35 = arith.constant 384 : i32
    %add3A_36 = arith.addi %mul3A_0, %add3A_35 : i32
    "tpu.region"() ({
      %run_scoped3A = tpu.sem_alloc : memref<!tpu.dma_semaphore, #tpu.memory_space<semaphore_mem>>
      %dma_start3A = arith.constant 0 : i32
      %dma_start3A_41 = arith.constant 0 : i32
      %dma_start3A_42 = tpu.memref_slice %arg9[%dma_start3A, %dma_start3A_41] : memref<200x128xf32, #tpu.memory_space<vmem>> -> memref<128x128xf32, #tpu.memory_space<vmem>>
      %dma_start3A_43 = arith.constant 0 : i32
      %dma_start3A_44 = tpu.memref_slice %arg6[%arg0, %add3A_36, %dma_start3A_43] : memref<2x10240x128xf32, #tpu.memory_space<hbm>> -> memref<1x128x128xf32, #tpu.memory_space<hbm>>
      %dma_start3A_45 = tpu.memref_squeeze %dma_start3A_44 : memref<1x128x128xf32, #tpu.memory_space<hbm>> -> memref<128x128xf32, #tpu.memory_space<hbm>>
      %dma_start3A_46 = arith.constant 0 : i32
      %dma_start3A_47 = tpu.memref_slice %arg6[%arg0, %add3A_36, %dma_start3A_46] : memref<2x10240x128xf32, #tpu.memory_space<hbm>> -> memref<1x128x128xf32, #tpu.memory_space<hbm>>
      %dma_start3A_48 = tpu.memref_squeeze %dma_start3A_47 : memref<1x128x128xf32, #tpu.memory_space<hbm>> -> memref<128x128xf32, #tpu.memory_space<hbm>>
      %dma_start3A_49 = arith.constant 0 : i32
      %dma_start3A_50 = arith.constant 0 : i32
      %dma_start3A_51 = tpu.memref_slice %arg9[%dma_start3A_49, %dma_start3A_50] : memref<200x128xf32, #tpu.memory_space<vmem>> -> memref<128x128xf32, #tpu.memory_space<vmem>>
      tpu.enqueue_dma source(%dma_start3A_51 : memref<128x128xf32, #tpu.memory_space<vmem>>) target(%dma_start3A_48 : memref<128x128xf32, #tpu.memory_space<hbm>>) target_semaphore(%run_scoped3A : memref<!tpu.dma_semaphore, #tpu.memory_space<semaphore_mem>>)
      %dma_wait3A = arith.constant 0 : i32
      %dma_wait3A_52 = arith.constant 0 : i32
      %dma_wait3A_53 = tpu.memref_slice %arg9[%dma_wait3A, %dma_wait3A_52] : memref<200x128xf32, #tpu.memory_space<vmem>> -> memref<128x128xf32, #tpu.memory_space<vmem>>
      %dma_wait3A_54 = arith.constant 0 : i32
      %dma_wait3A_55 = tpu.memref_slice %arg6[%arg0, %add3A_36, %dma_wait3A_54] : memref<2x10240x128xf32, #tpu.memory_space<hbm>> -> memref<1x128x128xf32, #tpu.memory_space<hbm>>
      %dma_wait3A_56 = tpu.memref_squeeze %dma_wait3A_55 : memref<1x128x128xf32, #tpu.memory_space<hbm>> -> memref<128x128xf32, #tpu.memory_space<hbm>>
      %dma_wait3A_57 = arith.constant 0 : i32
      %dma_wait3A_58 = tpu.memref_slice %arg6[%arg0, %add3A_36, %dma_wait3A_57] : memref<2x10240x128xf32, #tpu.memory_space<hbm>> -> memref<1x128x128xf32, #tpu.memory_space<hbm>>
      %dma_wait3A_59 = tpu.memref_squeeze %dma_wait3A_58 : memref<1x128x128xf32, #tpu.memory_space<hbm>> -> memref<128x128xf32, #tpu.memory_space<hbm>>
      %dma_wait3A_60 = arith.constant 0 : i32
      %dma_wait3A_61 = arith.constant 0 : i32
      %dma_wait3A_62 = tpu.memref_slice %arg9[%dma_wait3A_60, %dma_wait3A_61] : memref<200x128xf32, #tpu.memory_space<vmem>> -> memref<128x128xf32, #tpu.memory_space<vmem>>
      tpu.wait_dma2 semaphore(%run_scoped3A : memref<!tpu.dma_semaphore, #tpu.memory_space<semaphore_mem>>) src(%dma_wait3A_62 : memref<128x128xf32, #tpu.memory_space<vmem>>) dst(%dma_wait3A_59 : memref<128x128xf32, #tpu.memory_space<hbm>>)
      tpu.yield
    }) : () -> ()
    %add3A_37 = arith.constant 512 : i32
    %add3A_38 = arith.addi %mul3A_0, %add3A_37 : i32
    "tpu.region"() ({
      %run_scoped3A = tpu.sem_alloc : memref<!tpu.dma_semaphore, #tpu.memory_space<semaphore_mem>>
      %dma_start3A = arith.constant 0 : i32
      %dma_start3A_41 = arith.constant 0 : i32
      %dma_start3A_42 = tpu.memref_slice %arg9[%dma_start3A, %dma_start3A_41] : memref<200x128xf32, #tpu.memory_space<vmem>> -> memref<128x128xf32, #tpu.memory_space<vmem>>
      %dma_start3A_43 = arith.constant 0 : i32
      %dma_start3A_44 = tpu.memref_slice %arg10[%add3A_38, %dma_start3A_43] : memref<10240x128xf32, #tpu.memory_space<vmem_shared>> -> memref<128x128xf32, #tpu.memory_space<vmem_shared>>
      %dma_start3A_45 = arith.constant 0 : i32
      %dma_start3A_46 = arith.constant 0 : i32
      %dma_start3A_47 = tpu.memref_slice %arg9[%dma_start3A_45, %dma_start3A_46] : memref<200x128xf32, #tpu.memory_space<vmem>> -> memref<128x128xf32, #tpu.memory_space<vmem>>
      %dma_start3A_48 = arith.constant 0 : i32
      %dma_start3A_49 = tpu.memref_slice %arg10[%add3A_38, %dma_start3A_48] : memref<10240x128xf32, #tpu.memory_space<vmem_shared>> -> memref<128x128xf32, #tpu.memory_space<vmem_shared>>
      tpu.enqueue_dma source(%dma_start3A_49 : memref<128x128xf32, #tpu.memory_space<vmem_shared>>) target(%dma_start3A_47 : memref<128x128xf32, #tpu.memory_space<vmem>>) target_semaphore(%run_scoped3A : memref<!tpu.dma_semaphore, #tpu.memory_space<semaphore_mem>>)
      %dma_wait3A = arith.constant 0 : i32
      %dma_wait3A_50 = arith.constant 0 : i32
      %dma_wait3A_51 = tpu.memref_slice %arg9[%dma_wait3A, %dma_wait3A_50] : memref<200x128xf32, #tpu.memory_space<vmem>> -> memref<128x128xf32, #tpu.memory_space<vmem>>
      %dma_wait3A_52 = arith.constant 0 : i32
      %dma_wait3A_53 = tpu.memref_slice %arg10[%add3A_38, %dma_wait3A_52] : memref<10240x128xf32, #tpu.memory_space<vmem_shared>> -> memref<128x128xf32, #tpu.memory_space<vmem_shared>>
      %dma_wait3A_54 = arith.constant 0 : i32
      %dma_wait3A_55 = arith.constant 0 : i32
      %dma_wait3A_56 = tpu.memref_slice %arg9[%dma_wait3A_54, %dma_wait3A_55] : memref<200x128xf32, #tpu.memory_space<vmem>> -> memref<128x128xf32, #tpu.memory_space<vmem>>
      %dma_wait3A_57 = arith.constant 0 : i32
      %dma_wait3A_58 = tpu.memref_slice %arg10[%add3A_38, %dma_wait3A_57] : memref<10240x128xf32, #tpu.memory_space<vmem_shared>> -> memref<128x128xf32, #tpu.memory_space<vmem_shared>>
      tpu.wait_dma2 semaphore(%run_scoped3A : memref<!tpu.dma_semaphore, #tpu.memory_space<semaphore_mem>>) src(%dma_wait3A_58 : memref<128x128xf32, #tpu.memory_space<vmem_shared>>) dst(%dma_wait3A_56 : memref<128x128xf32, #tpu.memory_space<vmem>>)
      tpu.yield
    }) : () -> ()
    %add3A_39 = arith.constant 512 : i32
    %add3A_40 = arith.addi %mul3A_0, %add3A_39 : i32
    "tpu.region"() ({
      %run_scoped3A = tpu.sem_alloc : memref<!tpu.dma_semaphore, #tpu.memory_space<semaphore_mem>>
      %dma_start3A = arith.constant 0 : i32
      %dma_start3A_41 = arith.constant 0 : i32
      %dma_start3A_42 = tpu.memref_slice %arg9[%dma_start3A, %dma_start3A_41] : memref<200x128xf32, #tpu.memory_space<vmem>> -> memref<128x128xf32, #tpu.memory_space<vmem>>
      %dma_start3A_43 = arith.constant 0 : i32
      %dma_start3A_44 = tpu.memref_slice %arg6[%arg0, %add3A_40, %dma_start3A_43] : memref<2x10240x128xf32, #tpu.memory_space<hbm>> -> memref<1x128x128xf32, #tpu.memory_space<hbm>>
      %dma_start3A_45 = tpu.memref_squeeze %dma_start3A_44 : memref<1x128x128xf32, #tpu.memory_space<hbm>> -> memref<128x128xf32, #tpu.memory_space<hbm>>
      %dma_start3A_46 = arith.constant 0 : i32
      %dma_start3A_47 = tpu.memref_slice %arg6[%arg0, %add3A_40, %dma_start3A_46] : memref<2x10240x128xf32, #tpu.memory_space<hbm>> -> memref<1x128x128xf32, #tpu.memory_space<hbm>>
      %dma_start3A_48 = tpu.memref_squeeze %dma_start3A_47 : memref<1x128x128xf32, #tpu.memory_space<hbm>> -> memref<128x128xf32, #tpu.memory_space<hbm>>
      %dma_start3A_49 = arith.constant 0 : i32
      %dma_start3A_50 = arith.constant 0 : i32
      %dma_start3A_51 = tpu.memref_slice %arg9[%dma_start3A_49, %dma_start3A_50] : memref<200x128xf32, #tpu.memory_space<vmem>> -> memref<128x128xf32, #tpu.memory_space<vmem>>
      tpu.enqueue_dma source(%dma_start3A_51 : memref<128x128xf32, #tpu.memory_space<vmem>>) target(%dma_start3A_48 : memref<128x128xf32, #tpu.memory_space<hbm>>) target_semaphore(%run_scoped3A : memref<!tpu.dma_semaphore, #tpu.memory_space<semaphore_mem>>)
      %dma_wait3A = arith.constant 0 : i32
      %dma_wait3A_52 = arith.constant 0 : i32
      %dma_wait3A_53 = tpu.memref_slice %arg9[%dma_wait3A, %dma_wait3A_52] : memref<200x128xf32, #tpu.memory_space<vmem>> -> memref<128x128xf32, #tpu.memory_space<vmem>>
      %dma_wait3A_54 = arith.constant 0 : i32
      %dma_wait3A_55 = tpu.memref_slice %arg6[%arg0, %add3A_40, %dma_wait3A_54] : memref<2x10240x128xf32, #tpu.memory_space<hbm>> -> memref<1x128x128xf32, #tpu.memory_space<hbm>>
      %dma_wait3A_56 = tpu.memref_squeeze %dma_wait3A_55 : memref<1x128x128xf32, #tpu.memory_space<hbm>> -> memref<128x128xf32, #tpu.memory_space<hbm>>
      %dma_wait3A_57 = arith.constant 0 : i32
      %dma_wait3A_58 = tpu.memref_slice %arg6[%arg0, %add3A_40, %dma_wait3A_57] : memref<2x10240x128xf32, #tpu.memory_space<hbm>> -> memref<1x128x128xf32, #tpu.memory_space<hbm>>
      %dma_wait3A_59 = tpu.memref_squeeze %dma_wait3A_58 : memref<1x128x128xf32, #tpu.memory_space<hbm>> -> memref<128x128xf32, #tpu.memory_space<hbm>>
      %dma_wait3A_60 = arith.constant 0 : i32
      %dma_wait3A_61 = arith.constant 0 : i32
      %dma_wait3A_62 = tpu.memref_slice %arg9[%dma_wait3A_60, %dma_wait3A_61] : memref<200x128xf32, #tpu.memory_space<vmem>> -> memref<128x128xf32, #tpu.memory_space<vmem>>
      tpu.wait_dma2 semaphore(%run_scoped3A : memref<!tpu.dma_semaphore, #tpu.memory_space<semaphore_mem>>) src(%dma_wait3A_62 : memref<128x128xf32, #tpu.memory_space<vmem>>) dst(%dma_wait3A_59 : memref<128x128xf32, #tpu.memory_space<hbm>>)
      tpu.yield
    }) : () -> ()
    return
  }
}

#map = affine_map<(d0, d1) -> (0, 0)>
#map1 = affine_map<(d0, d1) -> (0)>
#map2 = affine_map<(d0, d1) -> (0, 0, 0)>
module attributes {stable_mosaic.version = 14 : i64} {
  func.func @_sc2_body(%arg0: i32, %arg1: i32, %arg2: memref<10000x128xf32, #tpu.memory_space<hbm>>, %arg3: memref<320000xi32, #tpu.memory_space<hbm>>, %arg4: memref<320000xi32, #tpu.memory_space<hbm>>, %arg5: memref<10240x128xf32, #tpu.memory_space<hbm>>, %arg6: memref<2x10240x128xf32, #tpu.memory_space<hbm>>, %arg7: memref<200xi32, #tpu.memory_space<vmem>>, %arg8: memref<200xi32, #tpu.memory_space<vmem>>, %arg9: memref<200x128xf32, #tpu.memory_space<vmem>>, %arg10: memref<10240x128xf32, #tpu.memory_space<vmem_shared>>, %arg11: memref<!tpu.dma_semaphore, #tpu.memory_space<semaphore_mem>>) attributes {dimension_semantics = [#tpu.dimension_semantics<core_parallel>, #tpu.dimension_semantics<subcore_parallel>], iteration_bounds = array<i64: 2, 16>, scalar_prefetch = 0 : i64, scratch_operands = 5 : i64, tpu.core_type = #tpu.core_type<sc_vector_subcore>, window_params = [{transform_indices = #map}, {transform_indices = #map1}, {transform_indices = #map1}, {transform_indices = #map}, {transform_indices = #map2}]} {
    %mul3A = arith.constant 640 : i32
    %mul3A_0 = arith.muli %arg1, %mul3A : i32
    "tpu.region"() ({
      %run_scoped3A = tpu.sem_alloc : memref<!tpu.dma_semaphore, #tpu.memory_space<semaphore_mem>>
      %dma_start3A = arith.constant 0 : i32
      %dma_start3A_41 = arith.constant 0 : i32
      %dma_start3A_42 = tpu.memref_slice %arg9[%dma_start3A, %dma_start3A_41] : memref<200x128xf32, #tpu.memory_space<vmem>> -> memref<128x128xf32, #tpu.memory_space<vmem>>
      %dma_start3A_43 = arith.constant 0 : i32
      %dma_start3A_44 = arith.constant 0 : i32
      %dma_start3A_45 = tpu.memref_slice %arg5[%dma_start3A_43, %dma_start3A_44] : memref<10240x128xf32, #tpu.memory_space<hbm>> -> memref<128x128xf32, #tpu.memory_space<hbm>>
      %dma_start3A_46 = arith.constant 0 : i32
      %dma_start3A_47 = arith.constant 0 : i32
      %dma_start3A_48 = tpu.memref_slice %arg9[%dma_start3A_46, %dma_start3A_47] : memref<200x128xf32, #tpu.memory_space<vmem>> -> memref<128x128xf32, #tpu.memory_space<vmem>>
      %dma_start3A_49 = arith.constant 0 : i32
      %dma_start3A_50 = arith.constant 0 : i32
      %dma_start3A_51 = tpu.memref_slice %arg5[%dma_start3A_49, %dma_start3A_50] : memref<10240x128xf32, #tpu.memory_space<hbm>> -> memref<128x128xf32, #tpu.memory_space<hbm>>
      tpu.enqueue_dma source(%dma_start3A_51 : memref<128x128xf32, #tpu.memory_space<hbm>>) target(%dma_start3A_48 : memref<128x128xf32, #tpu.memory_space<vmem>>) target_semaphore(%run_scoped3A : memref<!tpu.dma_semaphore, #tpu.memory_space<semaphore_mem>>)
      %dma_wait3A = arith.constant 0 : i32
      %dma_wait3A_52 = arith.constant 0 : i32
      %dma_wait3A_53 = tpu.memref_slice %arg9[%dma_wait3A, %dma_wait3A_52] : memref<200x128xf32, #tpu.memory_space<vmem>> -> memref<128x128xf32, #tpu.memory_space<vmem>>
      %dma_wait3A_54 = arith.constant 0 : i32
      %dma_wait3A_55 = arith.constant 0 : i32
      %dma_wait3A_56 = tpu.memref_slice %arg5[%dma_wait3A_54, %dma_wait3A_55] : memref<10240x128xf32, #tpu.memory_space<hbm>> -> memref<128x128xf32, #tpu.memory_space<hbm>>
      %dma_wait3A_57 = arith.constant 0 : i32
      %dma_wait3A_58 = arith.constant 0 : i32
      %dma_wait3A_59 = tpu.memref_slice %arg9[%dma_wait3A_57, %dma_wait3A_58] : memref<200x128xf32, #tpu.memory_space<vmem>> -> memref<128x128xf32, #tpu.memory_space<vmem>>
      %dma_wait3A_60 = arith.constant 0 : i32
      %dma_wait3A_61 = arith.constant 0 : i32
      %dma_wait3A_62 = tpu.memref_slice %arg5[%dma_wait3A_60, %dma_wait3A_61] : memref<10240x128xf32, #tpu.memory_space<hbm>> -> memref<128x128xf32, #tpu.memory_space<hbm>>
      tpu.wait_dma2 semaphore(%run_scoped3A : memref<!tpu.dma_semaphore, #tpu.memory_space<semaphore_mem>>) src(%dma_wait3A_62 : memref<128x128xf32, #tpu.memory_space<hbm>>) dst(%dma_wait3A_59 : memref<128x128xf32, #tpu.memory_space<vmem>>)
      tpu.yield
    }) : () -> ()
    %add3A = arith.constant 0 : i32
    %add3A_1 = arith.addi %mul3A_0, %add3A : i32
    "tpu.region"() ({
      %run_scoped3A = tpu.sem_alloc : memref<!tpu.dma_semaphore, #tpu.memory_space<semaphore_mem>>
      %dma_start3A = arith.constant 0 : i32
      %dma_start3A_41 = arith.constant 0 : i32
      %dma_start3A_42 = tpu.memref_slice %arg9[%dma_start3A, %dma_start3A_41] : memref<200x128xf32, #tpu.memory_space<vmem>> -> memref<128x128xf32, #tpu.memory_space<vmem>>
      %dma_start3A_43 = arith.constant 0 : i32
      %dma_start3A_44 = tpu.memref_slice %arg10[%add3A_1, %dma_start3A_43] : memref<10240x128xf32, #tpu.memory_space<vmem_shared>> -> memref<128x128xf32, #tpu.memory_space<vmem_shared>>
      %dma_start3A_45 = arith.constant 0 : i32
      %dma_start3A_46 = tpu.memref_slice %arg10[%add3A_1, %dma_start3A_45] : memref<10240x128xf32, #tpu.memory_space<vmem_shared>> -> memref<128x128xf32, #tpu.memory_space<vmem_shared>>
      %dma_start3A_47 = arith.constant 0 : i32
      %dma_start3A_48 = arith.constant 0 : i32
      %dma_start3A_49 = tpu.memref_slice %arg9[%dma_start3A_47, %dma_start3A_48] : memref<200x128xf32, #tpu.memory_space<vmem>> -> memref<128x128xf32, #tpu.memory_space<vmem>>
      tpu.enqueue_dma source(%dma_start3A_49 : memref<128x128xf32, #tpu.memory_space<vmem>>) target(%dma_start3A_46 : memref<128x128xf32, #tpu.memory_space<vmem_shared>>) target_semaphore(%run_scoped3A : memref<!tpu.dma_semaphore, #tpu.memory_space<semaphore_mem>>)
      %dma_wait3A = arith.constant 0 : i32
      %dma_wait3A_50 = arith.constant 0 : i32
      %dma_wait3A_51 = tpu.memref_slice %arg9[%dma_wait3A, %dma_wait3A_50] : memref<200x128xf32, #tpu.memory_space<vmem>> -> memref<128x128xf32, #tpu.memory_space<vmem>>
      %dma_wait3A_52 = arith.constant 0 : i32
      %dma_wait3A_53 = tpu.memref_slice %arg10[%add3A_1, %dma_wait3A_52] : memref<10240x128xf32, #tpu.memory_space<vmem_shared>> -> memref<128x128xf32, #tpu.memory_space<vmem_shared>>
      %dma_wait3A_54 = arith.constant 0 : i32
      %dma_wait3A_55 = tpu.memref_slice %arg10[%add3A_1, %dma_wait3A_54] : memref<10240x128xf32, #tpu.memory_space<vmem_shared>> -> memref<128x128xf32, #tpu.memory_space<vmem_shared>>
      %dma_wait3A_56 = arith.constant 0 : i32
      %dma_wait3A_57 = arith.constant 0 : i32
      %dma_wait3A_58 = tpu.memref_slice %arg9[%dma_wait3A_56, %dma_wait3A_57] : memref<200x128xf32, #tpu.memory_space<vmem>> -> memref<128x128xf32, #tpu.memory_space<vmem>>
      tpu.wait_dma2 semaphore(%run_scoped3A : memref<!tpu.dma_semaphore, #tpu.memory_space<semaphore_mem>>) src(%dma_wait3A_58 : memref<128x128xf32, #tpu.memory_space<vmem>>) dst(%dma_wait3A_55 : memref<128x128xf32, #tpu.memory_space<vmem_shared>>)
      tpu.yield
    }) : () -> ()
    %add3A_2 = arith.constant 128 : i32
    %add3A_3 = arith.addi %mul3A_0, %add3A_2 : i32
    "tpu.region"() ({
      %run_scoped3A = tpu.sem_alloc : memref<!tpu.dma_semaphore, #tpu.memory_space<semaphore_mem>>
      %dma_start3A = arith.constant 0 : i32
      %dma_start3A_41 = arith.constant 0 : i32
      %dma_start3A_42 = tpu.memref_slice %arg9[%dma_start3A, %dma_start3A_41] : memref<200x128xf32, #tpu.memory_space<vmem>> -> memref<128x128xf32, #tpu.memory_space<vmem>>
      %dma_start3A_43 = arith.constant 0 : i32
      %dma_start3A_44 = tpu.memref_slice %arg10[%add3A_3, %dma_start3A_43] : memref<10240x128xf32, #tpu.memory_space<vmem_shared>> -> memref<128x128xf32, #tpu.memory_space<vmem_shared>>
      %dma_start3A_45 = arith.constant 0 : i32
      %dma_start3A_46 = tpu.memref_slice %arg10[%add3A_3, %dma_start3A_45] : memref<10240x128xf32, #tpu.memory_space<vmem_shared>> -> memref<128x128xf32, #tpu.memory_space<vmem_shared>>
      %dma_start3A_47 = arith.constant 0 : i32
      %dma_start3A_48 = arith.constant 0 : i32
      %dma_start3A_49 = tpu.memref_slice %arg9[%dma_start3A_47, %dma_start3A_48] : memref<200x128xf32, #tpu.memory_space<vmem>> -> memref<128x128xf32, #tpu.memory_space<vmem>>
      tpu.enqueue_dma source(%dma_start3A_49 : memref<128x128xf32, #tpu.memory_space<vmem>>) target(%dma_start3A_46 : memref<128x128xf32, #tpu.memory_space<vmem_shared>>) target_semaphore(%run_scoped3A : memref<!tpu.dma_semaphore, #tpu.memory_space<semaphore_mem>>)
      %dma_wait3A = arith.constant 0 : i32
      %dma_wait3A_50 = arith.constant 0 : i32
      %dma_wait3A_51 = tpu.memref_slice %arg9[%dma_wait3A, %dma_wait3A_50] : memref<200x128xf32, #tpu.memory_space<vmem>> -> memref<128x128xf32, #tpu.memory_space<vmem>>
      %dma_wait3A_52 = arith.constant 0 : i32
      %dma_wait3A_53 = tpu.memref_slice %arg10[%add3A_3, %dma_wait3A_52] : memref<10240x128xf32, #tpu.memory_space<vmem_shared>> -> memref<128x128xf32, #tpu.memory_space<vmem_shared>>
      %dma_wait3A_54 = arith.constant 0 : i32
      %dma_wait3A_55 = tpu.memref_slice %arg10[%add3A_3, %dma_wait3A_54] : memref<10240x128xf32, #tpu.memory_space<vmem_shared>> -> memref<128x128xf32, #tpu.memory_space<vmem_shared>>
      %dma_wait3A_56 = arith.constant 0 : i32
      %dma_wait3A_57 = arith.constant 0 : i32
      %dma_wait3A_58 = tpu.memref_slice %arg9[%dma_wait3A_56, %dma_wait3A_57] : memref<200x128xf32, #tpu.memory_space<vmem>> -> memref<128x128xf32, #tpu.memory_space<vmem>>
      tpu.wait_dma2 semaphore(%run_scoped3A : memref<!tpu.dma_semaphore, #tpu.memory_space<semaphore_mem>>) src(%dma_wait3A_58 : memref<128x128xf32, #tpu.memory_space<vmem>>) dst(%dma_wait3A_55 : memref<128x128xf32, #tpu.memory_space<vmem_shared>>)
      tpu.yield
    }) : () -> ()
    %add3A_4 = arith.constant 256 : i32
    %add3A_5 = arith.addi %mul3A_0, %add3A_4 : i32
    "tpu.region"() ({
      %run_scoped3A = tpu.sem_alloc : memref<!tpu.dma_semaphore, #tpu.memory_space<semaphore_mem>>
      %dma_start3A = arith.constant 0 : i32
      %dma_start3A_41 = arith.constant 0 : i32
      %dma_start3A_42 = tpu.memref_slice %arg9[%dma_start3A, %dma_start3A_41] : memref<200x128xf32, #tpu.memory_space<vmem>> -> memref<128x128xf32, #tpu.memory_space<vmem>>
      %dma_start3A_43 = arith.constant 0 : i32
      %dma_start3A_44 = tpu.memref_slice %arg10[%add3A_5, %dma_start3A_43] : memref<10240x128xf32, #tpu.memory_space<vmem_shared>> -> memref<128x128xf32, #tpu.memory_space<vmem_shared>>
      %dma_start3A_45 = arith.constant 0 : i32
      %dma_start3A_46 = tpu.memref_slice %arg10[%add3A_5, %dma_start3A_45] : memref<10240x128xf32, #tpu.memory_space<vmem_shared>> -> memref<128x128xf32, #tpu.memory_space<vmem_shared>>
      %dma_start3A_47 = arith.constant 0 : i32
      %dma_start3A_48 = arith.constant 0 : i32
      %dma_start3A_49 = tpu.memref_slice %arg9[%dma_start3A_47, %dma_start3A_48] : memref<200x128xf32, #tpu.memory_space<vmem>> -> memref<128x128xf32, #tpu.memory_space<vmem>>
      tpu.enqueue_dma source(%dma_start3A_49 : memref<128x128xf32, #tpu.memory_space<vmem>>) target(%dma_start3A_46 : memref<128x128xf32, #tpu.memory_space<vmem_shared>>) target_semaphore(%run_scoped3A : memref<!tpu.dma_semaphore, #tpu.memory_space<semaphore_mem>>)
      %dma_wait3A = arith.constant 0 : i32
      %dma_wait3A_50 = arith.constant 0 : i32
      %dma_wait3A_51 = tpu.memref_slice %arg9[%dma_wait3A, %dma_wait3A_50] : memref<200x128xf32, #tpu.memory_space<vmem>> -> memref<128x128xf32, #tpu.memory_space<vmem>>
      %dma_wait3A_52 = arith.constant 0 : i32
      %dma_wait3A_53 = tpu.memref_slice %arg10[%add3A_5, %dma_wait3A_52] : memref<10240x128xf32, #tpu.memory_space<vmem_shared>> -> memref<128x128xf32, #tpu.memory_space<vmem_shared>>
      %dma_wait3A_54 = arith.constant 0 : i32
      %dma_wait3A_55 = tpu.memref_slice %arg10[%add3A_5, %dma_wait3A_54] : memref<10240x128xf32, #tpu.memory_space<vmem_shared>> -> memref<128x128xf32, #tpu.memory_space<vmem_shared>>
      %dma_wait3A_56 = arith.constant 0 : i32
      %dma_wait3A_57 = arith.constant 0 : i32
      %dma_wait3A_58 = tpu.memref_slice %arg9[%dma_wait3A_56, %dma_wait3A_57] : memref<200x128xf32, #tpu.memory_space<vmem>> -> memref<128x128xf32, #tpu.memory_space<vmem>>
      tpu.wait_dma2 semaphore(%run_scoped3A : memref<!tpu.dma_semaphore, #tpu.memory_space<semaphore_mem>>) src(%dma_wait3A_58 : memref<128x128xf32, #tpu.memory_space<vmem>>) dst(%dma_wait3A_55 : memref<128x128xf32, #tpu.memory_space<vmem_shared>>)
      tpu.yield
    }) : () -> ()
    %add3A_6 = arith.constant 384 : i32
    %add3A_7 = arith.addi %mul3A_0, %add3A_6 : i32
    "tpu.region"() ({
      %run_scoped3A = tpu.sem_alloc : memref<!tpu.dma_semaphore, #tpu.memory_space<semaphore_mem>>
      %dma_start3A = arith.constant 0 : i32
      %dma_start3A_41 = arith.constant 0 : i32
      %dma_start3A_42 = tpu.memref_slice %arg9[%dma_start3A, %dma_start3A_41] : memref<200x128xf32, #tpu.memory_space<vmem>> -> memref<128x128xf32, #tpu.memory_space<vmem>>
      %dma_start3A_43 = arith.constant 0 : i32
      %dma_start3A_44 = tpu.memref_slice %arg10[%add3A_7, %dma_start3A_43] : memref<10240x128xf32, #tpu.memory_space<vmem_shared>> -> memref<128x128xf32, #tpu.memory_space<vmem_shared>>
      %dma_start3A_45 = arith.constant 0 : i32
      %dma_start3A_46 = tpu.memref_slice %arg10[%add3A_7, %dma_start3A_45] : memref<10240x128xf32, #tpu.memory_space<vmem_shared>> -> memref<128x128xf32, #tpu.memory_space<vmem_shared>>
      %dma_start3A_47 = arith.constant 0 : i32
      %dma_start3A_48 = arith.constant 0 : i32
      %dma_start3A_49 = tpu.memref_slice %arg9[%dma_start3A_47, %dma_start3A_48] : memref<200x128xf32, #tpu.memory_space<vmem>> -> memref<128x128xf32, #tpu.memory_space<vmem>>
      tpu.enqueue_dma source(%dma_start3A_49 : memref<128x128xf32, #tpu.memory_space<vmem>>) target(%dma_start3A_46 : memref<128x128xf32, #tpu.memory_space<vmem_shared>>) target_semaphore(%run_scoped3A : memref<!tpu.dma_semaphore, #tpu.memory_space<semaphore_mem>>)
      %dma_wait3A = arith.constant 0 : i32
      %dma_wait3A_50 = arith.constant 0 : i32
      %dma_wait3A_51 = tpu.memref_slice %arg9[%dma_wait3A, %dma_wait3A_50] : memref<200x128xf32, #tpu.memory_space<vmem>> -> memref<128x128xf32, #tpu.memory_space<vmem>>
      %dma_wait3A_52 = arith.constant 0 : i32
      %dma_wait3A_53 = tpu.memref_slice %arg10[%add3A_7, %dma_wait3A_52] : memref<10240x128xf32, #tpu.memory_space<vmem_shared>> -> memref<128x128xf32, #tpu.memory_space<vmem_shared>>
      %dma_wait3A_54 = arith.constant 0 : i32
      %dma_wait3A_55 = tpu.memref_slice %arg10[%add3A_7, %dma_wait3A_54] : memref<10240x128xf32, #tpu.memory_space<vmem_shared>> -> memref<128x128xf32, #tpu.memory_space<vmem_shared>>
      %dma_wait3A_56 = arith.constant 0 : i32
      %dma_wait3A_57 = arith.constant 0 : i32
      %dma_wait3A_58 = tpu.memref_slice %arg9[%dma_wait3A_56, %dma_wait3A_57] : memref<200x128xf32, #tpu.memory_space<vmem>> -> memref<128x128xf32, #tpu.memory_space<vmem>>
      tpu.wait_dma2 semaphore(%run_scoped3A : memref<!tpu.dma_semaphore, #tpu.memory_space<semaphore_mem>>) src(%dma_wait3A_58 : memref<128x128xf32, #tpu.memory_space<vmem>>) dst(%dma_wait3A_55 : memref<128x128xf32, #tpu.memory_space<vmem_shared>>)
      tpu.yield
    }) : () -> ()
    %add3A_8 = arith.constant 512 : i32
    %add3A_9 = arith.addi %mul3A_0, %add3A_8 : i32
    "tpu.region"() ({
      %run_scoped3A = tpu.sem_alloc : memref<!tpu.dma_semaphore, #tpu.memory_space<semaphore_mem>>
      %dma_start3A = arith.constant 0 : i32
      %dma_start3A_41 = arith.constant 0 : i32
      %dma_start3A_42 = tpu.memref_slice %arg9[%dma_start3A, %dma_start3A_41] : memref<200x128xf32, #tpu.memory_space<vmem>> -> memref<128x128xf32, #tpu.memory_space<vmem>>
      %dma_start3A_43 = arith.constant 0 : i32
      %dma_start3A_44 = tpu.memref_slice %arg10[%add3A_9, %dma_start3A_43] : memref<10240x128xf32, #tpu.memory_space<vmem_shared>> -> memref<128x128xf32, #tpu.memory_space<vmem_shared>>
      %dma_start3A_45 = arith.constant 0 : i32
      %dma_start3A_46 = tpu.memref_slice %arg10[%add3A_9, %dma_start3A_45] : memref<10240x128xf32, #tpu.memory_space<vmem_shared>> -> memref<128x128xf32, #tpu.memory_space<vmem_shared>>
      %dma_start3A_47 = arith.constant 0 : i32
      %dma_start3A_48 = arith.constant 0 : i32
      %dma_start3A_49 = tpu.memref_slice %arg9[%dma_start3A_47, %dma_start3A_48] : memref<200x128xf32, #tpu.memory_space<vmem>> -> memref<128x128xf32, #tpu.memory_space<vmem>>
      tpu.enqueue_dma source(%dma_start3A_49 : memref<128x128xf32, #tpu.memory_space<vmem>>) target(%dma_start3A_46 : memref<128x128xf32, #tpu.memory_space<vmem_shared>>) target_semaphore(%run_scoped3A : memref<!tpu.dma_semaphore, #tpu.memory_space<semaphore_mem>>)
      %dma_wait3A = arith.constant 0 : i32
      %dma_wait3A_50 = arith.constant 0 : i32
      %dma_wait3A_51 = tpu.memref_slice %arg9[%dma_wait3A, %dma_wait3A_50] : memref<200x128xf32, #tpu.memory_space<vmem>> -> memref<128x128xf32, #tpu.memory_space<vmem>>
      %dma_wait3A_52 = arith.constant 0 : i32
      %dma_wait3A_53 = tpu.memref_slice %arg10[%add3A_9, %dma_wait3A_52] : memref<10240x128xf32, #tpu.memory_space<vmem_shared>> -> memref<128x128xf32, #tpu.memory_space<vmem_shared>>
      %dma_wait3A_54 = arith.constant 0 : i32
      %dma_wait3A_55 = tpu.memref_slice %arg10[%add3A_9, %dma_wait3A_54] : memref<10240x128xf32, #tpu.memory_space<vmem_shared>> -> memref<128x128xf32, #tpu.memory_space<vmem_shared>>
      %dma_wait3A_56 = arith.constant 0 : i32
      %dma_wait3A_57 = arith.constant 0 : i32
      %dma_wait3A_58 = tpu.memref_slice %arg9[%dma_wait3A_56, %dma_wait3A_57] : memref<200x128xf32, #tpu.memory_space<vmem>> -> memref<128x128xf32, #tpu.memory_space<vmem>>
      tpu.wait_dma2 semaphore(%run_scoped3A : memref<!tpu.dma_semaphore, #tpu.memory_space<semaphore_mem>>) src(%dma_wait3A_58 : memref<128x128xf32, #tpu.memory_space<vmem>>) dst(%dma_wait3A_55 : memref<128x128xf32, #tpu.memory_space<vmem_shared>>)
      tpu.yield
    }) : () -> ()
    %barrier3A = arith.constant 0 : index
    tpu.barrier barrier_id(%barrier3A)
    %mul3A_10 = arith.constant 2 : i32
    %mul3A_11 = arith.muli %arg1, %mul3A_10 : i32
    %add3A_12 = arith.addi %mul3A_11, %arg0 : i32
    %mul3A_13 = arith.constant 10000 : i32
    %mul3A_14 = arith.muli %add3A_12, %mul3A_13 : i32
    %scan3A = arith.constant 0 : i32
    %scan3A_15 = arith.constant 0 : i32
    %scan3A_16 = arith.constant 50 : i32
    %scan3A_17 = arith.addi %scan3A_15, %scan3A_16 : i32
    %scan3A_18 = arith.constant 1 : i32
    scf.for %scan3A_41 = %scan3A_15 to %scan3A_17 step %scan3A_18  : i32 {
      %mul3A_42 = arith.constant 200 : i32
      %mul3A_43 = arith.muli %scan3A_41, %mul3A_42 : i32
      %add3A_44 = arith.addi %mul3A_14, %mul3A_43 : i32
      "tpu.region"() ({
        %run_scoped3A = tpu.sem_alloc : memref<!tpu.dma_semaphore, #tpu.memory_space<semaphore_mem>>
        %dma_start3A_49 = tpu.memref_slice %arg3[%add3A_44] : memref<320000xi32, #tpu.memory_space<hbm>> -> memref<200xi32, #tpu.memory_space<hbm>>
        %dma_start3A_50 = tpu.memref_slice %arg3[%add3A_44] : memref<320000xi32, #tpu.memory_space<hbm>> -> memref<200xi32, #tpu.memory_space<hbm>>
        tpu.enqueue_dma source(%dma_start3A_50 : memref<200xi32, #tpu.memory_space<hbm>>) target(%arg7 : memref<200xi32, #tpu.memory_space<vmem>>) target_semaphore(%run_scoped3A : memref<!tpu.dma_semaphore, #tpu.memory_space<semaphore_mem>>)
        %dma_wait3A_51 = tpu.memref_slice %arg3[%add3A_44] : memref<320000xi32, #tpu.memory_space<hbm>> -> memref<200xi32, #tpu.memory_space<hbm>>
        %dma_wait3A_52 = tpu.memref_slice %arg3[%add3A_44] : memref<320000xi32, #tpu.memory_space<hbm>> -> memref<200xi32, #tpu.memory_space<hbm>>
        tpu.wait_dma2 semaphore(%run_scoped3A : memref<!tpu.dma_semaphore, #tpu.memory_space<semaphore_mem>>) src(%dma_wait3A_52 : memref<200xi32, #tpu.memory_space<hbm>>) dst(%arg7 : memref<200xi32, #tpu.memory_space<vmem>>)
        tpu.yield
      }) : () -> ()
      "tpu.region"() ({
        %run_scoped3A = tpu.sem_alloc : memref<!tpu.dma_semaphore, #tpu.memory_space<semaphore_mem>>
        %dma_start3A_49 = tpu.memref_slice %arg4[%add3A_44] : memref<320000xi32, #tpu.memory_space<hbm>> -> memref<200xi32, #tpu.memory_space<hbm>>
        %dma_start3A_50 = tpu.memref_slice %arg4[%add3A_44] : memref<320000xi32, #tpu.memory_space<hbm>> -> memref<200xi32, #tpu.memory_space<hbm>>
        tpu.enqueue_dma source(%dma_start3A_50 : memref<200xi32, #tpu.memory_space<hbm>>) target(%arg8 : memref<200xi32, #tpu.memory_space<vmem>>) target_semaphore(%run_scoped3A : memref<!tpu.dma_semaphore, #tpu.memory_space<semaphore_mem>>)
        %dma_wait3A_51 = tpu.memref_slice %arg4[%add3A_44] : memref<320000xi32, #tpu.memory_space<hbm>> -> memref<200xi32, #tpu.memory_space<hbm>>
        %dma_wait3A_52 = tpu.memref_slice %arg4[%add3A_44] : memref<320000xi32, #tpu.memory_space<hbm>> -> memref<200xi32, #tpu.memory_space<hbm>>
        tpu.wait_dma2 semaphore(%run_scoped3A : memref<!tpu.dma_semaphore, #tpu.memory_space<semaphore_mem>>) src(%dma_wait3A_52 : memref<200xi32, #tpu.memory_space<hbm>>) dst(%arg8 : memref<200xi32, #tpu.memory_space<vmem>>)
        tpu.yield
      }) : () -> ()
      %dma_start3A = arith.constant 0 : i32
      %dma_start3A_45 = arith.constant 0 : i32
      %dma_start3A_46 = tpu.memref_slice %arg2[%dma_start3A, %dma_start3A_45] : memref<10000x128xf32, #tpu.memory_space<hbm>> -> memref<10000x128xf32, #tpu.memory_space<hbm>>
      tpu.enqueue_indirect_dma source(%dma_start3A_46 : memref<10000x128xf32, #tpu.memory_space<hbm>>) target(%arg9 : memref<200x128xf32, #tpu.memory_space<vmem>>) offsets(%arg7 : memref<200xi32, #tpu.memory_space<vmem>>) semaphore(%arg11 : memref<!tpu.dma_semaphore, #tpu.memory_space<semaphore_mem>>)
      %dma_wait3A = arith.constant 0 : i32
      %dma_wait3A_47 = arith.constant 0 : i32
      %dma_wait3A_48 = tpu.memref_slice %arg2[%dma_wait3A, %dma_wait3A_47] : memref<10000x128xf32, #tpu.memory_space<hbm>> -> memref<10000x128xf32, #tpu.memory_space<hbm>>
      tpu.wait_indirect_dma semaphore(%arg11 : memref<!tpu.dma_semaphore, #tpu.memory_space<semaphore_mem>>) src(%dma_wait3A_48 : memref<10000x128xf32, #tpu.memory_space<hbm>>) dst(%arg9 : memref<200x128xf32, #tpu.memory_space<vmem>>)
      "tpu.region"() ({
        %run_scoped3A = tpu.sem_alloc : memref<!tpu.dma_semaphore, #tpu.memory_space<semaphore_mem>>
        %dma_start3A_49 = arith.constant 0 : i32
        %dma_start3A_50 = arith.constant 0 : i32
        %dma_start3A_51 = tpu.memref_slice %arg10[%dma_start3A_49, %dma_start3A_50] : memref<10240x128xf32, #tpu.memory_space<vmem_shared>> -> memref<10240x128xf32, #tpu.memory_space<vmem_shared>>
        tpu.enqueue_indirect_dma source(%arg9 : memref<200x128xf32, #tpu.memory_space<vmem>>) target(%dma_start3A_51 : memref<10240x128xf32, #tpu.memory_space<vmem_shared>>) offsets(%arg8 : memref<200xi32, #tpu.memory_space<vmem>>) semaphore(%run_scoped3A : memref<!tpu.dma_semaphore, #tpu.memory_space<semaphore_mem>>) {add = true}
        %dma_wait3A_52 = arith.constant 0 : i32
        %dma_wait3A_53 = arith.constant 0 : i32
        %dma_wait3A_54 = tpu.memref_slice %arg10[%dma_wait3A_52, %dma_wait3A_53] : memref<10240x128xf32, #tpu.memory_space<vmem_shared>> -> memref<10240x128xf32, #tpu.memory_space<vmem_shared>>
        tpu.wait_indirect_dma semaphore(%run_scoped3A : memref<!tpu.dma_semaphore, #tpu.memory_space<semaphore_mem>>) src(%arg9 : memref<200x128xf32, #tpu.memory_space<vmem>>) dst(%dma_wait3A_54 : memref<10240x128xf32, #tpu.memory_space<vmem_shared>>)
        tpu.yield
      }) : () -> ()
    }
    %scan3A_19 = arith.constant 50 : i32
    %barrier3A_20 = arith.constant 0 : index
    tpu.barrier barrier_id(%barrier3A_20)
    %add3A_21 = arith.constant 0 : i32
    %add3A_22 = arith.addi %mul3A_0, %add3A_21 : i32
    "tpu.region"() ({
      %run_scoped3A = tpu.sem_alloc : memref<!tpu.dma_semaphore, #tpu.memory_space<semaphore_mem>>
      %dma_start3A = arith.constant 0 : i32
      %dma_start3A_41 = arith.constant 0 : i32
      %dma_start3A_42 = tpu.memref_slice %arg9[%dma_start3A, %dma_start3A_41] : memref<200x128xf32, #tpu.memory_space<vmem>> -> memref<128x128xf32, #tpu.memory_space<vmem>>
      %dma_start3A_43 = arith.constant 0 : i32
      %dma_start3A_44 = tpu.memref_slice %arg10[%add3A_22, %dma_start3A_43] : memref<10240x128xf32, #tpu.memory_space<vmem_shared>> -> memref<128x128xf32, #tpu.memory_space<vmem_shared>>
      %dma_start3A_45 = arith.constant 0 : i32
      %dma_start3A_46 = arith.constant 0 : i32
      %dma_start3A_47 = tpu.memref_slice %arg9[%dma_start3A_45, %dma_start3A_46] : memref<200x128xf32, #tpu.memory_space<vmem>> -> memref<128x128xf32, #tpu.memory_space<vmem>>
      %dma_start3A_48 = arith.constant 0 : i32
      %dma_start3A_49 = tpu.memref_slice %arg10[%add3A_22, %dma_start3A_48] : memref<10240x128xf32, #tpu.memory_space<vmem_shared>> -> memref<128x128xf32, #tpu.memory_space<vmem_shared>>
      tpu.enqueue_dma source(%dma_start3A_49 : memref<128x128xf32, #tpu.memory_space<vmem_shared>>) target(%dma_start3A_47 : memref<128x128xf32, #tpu.memory_space<vmem>>) target_semaphore(%run_scoped3A : memref<!tpu.dma_semaphore, #tpu.memory_space<semaphore_mem>>)
      %dma_wait3A = arith.constant 0 : i32
      %dma_wait3A_50 = arith.constant 0 : i32
      %dma_wait3A_51 = tpu.memref_slice %arg9[%dma_wait3A, %dma_wait3A_50] : memref<200x128xf32, #tpu.memory_space<vmem>> -> memref<128x128xf32, #tpu.memory_space<vmem>>
      %dma_wait3A_52 = arith.constant 0 : i32
      %dma_wait3A_53 = tpu.memref_slice %arg10[%add3A_22, %dma_wait3A_52] : memref<10240x128xf32, #tpu.memory_space<vmem_shared>> -> memref<128x128xf32, #tpu.memory_space<vmem_shared>>
      %dma_wait3A_54 = arith.constant 0 : i32
      %dma_wait3A_55 = arith.constant 0 : i32
      %dma_wait3A_56 = tpu.memref_slice %arg9[%dma_wait3A_54, %dma_wait3A_55] : memref<200x128xf32, #tpu.memory_space<vmem>> -> memref<128x128xf32, #tpu.memory_space<vmem>>
      %dma_wait3A_57 = arith.constant 0 : i32
      %dma_wait3A_58 = tpu.memref_slice %arg10[%add3A_22, %dma_wait3A_57] : memref<10240x128xf32, #tpu.memory_space<vmem_shared>> -> memref<128x128xf32, #tpu.memory_space<vmem_shared>>
      tpu.wait_dma2 semaphore(%run_scoped3A : memref<!tpu.dma_semaphore, #tpu.memory_space<semaphore_mem>>) src(%dma_wait3A_58 : memref<128x128xf32, #tpu.memory_space<vmem_shared>>) dst(%dma_wait3A_56 : memref<128x128xf32, #tpu.memory_space<vmem>>)
      tpu.yield
    }) : () -> ()
    %add3A_23 = arith.constant 0 : i32
    %add3A_24 = arith.addi %mul3A_0, %add3A_23 : i32
    "tpu.region"() ({
      %run_scoped3A = tpu.sem_alloc : memref<!tpu.dma_semaphore, #tpu.memory_space<semaphore_mem>>
      %dma_start3A = arith.constant 0 : i32
      %dma_start3A_41 = arith.constant 0 : i32
      %dma_start3A_42 = tpu.memref_slice %arg9[%dma_start3A, %dma_start3A_41] : memref<200x128xf32, #tpu.memory_space<vmem>> -> memref<128x128xf32, #tpu.memory_space<vmem>>
      %dma_start3A_43 = arith.constant 0 : i32
      %dma_start3A_44 = tpu.memref_slice %arg6[%arg0, %add3A_24, %dma_start3A_43] : memref<2x10240x128xf32, #tpu.memory_space<hbm>> -> memref<1x128x128xf32, #tpu.memory_space<hbm>>
      %dma_start3A_45 = tpu.memref_squeeze %dma_start3A_44 : memref<1x128x128xf32, #tpu.memory_space<hbm>> -> memref<128x128xf32, #tpu.memory_space<hbm>>
      %dma_start3A_46 = arith.constant 0 : i32
      %dma_start3A_47 = tpu.memref_slice %arg6[%arg0, %add3A_24, %dma_start3A_46] : memref<2x10240x128xf32, #tpu.memory_space<hbm>> -> memref<1x128x128xf32, #tpu.memory_space<hbm>>
      %dma_start3A_48 = tpu.memref_squeeze %dma_start3A_47 : memref<1x128x128xf32, #tpu.memory_space<hbm>> -> memref<128x128xf32, #tpu.memory_space<hbm>>
      %dma_start3A_49 = arith.constant 0 : i32
      %dma_start3A_50 = arith.constant 0 : i32
      %dma_start3A_51 = tpu.memref_slice %arg9[%dma_start3A_49, %dma_start3A_50] : memref<200x128xf32, #tpu.memory_space<vmem>> -> memref<128x128xf32, #tpu.memory_space<vmem>>
      tpu.enqueue_dma source(%dma_start3A_51 : memref<128x128xf32, #tpu.memory_space<vmem>>) target(%dma_start3A_48 : memref<128x128xf32, #tpu.memory_space<hbm>>) target_semaphore(%run_scoped3A : memref<!tpu.dma_semaphore, #tpu.memory_space<semaphore_mem>>)
      %dma_wait3A = arith.constant 0 : i32
      %dma_wait3A_52 = arith.constant 0 : i32
      %dma_wait3A_53 = tpu.memref_slice %arg9[%dma_wait3A, %dma_wait3A_52] : memref<200x128xf32, #tpu.memory_space<vmem>> -> memref<128x128xf32, #tpu.memory_space<vmem>>
      %dma_wait3A_54 = arith.constant 0 : i32
      %dma_wait3A_55 = tpu.memref_slice %arg6[%arg0, %add3A_24, %dma_wait3A_54] : memref<2x10240x128xf32, #tpu.memory_space<hbm>> -> memref<1x128x128xf32, #tpu.memory_space<hbm>>
      %dma_wait3A_56 = tpu.memref_squeeze %dma_wait3A_55 : memref<1x128x128xf32, #tpu.memory_space<hbm>> -> memref<128x128xf32, #tpu.memory_space<hbm>>
      %dma_wait3A_57 = arith.constant 0 : i32
      %dma_wait3A_58 = tpu.memref_slice %arg6[%arg0, %add3A_24, %dma_wait3A_57] : memref<2x10240x128xf32, #tpu.memory_space<hbm>> -> memref<1x128x128xf32, #tpu.memory_space<hbm>>
      %dma_wait3A_59 = tpu.memref_squeeze %dma_wait3A_58 : memref<1x128x128xf32, #tpu.memory_space<hbm>> -> memref<128x128xf32, #tpu.memory_space<hbm>>
      %dma_wait3A_60 = arith.constant 0 : i32
      %dma_wait3A_61 = arith.constant 0 : i32
      %dma_wait3A_62 = tpu.memref_slice %arg9[%dma_wait3A_60, %dma_wait3A_61] : memref<200x128xf32, #tpu.memory_space<vmem>> -> memref<128x128xf32, #tpu.memory_space<vmem>>
      tpu.wait_dma2 semaphore(%run_scoped3A : memref<!tpu.dma_semaphore, #tpu.memory_space<semaphore_mem>>) src(%dma_wait3A_62 : memref<128x128xf32, #tpu.memory_space<vmem>>) dst(%dma_wait3A_59 : memref<128x128xf32, #tpu.memory_space<hbm>>)
      tpu.yield
    }) : () -> ()
    %add3A_25 = arith.constant 128 : i32
    %add3A_26 = arith.addi %mul3A_0, %add3A_25 : i32
    "tpu.region"() ({
      %run_scoped3A = tpu.sem_alloc : memref<!tpu.dma_semaphore, #tpu.memory_space<semaphore_mem>>
      %dma_start3A = arith.constant 0 : i32
      %dma_start3A_41 = arith.constant 0 : i32
      %dma_start3A_42 = tpu.memref_slice %arg9[%dma_start3A, %dma_start3A_41] : memref<200x128xf32, #tpu.memory_space<vmem>> -> memref<128x128xf32, #tpu.memory_space<vmem>>
      %dma_start3A_43 = arith.constant 0 : i32
      %dma_start3A_44 = tpu.memref_slice %arg10[%add3A_26, %dma_start3A_43] : memref<10240x128xf32, #tpu.memory_space<vmem_shared>> -> memref<128x128xf32, #tpu.memory_space<vmem_shared>>
      %dma_start3A_45 = arith.constant 0 : i32
      %dma_start3A_46 = arith.constant 0 : i32
      %dma_start3A_47 = tpu.memref_slice %arg9[%dma_start3A_45, %dma_start3A_46] : memref<200x128xf32, #tpu.memory_space<vmem>> -> memref<128x128xf32, #tpu.memory_space<vmem>>
      %dma_start3A_48 = arith.constant 0 : i32
      %dma_start3A_49 = tpu.memref_slice %arg10[%add3A_26, %dma_start3A_48] : memref<10240x128xf32, #tpu.memory_space<vmem_shared>> -> memref<128x128xf32, #tpu.memory_space<vmem_shared>>
      tpu.enqueue_dma source(%dma_start3A_49 : memref<128x128xf32, #tpu.memory_space<vmem_shared>>) target(%dma_start3A_47 : memref<128x128xf32, #tpu.memory_space<vmem>>) target_semaphore(%run_scoped3A : memref<!tpu.dma_semaphore, #tpu.memory_space<semaphore_mem>>)
      %dma_wait3A = arith.constant 0 : i32
      %dma_wait3A_50 = arith.constant 0 : i32
      %dma_wait3A_51 = tpu.memref_slice %arg9[%dma_wait3A, %dma_wait3A_50] : memref<200x128xf32, #tpu.memory_space<vmem>> -> memref<128x128xf32, #tpu.memory_space<vmem>>
      %dma_wait3A_52 = arith.constant 0 : i32
      %dma_wait3A_53 = tpu.memref_slice %arg10[%add3A_26, %dma_wait3A_52] : memref<10240x128xf32, #tpu.memory_space<vmem_shared>> -> memref<128x128xf32, #tpu.memory_space<vmem_shared>>
      %dma_wait3A_54 = arith.constant 0 : i32
      %dma_wait3A_55 = arith.constant 0 : i32
      %dma_wait3A_56 = tpu.memref_slice %arg9[%dma_wait3A_54, %dma_wait3A_55] : memref<200x128xf32, #tpu.memory_space<vmem>> -> memref<128x128xf32, #tpu.memory_space<vmem>>
      %dma_wait3A_57 = arith.constant 0 : i32
      %dma_wait3A_58 = tpu.memref_slice %arg10[%add3A_26, %dma_wait3A_57] : memref<10240x128xf32, #tpu.memory_space<vmem_shared>> -> memref<128x128xf32, #tpu.memory_space<vmem_shared>>
      tpu.wait_dma2 semaphore(%run_scoped3A : memref<!tpu.dma_semaphore, #tpu.memory_space<semaphore_mem>>) src(%dma_wait3A_58 : memref<128x128xf32, #tpu.memory_space<vmem_shared>>) dst(%dma_wait3A_56 : memref<128x128xf32, #tpu.memory_space<vmem>>)
      tpu.yield
    }) : () -> ()
    %add3A_27 = arith.constant 128 : i32
    %add3A_28 = arith.addi %mul3A_0, %add3A_27 : i32
    "tpu.region"() ({
      %run_scoped3A = tpu.sem_alloc : memref<!tpu.dma_semaphore, #tpu.memory_space<semaphore_mem>>
      %dma_start3A = arith.constant 0 : i32
      %dma_start3A_41 = arith.constant 0 : i32
      %dma_start3A_42 = tpu.memref_slice %arg9[%dma_start3A, %dma_start3A_41] : memref<200x128xf32, #tpu.memory_space<vmem>> -> memref<128x128xf32, #tpu.memory_space<vmem>>
      %dma_start3A_43 = arith.constant 0 : i32
      %dma_start3A_44 = tpu.memref_slice %arg6[%arg0, %add3A_28, %dma_start3A_43] : memref<2x10240x128xf32, #tpu.memory_space<hbm>> -> memref<1x128x128xf32, #tpu.memory_space<hbm>>
      %dma_start3A_45 = tpu.memref_squeeze %dma_start3A_44 : memref<1x128x128xf32, #tpu.memory_space<hbm>> -> memref<128x128xf32, #tpu.memory_space<hbm>>
      %dma_start3A_46 = arith.constant 0 : i32
      %dma_start3A_47 = tpu.memref_slice %arg6[%arg0, %add3A_28, %dma_start3A_46] : memref<2x10240x128xf32, #tpu.memory_space<hbm>> -> memref<1x128x128xf32, #tpu.memory_space<hbm>>
      %dma_start3A_48 = tpu.memref_squeeze %dma_start3A_47 : memref<1x128x128xf32, #tpu.memory_space<hbm>> -> memref<128x128xf32, #tpu.memory_space<hbm>>
      %dma_start3A_49 = arith.constant 0 : i32
      %dma_start3A_50 = arith.constant 0 : i32
      %dma_start3A_51 = tpu.memref_slice %arg9[%dma_start3A_49, %dma_start3A_50] : memref<200x128xf32, #tpu.memory_space<vmem>> -> memref<128x128xf32, #tpu.memory_space<vmem>>
      tpu.enqueue_dma source(%dma_start3A_51 : memref<128x128xf32, #tpu.memory_space<vmem>>) target(%dma_start3A_48 : memref<128x128xf32, #tpu.memory_space<hbm>>) target_semaphore(%run_scoped3A : memref<!tpu.dma_semaphore, #tpu.memory_space<semaphore_mem>>)
      %dma_wait3A = arith.constant 0 : i32
      %dma_wait3A_52 = arith.constant 0 : i32
      %dma_wait3A_53 = tpu.memref_slice %arg9[%dma_wait3A, %dma_wait3A_52] : memref<200x128xf32, #tpu.memory_space<vmem>> -> memref<128x128xf32, #tpu.memory_space<vmem>>
      %dma_wait3A_54 = arith.constant 0 : i32
      %dma_wait3A_55 = tpu.memref_slice %arg6[%arg0, %add3A_28, %dma_wait3A_54] : memref<2x10240x128xf32, #tpu.memory_space<hbm>> -> memref<1x128x128xf32, #tpu.memory_space<hbm>>
      %dma_wait3A_56 = tpu.memref_squeeze %dma_wait3A_55 : memref<1x128x128xf32, #tpu.memory_space<hbm>> -> memref<128x128xf32, #tpu.memory_space<hbm>>
      %dma_wait3A_57 = arith.constant 0 : i32
      %dma_wait3A_58 = tpu.memref_slice %arg6[%arg0, %add3A_28, %dma_wait3A_57] : memref<2x10240x128xf32, #tpu.memory_space<hbm>> -> memref<1x128x128xf32, #tpu.memory_space<hbm>>
      %dma_wait3A_59 = tpu.memref_squeeze %dma_wait3A_58 : memref<1x128x128xf32, #tpu.memory_space<hbm>> -> memref<128x128xf32, #tpu.memory_space<hbm>>
      %dma_wait3A_60 = arith.constant 0 : i32
      %dma_wait3A_61 = arith.constant 0 : i32
      %dma_wait3A_62 = tpu.memref_slice %arg9[%dma_wait3A_60, %dma_wait3A_61] : memref<200x128xf32, #tpu.memory_space<vmem>> -> memref<128x128xf32, #tpu.memory_space<vmem>>
      tpu.wait_dma2 semaphore(%run_scoped3A : memref<!tpu.dma_semaphore, #tpu.memory_space<semaphore_mem>>) src(%dma_wait3A_62 : memref<128x128xf32, #tpu.memory_space<vmem>>) dst(%dma_wait3A_59 : memref<128x128xf32, #tpu.memory_space<hbm>>)
      tpu.yield
    }) : () -> ()
    %add3A_29 = arith.constant 256 : i32
    %add3A_30 = arith.addi %mul3A_0, %add3A_29 : i32
    "tpu.region"() ({
      %run_scoped3A = tpu.sem_alloc : memref<!tpu.dma_semaphore, #tpu.memory_space<semaphore_mem>>
      %dma_start3A = arith.constant 0 : i32
      %dma_start3A_41 = arith.constant 0 : i32
      %dma_start3A_42 = tpu.memref_slice %arg9[%dma_start3A, %dma_start3A_41] : memref<200x128xf32, #tpu.memory_space<vmem>> -> memref<128x128xf32, #tpu.memory_space<vmem>>
      %dma_start3A_43 = arith.constant 0 : i32
      %dma_start3A_44 = tpu.memref_slice %arg10[%add3A_30, %dma_start3A_43] : memref<10240x128xf32, #tpu.memory_space<vmem_shared>> -> memref<128x128xf32, #tpu.memory_space<vmem_shared>>
      %dma_start3A_45 = arith.constant 0 : i32
      %dma_start3A_46 = arith.constant 0 : i32
      %dma_start3A_47 = tpu.memref_slice %arg9[%dma_start3A_45, %dma_start3A_46] : memref<200x128xf32, #tpu.memory_space<vmem>> -> memref<128x128xf32, #tpu.memory_space<vmem>>
      %dma_start3A_48 = arith.constant 0 : i32
      %dma_start3A_49 = tpu.memref_slice %arg10[%add3A_30, %dma_start3A_48] : memref<10240x128xf32, #tpu.memory_space<vmem_shared>> -> memref<128x128xf32, #tpu.memory_space<vmem_shared>>
      tpu.enqueue_dma source(%dma_start3A_49 : memref<128x128xf32, #tpu.memory_space<vmem_shared>>) target(%dma_start3A_47 : memref<128x128xf32, #tpu.memory_space<vmem>>) target_semaphore(%run_scoped3A : memref<!tpu.dma_semaphore, #tpu.memory_space<semaphore_mem>>)
      %dma_wait3A = arith.constant 0 : i32
      %dma_wait3A_50 = arith.constant 0 : i32
      %dma_wait3A_51 = tpu.memref_slice %arg9[%dma_wait3A, %dma_wait3A_50] : memref<200x128xf32, #tpu.memory_space<vmem>> -> memref<128x128xf32, #tpu.memory_space<vmem>>
      %dma_wait3A_52 = arith.constant 0 : i32
      %dma_wait3A_53 = tpu.memref_slice %arg10[%add3A_30, %dma_wait3A_52] : memref<10240x128xf32, #tpu.memory_space<vmem_shared>> -> memref<128x128xf32, #tpu.memory_space<vmem_shared>>
      %dma_wait3A_54 = arith.constant 0 : i32
      %dma_wait3A_55 = arith.constant 0 : i32
      %dma_wait3A_56 = tpu.memref_slice %arg9[%dma_wait3A_54, %dma_wait3A_55] : memref<200x128xf32, #tpu.memory_space<vmem>> -> memref<128x128xf32, #tpu.memory_space<vmem>>
      %dma_wait3A_57 = arith.constant 0 : i32
      %dma_wait3A_58 = tpu.memref_slice %arg10[%add3A_30, %dma_wait3A_57] : memref<10240x128xf32, #tpu.memory_space<vmem_shared>> -> memref<128x128xf32, #tpu.memory_space<vmem_shared>>
      tpu.wait_dma2 semaphore(%run_scoped3A : memref<!tpu.dma_semaphore, #tpu.memory_space<semaphore_mem>>) src(%dma_wait3A_58 : memref<128x128xf32, #tpu.memory_space<vmem_shared>>) dst(%dma_wait3A_56 : memref<128x128xf32, #tpu.memory_space<vmem>>)
      tpu.yield
    }) : () -> ()
    %add3A_31 = arith.constant 256 : i32
    %add3A_32 = arith.addi %mul3A_0, %add3A_31 : i32
    "tpu.region"() ({
      %run_scoped3A = tpu.sem_alloc : memref<!tpu.dma_semaphore, #tpu.memory_space<semaphore_mem>>
      %dma_start3A = arith.constant 0 : i32
      %dma_start3A_41 = arith.constant 0 : i32
      %dma_start3A_42 = tpu.memref_slice %arg9[%dma_start3A, %dma_start3A_41] : memref<200x128xf32, #tpu.memory_space<vmem>> -> memref<128x128xf32, #tpu.memory_space<vmem>>
      %dma_start3A_43 = arith.constant 0 : i32
      %dma_start3A_44 = tpu.memref_slice %arg6[%arg0, %add3A_32, %dma_start3A_43] : memref<2x10240x128xf32, #tpu.memory_space<hbm>> -> memref<1x128x128xf32, #tpu.memory_space<hbm>>
      %dma_start3A_45 = tpu.memref_squeeze %dma_start3A_44 : memref<1x128x128xf32, #tpu.memory_space<hbm>> -> memref<128x128xf32, #tpu.memory_space<hbm>>
      %dma_start3A_46 = arith.constant 0 : i32
      %dma_start3A_47 = tpu.memref_slice %arg6[%arg0, %add3A_32, %dma_start3A_46] : memref<2x10240x128xf32, #tpu.memory_space<hbm>> -> memref<1x128x128xf32, #tpu.memory_space<hbm>>
      %dma_start3A_48 = tpu.memref_squeeze %dma_start3A_47 : memref<1x128x128xf32, #tpu.memory_space<hbm>> -> memref<128x128xf32, #tpu.memory_space<hbm>>
      %dma_start3A_49 = arith.constant 0 : i32
      %dma_start3A_50 = arith.constant 0 : i32
      %dma_start3A_51 = tpu.memref_slice %arg9[%dma_start3A_49, %dma_start3A_50] : memref<200x128xf32, #tpu.memory_space<vmem>> -> memref<128x128xf32, #tpu.memory_space<vmem>>
      tpu.enqueue_dma source(%dma_start3A_51 : memref<128x128xf32, #tpu.memory_space<vmem>>) target(%dma_start3A_48 : memref<128x128xf32, #tpu.memory_space<hbm>>) target_semaphore(%run_scoped3A : memref<!tpu.dma_semaphore, #tpu.memory_space<semaphore_mem>>)
      %dma_wait3A = arith.constant 0 : i32
      %dma_wait3A_52 = arith.constant 0 : i32
      %dma_wait3A_53 = tpu.memref_slice %arg9[%dma_wait3A, %dma_wait3A_52] : memref<200x128xf32, #tpu.memory_space<vmem>> -> memref<128x128xf32, #tpu.memory_space<vmem>>
      %dma_wait3A_54 = arith.constant 0 : i32
      %dma_wait3A_55 = tpu.memref_slice %arg6[%arg0, %add3A_32, %dma_wait3A_54] : memref<2x10240x128xf32, #tpu.memory_space<hbm>> -> memref<1x128x128xf32, #tpu.memory_space<hbm>>
      %dma_wait3A_56 = tpu.memref_squeeze %dma_wait3A_55 : memref<1x128x128xf32, #tpu.memory_space<hbm>> -> memref<128x128xf32, #tpu.memory_space<hbm>>
      %dma_wait3A_57 = arith.constant 0 : i32
      %dma_wait3A_58 = tpu.memref_slice %arg6[%arg0, %add3A_32, %dma_wait3A_57] : memref<2x10240x128xf32, #tpu.memory_space<hbm>> -> memref<1x128x128xf32, #tpu.memory_space<hbm>>
      %dma_wait3A_59 = tpu.memref_squeeze %dma_wait3A_58 : memref<1x128x128xf32, #tpu.memory_space<hbm>> -> memref<128x128xf32, #tpu.memory_space<hbm>>
      %dma_wait3A_60 = arith.constant 0 : i32
      %dma_wait3A_61 = arith.constant 0 : i32
      %dma_wait3A_62 = tpu.memref_slice %arg9[%dma_wait3A_60, %dma_wait3A_61] : memref<200x128xf32, #tpu.memory_space<vmem>> -> memref<128x128xf32, #tpu.memory_space<vmem>>
      tpu.wait_dma2 semaphore(%run_scoped3A : memref<!tpu.dma_semaphore, #tpu.memory_space<semaphore_mem>>) src(%dma_wait3A_62 : memref<128x128xf32, #tpu.memory_space<vmem>>) dst(%dma_wait3A_59 : memref<128x128xf32, #tpu.memory_space<hbm>>)
      tpu.yield
    }) : () -> ()
    %add3A_33 = arith.constant 384 : i32
    %add3A_34 = arith.addi %mul3A_0, %add3A_33 : i32
    "tpu.region"() ({
      %run_scoped3A = tpu.sem_alloc : memref<!tpu.dma_semaphore, #tpu.memory_space<semaphore_mem>>
      %dma_start3A = arith.constant 0 : i32
      %dma_start3A_41 = arith.constant 0 : i32
      %dma_start3A_42 = tpu.memref_slice %arg9[%dma_start3A, %dma_start3A_41] : memref<200x128xf32, #tpu.memory_space<vmem>> -> memref<128x128xf32, #tpu.memory_space<vmem>>
      %dma_start3A_43 = arith.constant 0 : i32
      %dma_start3A_44 = tpu.memref_slice %arg10[%add3A_34, %dma_start3A_43] : memref<10240x128xf32, #tpu.memory_space<vmem_shared>> -> memref<128x128xf32, #tpu.memory_space<vmem_shared>>
      %dma_start3A_45 = arith.constant 0 : i32
      %dma_start3A_46 = arith.constant 0 : i32
      %dma_start3A_47 = tpu.memref_slice %arg9[%dma_start3A_45, %dma_start3A_46] : memref<200x128xf32, #tpu.memory_space<vmem>> -> memref<128x128xf32, #tpu.memory_space<vmem>>
      %dma_start3A_48 = arith.constant 0 : i32
      %dma_start3A_49 = tpu.memref_slice %arg10[%add3A_34, %dma_start3A_48] : memref<10240x128xf32, #tpu.memory_space<vmem_shared>> -> memref<128x128xf32, #tpu.memory_space<vmem_shared>>
      tpu.enqueue_dma source(%dma_start3A_49 : memref<128x128xf32, #tpu.memory_space<vmem_shared>>) target(%dma_start3A_47 : memref<128x128xf32, #tpu.memory_space<vmem>>) target_semaphore(%run_scoped3A : memref<!tpu.dma_semaphore, #tpu.memory_space<semaphore_mem>>)
      %dma_wait3A = arith.constant 0 : i32
      %dma_wait3A_50 = arith.constant 0 : i32
      %dma_wait3A_51 = tpu.memref_slice %arg9[%dma_wait3A, %dma_wait3A_50] : memref<200x128xf32, #tpu.memory_space<vmem>> -> memref<128x128xf32, #tpu.memory_space<vmem>>
      %dma_wait3A_52 = arith.constant 0 : i32
      %dma_wait3A_53 = tpu.memref_slice %arg10[%add3A_34, %dma_wait3A_52] : memref<10240x128xf32, #tpu.memory_space<vmem_shared>> -> memref<128x128xf32, #tpu.memory_space<vmem_shared>>
      %dma_wait3A_54 = arith.constant 0 : i32
      %dma_wait3A_55 = arith.constant 0 : i32
      %dma_wait3A_56 = tpu.memref_slice %arg9[%dma_wait3A_54, %dma_wait3A_55] : memref<200x128xf32, #tpu.memory_space<vmem>> -> memref<128x128xf32, #tpu.memory_space<vmem>>
      %dma_wait3A_57 = arith.constant 0 : i32
      %dma_wait3A_58 = tpu.memref_slice %arg10[%add3A_34, %dma_wait3A_57] : memref<10240x128xf32, #tpu.memory_space<vmem_shared>> -> memref<128x128xf32, #tpu.memory_space<vmem_shared>>
      tpu.wait_dma2 semaphore(%run_scoped3A : memref<!tpu.dma_semaphore, #tpu.memory_space<semaphore_mem>>) src(%dma_wait3A_58 : memref<128x128xf32, #tpu.memory_space<vmem_shared>>) dst(%dma_wait3A_56 : memref<128x128xf32, #tpu.memory_space<vmem>>)
      tpu.yield
    }) : () -> ()
    %add3A_35 = arith.constant 384 : i32
    %add3A_36 = arith.addi %mul3A_0, %add3A_35 : i32
    "tpu.region"() ({
      %run_scoped3A = tpu.sem_alloc : memref<!tpu.dma_semaphore, #tpu.memory_space<semaphore_mem>>
      %dma_start3A = arith.constant 0 : i32
      %dma_start3A_41 = arith.constant 0 : i32
      %dma_start3A_42 = tpu.memref_slice %arg9[%dma_start3A, %dma_start3A_41] : memref<200x128xf32, #tpu.memory_space<vmem>> -> memref<128x128xf32, #tpu.memory_space<vmem>>
      %dma_start3A_43 = arith.constant 0 : i32
      %dma_start3A_44 = tpu.memref_slice %arg6[%arg0, %add3A_36, %dma_start3A_43] : memref<2x10240x128xf32, #tpu.memory_space<hbm>> -> memref<1x128x128xf32, #tpu.memory_space<hbm>>
      %dma_start3A_45 = tpu.memref_squeeze %dma_start3A_44 : memref<1x128x128xf32, #tpu.memory_space<hbm>> -> memref<128x128xf32, #tpu.memory_space<hbm>>
      %dma_start3A_46 = arith.constant 0 : i32
      %dma_start3A_47 = tpu.memref_slice %arg6[%arg0, %add3A_36, %dma_start3A_46] : memref<2x10240x128xf32, #tpu.memory_space<hbm>> -> memref<1x128x128xf32, #tpu.memory_space<hbm>>
      %dma_start3A_48 = tpu.memref_squeeze %dma_start3A_47 : memref<1x128x128xf32, #tpu.memory_space<hbm>> -> memref<128x128xf32, #tpu.memory_space<hbm>>
      %dma_start3A_49 = arith.constant 0 : i32
      %dma_start3A_50 = arith.constant 0 : i32
      %dma_start3A_51 = tpu.memref_slice %arg9[%dma_start3A_49, %dma_start3A_50] : memref<200x128xf32, #tpu.memory_space<vmem>> -> memref<128x128xf32, #tpu.memory_space<vmem>>
      tpu.enqueue_dma source(%dma_start3A_51 : memref<128x128xf32, #tpu.memory_space<vmem>>) target(%dma_start3A_48 : memref<128x128xf32, #tpu.memory_space<hbm>>) target_semaphore(%run_scoped3A : memref<!tpu.dma_semaphore, #tpu.memory_space<semaphore_mem>>)
      %dma_wait3A = arith.constant 0 : i32
      %dma_wait3A_52 = arith.constant 0 : i32
      %dma_wait3A_53 = tpu.memref_slice %arg9[%dma_wait3A, %dma_wait3A_52] : memref<200x128xf32, #tpu.memory_space<vmem>> -> memref<128x128xf32, #tpu.memory_space<vmem>>
      %dma_wait3A_54 = arith.constant 0 : i32
      %dma_wait3A_55 = tpu.memref_slice %arg6[%arg0, %add3A_36, %dma_wait3A_54] : memref<2x10240x128xf32, #tpu.memory_space<hbm>> -> memref<1x128x128xf32, #tpu.memory_space<hbm>>
      %dma_wait3A_56 = tpu.memref_squeeze %dma_wait3A_55 : memref<1x128x128xf32, #tpu.memory_space<hbm>> -> memref<128x128xf32, #tpu.memory_space<hbm>>
      %dma_wait3A_57 = arith.constant 0 : i32
      %dma_wait3A_58 = tpu.memref_slice %arg6[%arg0, %add3A_36, %dma_wait3A_57] : memref<2x10240x128xf32, #tpu.memory_space<hbm>> -> memref<1x128x128xf32, #tpu.memory_space<hbm>>
      %dma_wait3A_59 = tpu.memref_squeeze %dma_wait3A_58 : memref<1x128x128xf32, #tpu.memory_space<hbm>> -> memref<128x128xf32, #tpu.memory_space<hbm>>
      %dma_wait3A_60 = arith.constant 0 : i32
      %dma_wait3A_61 = arith.constant 0 : i32
      %dma_wait3A_62 = tpu.memref_slice %arg9[%dma_wait3A_60, %dma_wait3A_61] : memref<200x128xf32, #tpu.memory_space<vmem>> -> memref<128x128xf32, #tpu.memory_space<vmem>>
      tpu.wait_dma2 semaphore(%run_scoped3A : memref<!tpu.dma_semaphore, #tpu.memory_space<semaphore_mem>>) src(%dma_wait3A_62 : memref<128x128xf32, #tpu.memory_space<vmem>>) dst(%dma_wait3A_59 : memref<128x128xf32, #tpu.memory_space<hbm>>)
      tpu.yield
    }) : () -> ()
    %add3A_37 = arith.constant 512 : i32
    %add3A_38 = arith.addi %mul3A_0, %add3A_37 : i32
    "tpu.region"() ({
      %run_scoped3A = tpu.sem_alloc : memref<!tpu.dma_semaphore, #tpu.memory_space<semaphore_mem>>
      %dma_start3A = arith.constant 0 : i32
      %dma_start3A_41 = arith.constant 0 : i32
      %dma_start3A_42 = tpu.memref_slice %arg9[%dma_start3A, %dma_start3A_41] : memref<200x128xf32, #tpu.memory_space<vmem>> -> memref<128x128xf32, #tpu.memory_space<vmem>>
      %dma_start3A_43 = arith.constant 0 : i32
      %dma_start3A_44 = tpu.memref_slice %arg10[%add3A_38, %dma_start3A_43] : memref<10240x128xf32, #tpu.memory_space<vmem_shared>> -> memref<128x128xf32, #tpu.memory_space<vmem_shared>>
      %dma_start3A_45 = arith.constant 0 : i32
      %dma_start3A_46 = arith.constant 0 : i32
      %dma_start3A_47 = tpu.memref_slice %arg9[%dma_start3A_45, %dma_start3A_46] : memref<200x128xf32, #tpu.memory_space<vmem>> -> memref<128x128xf32, #tpu.memory_space<vmem>>
      %dma_start3A_48 = arith.constant 0 : i32
      %dma_start3A_49 = tpu.memref_slice %arg10[%add3A_38, %dma_start3A_48] : memref<10240x128xf32, #tpu.memory_space<vmem_shared>> -> memref<128x128xf32, #tpu.memory_space<vmem_shared>>
      tpu.enqueue_dma source(%dma_start3A_49 : memref<128x128xf32, #tpu.memory_space<vmem_shared>>) target(%dma_start3A_47 : memref<128x128xf32, #tpu.memory_space<vmem>>) target_semaphore(%run_scoped3A : memref<!tpu.dma_semaphore, #tpu.memory_space<semaphore_mem>>)
      %dma_wait3A = arith.constant 0 : i32
      %dma_wait3A_50 = arith.constant 0 : i32
      %dma_wait3A_51 = tpu.memref_slice %arg9[%dma_wait3A, %dma_wait3A_50] : memref<200x128xf32, #tpu.memory_space<vmem>> -> memref<128x128xf32, #tpu.memory_space<vmem>>
      %dma_wait3A_52 = arith.constant 0 : i32
      %dma_wait3A_53 = tpu.memref_slice %arg10[%add3A_38, %dma_wait3A_52] : memref<10240x128xf32, #tpu.memory_space<vmem_shared>> -> memref<128x128xf32, #tpu.memory_space<vmem_shared>>
      %dma_wait3A_54 = arith.constant 0 : i32
      %dma_wait3A_55 = arith.constant 0 : i32
      %dma_wait3A_56 = tpu.memref_slice %arg9[%dma_wait3A_54, %dma_wait3A_55] : memref<200x128xf32, #tpu.memory_space<vmem>> -> memref<128x128xf32, #tpu.memory_space<vmem>>
      %dma_wait3A_57 = arith.constant 0 : i32
      %dma_wait3A_58 = tpu.memref_slice %arg10[%add3A_38, %dma_wait3A_57] : memref<10240x128xf32, #tpu.memory_space<vmem_shared>> -> memref<128x128xf32, #tpu.memory_space<vmem_shared>>
      tpu.wait_dma2 semaphore(%run_scoped3A : memref<!tpu.dma_semaphore, #tpu.memory_space<semaphore_mem>>) src(%dma_wait3A_58 : memref<128x128xf32, #tpu.memory_space<vmem_shared>>) dst(%dma_wait3A_56 : memref<128x128xf32, #tpu.memory_space<vmem>>)
      tpu.yield
    }) : () -> ()
    %add3A_39 = arith.constant 512 : i32
    %add3A_40 = arith.addi %mul3A_0, %add3A_39 : i32
    "tpu.region"() ({
      %run_scoped3A = tpu.sem_alloc : memref<!tpu.dma_semaphore, #tpu.memory_space<semaphore_mem>>
      %dma_start3A = arith.constant 0 : i32
      %dma_start3A_41 = arith.constant 0 : i32
      %dma_start3A_42 = tpu.memref_slice %arg9[%dma_start3A, %dma_start3A_41] : memref<200x128xf32, #tpu.memory_space<vmem>> -> memref<128x128xf32, #tpu.memory_space<vmem>>
      %dma_start3A_43 = arith.constant 0 : i32
      %dma_start3A_44 = tpu.memref_slice %arg6[%arg0, %add3A_40, %dma_start3A_43] : memref<2x10240x128xf32, #tpu.memory_space<hbm>> -> memref<1x128x128xf32, #tpu.memory_space<hbm>>
      %dma_start3A_45 = tpu.memref_squeeze %dma_start3A_44 : memref<1x128x128xf32, #tpu.memory_space<hbm>> -> memref<128x128xf32, #tpu.memory_space<hbm>>
      %dma_start3A_46 = arith.constant 0 : i32
      %dma_start3A_47 = tpu.memref_slice %arg6[%arg0, %add3A_40, %dma_start3A_46] : memref<2x10240x128xf32, #tpu.memory_space<hbm>> -> memref<1x128x128xf32, #tpu.memory_space<hbm>>
      %dma_start3A_48 = tpu.memref_squeeze %dma_start3A_47 : memref<1x128x128xf32, #tpu.memory_space<hbm>> -> memref<128x128xf32, #tpu.memory_space<hbm>>
      %dma_start3A_49 = arith.constant 0 : i32
      %dma_start3A_50 = arith.constant 0 : i32
      %dma_start3A_51 = tpu.memref_slice %arg9[%dma_start3A_49, %dma_start3A_50] : memref<200x128xf32, #tpu.memory_space<vmem>> -> memref<128x128xf32, #tpu.memory_space<vmem>>
      tpu.enqueue_dma source(%dma_start3A_51 : memref<128x128xf32, #tpu.memory_space<vmem>>) target(%dma_start3A_48 : memref<128x128xf32, #tpu.memory_space<hbm>>) target_semaphore(%run_scoped3A : memref<!tpu.dma_semaphore, #tpu.memory_space<semaphore_mem>>)
      %dma_wait3A = arith.constant 0 : i32
      %dma_wait3A_52 = arith.constant 0 : i32
      %dma_wait3A_53 = tpu.memref_slice %arg9[%dma_wait3A, %dma_wait3A_52] : memref<200x128xf32, #tpu.memory_space<vmem>> -> memref<128x128xf32, #tpu.memory_space<vmem>>
      %dma_wait3A_54 = arith.constant 0 : i32
      %dma_wait3A_55 = tpu.memref_slice %arg6[%arg0, %add3A_40, %dma_wait3A_54] : memref<2x10240x128xf32, #tpu.memory_space<hbm>> -> memref<1x128x128xf32, #tpu.memory_space<hbm>>
      %dma_wait3A_56 = tpu.memref_squeeze %dma_wait3A_55 : memref<1x128x128xf32, #tpu.memory_space<hbm>> -> memref<128x128xf32, #tpu.memory_space<hbm>>
      %dma_wait3A_57 = arith.constant 0 : i32
      %dma_wait3A_58 = tpu.memref_slice %arg6[%arg0, %add3A_40, %dma_wait3A_57] : memref<2x10240x128xf32, #tpu.memory_space<hbm>> -> memref<1x128x128xf32, #tpu.memory_space<hbm>>
      %dma_wait3A_59 = tpu.memref_squeeze %dma_wait3A_58 : memref<1x128x128xf32, #tpu.memory_space<hbm>> -> memref<128x128xf32, #tpu.memory_space<hbm>>
      %dma_wait3A_60 = arith.constant 0 : i32
      %dma_wait3A_61 = arith.constant 0 : i32
      %dma_wait3A_62 = tpu.memref_slice %arg9[%dma_wait3A_60, %dma_wait3A_61] : memref<200x128xf32, #tpu.memory_space<vmem>> -> memref<128x128xf32, #tpu.memory_space<vmem>>
      tpu.wait_dma2 semaphore(%run_scoped3A : memref<!tpu.dma_semaphore, #tpu.memory_space<semaphore_mem>>) src(%dma_wait3A_62 : memref<128x128xf32, #tpu.memory_space<vmem>>) dst(%dma_wait3A_59 : memref<128x128xf32, #tpu.memory_space<hbm>>)
      tpu.yield
    }) : () -> ()
    return
  }
}

module attributes {stable_mosaic.version = 14 : i64} {
  func.func @_tc1_body(%arg0: i32, %arg1: memref<1000x16xf32, #tpu.memory_space<vmem>>, %arg2: memref<1000x16xf32, #tpu.memory_space<vmem>>, %arg3: memref<1000x16xf32, #tpu.memory_space<vmem>>, %arg4: memref<16x128xf32, #tpu.memory_space<vmem>>, %arg5: memref<16x128xf32, #tpu.memory_space<vmem>>, %arg6: memref<1x128xf32, #tpu.memory_space<vmem>>, %arg7: memref<1000x128xf32, #tpu.memory_space<vmem>>) attributes {dimension_semantics = [#tpu.dimension_semantics<arbitrary>], iteration_bounds = array<i64: 10>, scalar_prefetch = 0 : i64, scratch_operands = 0 : i64, tpu.core_type = #tpu.core_type<tc>, window_params = [{transform_indices = @transform_0, window_bounds = array<i64: 1000, 16>}, {transform_indices = @transform_1, window_bounds = array<i64: 1000, 16>}, {transform_indices = @transform_2, window_bounds = array<i64: 1000, 16>}, {pipeline_mode = #tpu.pipeline_mode<synchronous>, transform_indices = @transform_3, window_bounds = array<i64: 16, 128>}, {pipeline_mode = #tpu.pipeline_mode<synchronous>, transform_indices = @transform_4, window_bounds = array<i64: 16, 128>}, {pipeline_mode = #tpu.pipeline_mode<synchronous>, transform_indices = @transform_5, window_bounds = array<i64: 1, 128>}, {transform_indices = @transform_6, window_bounds = array<i64: 1000, 128>}]} {
    %get3A = arith.constant 0 : index
    %get3A_0 = arith.constant 0 : index
    %get3A_1 = vector.load %arg1[%get3A, %get3A_0] : memref<1000x16xf32, #tpu.memory_space<vmem>>, vector<1000x16xf32>
    %get3A_2 = arith.constant 0 : index
    %get3A_3 = arith.constant 0 : index
    %get3A_4 = vector.load %arg2[%get3A_2, %get3A_3] : memref<1000x16xf32, #tpu.memory_space<vmem>>, vector<1000x16xf32>
    %add3A = arith.addf %get3A_1, %get3A_4 : vector<1000x16xf32>
    %get3A_5 = arith.constant 0 : index
    %get3A_6 = arith.constant 0 : index
    %get3A_7 = vector.load %arg4[%get3A_5, %get3A_6] : memref<16x128xf32, #tpu.memory_space<vmem>>, vector<16x128xf32>
    %dot_general3A = arith.constant dense<0.000000e+00> : vector<1000x128xf32>
    %dot_general3A_8 = tpu.matmul %add3A, %get3A_7, %dot_general3A {dimension_numbers = #tpu.dot_dimension_numbers<[1], [0], [0], [1], [0, 0, 1, 1], [], []>, transpose_lhs_hint = false} : vector<1000x16xf32>, vector<16x128xf32>, vector<1000x128xf32> -> vector<1000x128xf32>
    %get3A_9 = arith.constant 0 : index
    %get3A_10 = arith.constant 0 : index
    %get3A_11 = vector.load %arg6[%get3A_9, %get3A_10] : memref<1x128xf32, #tpu.memory_space<vmem>>, vector<1x128xf32>
    %add3A_12 = vector.broadcast %get3A_11 : vector<1x128xf32> to vector<1000x128xf32>
    %add3A_13 = arith.addf %dot_general3A_8, %add3A_12 : vector<1000x128xf32>
    %get3A_14 = arith.constant 0 : index
    %get3A_15 = arith.constant 0 : index
    %get3A_16 = vector.load %arg3[%get3A_14, %get3A_15] : memref<1000x16xf32, #tpu.memory_space<vmem>>, vector<1000x16xf32>
    %get3A_17 = arith.constant 0 : index
    %get3A_18 = arith.constant 0 : index
    %get3A_19 = vector.load %arg5[%get3A_17, %get3A_18] : memref<16x128xf32, #tpu.memory_space<vmem>>, vector<16x128xf32>
    %dot_general3A_20 = arith.constant dense<0.000000e+00> : vector<1000x128xf32>
    %dot_general3A_21 = tpu.matmul %get3A_16, %get3A_19, %dot_general3A_20 {dimension_numbers = #tpu.dot_dimension_numbers<[1], [0], [0], [1], [0, 0, 1, 1], [], []>, transpose_lhs_hint = false} : vector<1000x16xf32>, vector<16x128xf32>, vector<1000x128xf32> -> vector<1000x128xf32>
    %add3A_22 = arith.addf %add3A_13, %dot_general3A_21 : vector<1000x128xf32>
    %max3A = arith.constant 0.000000e+00 : f32
    %max3A_23 = vector.broadcast %max3A : f32 to vector<1000x128xf32>
    %max3A_24 = arith.maximumf %add3A_22, %max3A_23 : vector<1000x128xf32>
    %swap3A = arith.constant 0 : index
    %swap3A_25 = arith.constant 0 : index
    %swap3A_26 = vector.load %arg7[%swap3A, %swap3A_25] : memref<1000x128xf32, #tpu.memory_space<vmem>>, vector<1000x128xf32>
    tpu.vector_store %arg7[%swap3A, %swap3A_25], %max3A_24 {strides = array<i32>} : memref<1000x128xf32, #tpu.memory_space<vmem>>, vector<1000x128xf32>,
    return
  }
  func.func @transform_0(%arg0: i32) -> (i32, i32) {
    %c0_i32 = arith.constant 0 : i32
    %c0_i32_0 = arith.constant 0 : i32
    return %arg0, %c0_i32 : i32, i32
  }
  func.func @transform_1(%arg0: i32) -> (i32, i32) {
    %c0_i32 = arith.constant 0 : i32
    %c0_i32_0 = arith.constant 0 : i32
    return %arg0, %c0_i32 : i32, i32
  }
  func.func @transform_2(%arg0: i32) -> (i32, i32) {
    %c0_i32 = arith.constant 0 : i32
    %c0_i32_0 = arith.constant 0 : i32
    return %arg0, %c0_i32 : i32, i32
  }
  func.func @transform_3(%arg0: i32) -> (i32, i32) {
    %c0_i32 = arith.constant 0 : i32
    %c0_i32_0 = arith.constant 0 : i32
    %c0_i32_1 = arith.constant 0 : i32
    return %c0_i32, %c0_i32_0 : i32, i32
  }
  func.func @transform_4(%arg0: i32) -> (i32, i32) {
    %c0_i32 = arith.constant 0 : i32
    %c0_i32_0 = arith.constant 0 : i32
    %c0_i32_1 = arith.constant 0 : i32
    return %c0_i32, %c0_i32_0 : i32, i32
  }
  func.func @transform_5(%arg0: i32) -> (i32, i32) {
    %c0_i32 = arith.constant 0 : i32
    %c0_i32_0 = arith.constant 0 : i32
    %c0_i32_1 = arith.constant 0 : i32
    return %c0_i32, %c0_i32_0 : i32, i32
  }
  func.func @transform_6(%arg0: i32) -> (i32, i32) {
    %c0_i32 = arith.constant 0 : i32
    %c0_i32_0 = arith.constant 0 : i32
    return %arg0, %c0_i32 : i32, i32
  }
}

module attributes {stable_mosaic.version = 14 : i64} {
  func.func @_tc2_body(%arg0: i32, %arg1: memref<1000x128xf32, #tpu.memory_space<vmem>>, %arg2: memref<1000x128xf32, #tpu.memory_space<vmem>>, %arg3: memref<1000x128xf32, #tpu.memory_space<vmem>>, %arg4: memref<128x128xf32, #tpu.memory_space<vmem>>, %arg5: memref<128x128xf32, #tpu.memory_space<vmem>>, %arg6: memref<1x128xf32, #tpu.memory_space<vmem>>, %arg7: memref<1000x128xf32, #tpu.memory_space<vmem>>) attributes {dimension_semantics = [#tpu.dimension_semantics<arbitrary>], iteration_bounds = array<i64: 10>, scalar_prefetch = 0 : i64, scratch_operands = 0 : i64, tpu.core_type = #tpu.core_type<tc>, window_params = [{transform_indices = @transform_0, window_bounds = array<i64: 1000, 128>}, {transform_indices = @transform_1, window_bounds = array<i64: 1000, 128>}, {transform_indices = @transform_2, window_bounds = array<i64: 1000, 128>}, {pipeline_mode = #tpu.pipeline_mode<synchronous>, transform_indices = @transform_3, window_bounds = array<i64: 128, 128>}, {pipeline_mode = #tpu.pipeline_mode<synchronous>, transform_indices = @transform_4, window_bounds = array<i64: 128, 128>}, {pipeline_mode = #tpu.pipeline_mode<synchronous>, transform_indices = @transform_5, window_bounds = array<i64: 1, 128>}, {transform_indices = @transform_6, window_bounds = array<i64: 1000, 128>}]} {
    %get3A = arith.constant 0 : index
    %get3A_0 = arith.constant 0 : index
    %get3A_1 = vector.load %arg1[%get3A, %get3A_0] : memref<1000x128xf32, #tpu.memory_space<vmem>>, vector<1000x128xf32>
    %get3A_2 = arith.constant 0 : index
    %get3A_3 = arith.constant 0 : index
    %get3A_4 = vector.load %arg2[%get3A_2, %get3A_3] : memref<1000x128xf32, #tpu.memory_space<vmem>>, vector<1000x128xf32>
    %add3A = arith.addf %get3A_1, %get3A_4 : vector<1000x128xf32>
    %get3A_5 = arith.constant 0 : index
    %get3A_6 = arith.constant 0 : index
    %get3A_7 = vector.load %arg4[%get3A_5, %get3A_6] : memref<128x128xf32, #tpu.memory_space<vmem>>, vector<128x128xf32>
    %dot_general3A = arith.constant dense<0.000000e+00> : vector<1000x128xf32>
    %dot_general3A_8 = tpu.matmul %add3A, %get3A_7, %dot_general3A {dimension_numbers = #tpu.dot_dimension_numbers<[1], [0], [0], [1], [0, 0, 1, 1], [], []>, transpose_lhs_hint = false} : vector<1000x128xf32>, vector<128x128xf32>, vector<1000x128xf32> -> vector<1000x128xf32>
    %get3A_9 = arith.constant 0 : index
    %get3A_10 = arith.constant 0 : index
    %get3A_11 = vector.load %arg6[%get3A_9, %get3A_10] : memref<1x128xf32, #tpu.memory_space<vmem>>, vector<1x128xf32>
    %add3A_12 = vector.broadcast %get3A_11 : vector<1x128xf32> to vector<1000x128xf32>
    %add3A_13 = arith.addf %dot_general3A_8, %add3A_12 : vector<1000x128xf32>
    %get3A_14 = arith.constant 0 : index
    %get3A_15 = arith.constant 0 : index
    %get3A_16 = vector.load %arg3[%get3A_14, %get3A_15] : memref<1000x128xf32, #tpu.memory_space<vmem>>, vector<1000x128xf32>
    %get3A_17 = arith.constant 0 : index
    %get3A_18 = arith.constant 0 : index
    %get3A_19 = vector.load %arg5[%get3A_17, %get3A_18] : memref<128x128xf32, #tpu.memory_space<vmem>>, vector<128x128xf32>
    %dot_general3A_20 = arith.constant dense<0.000000e+00> : vector<1000x128xf32>
    %dot_general3A_21 = tpu.matmul %get3A_16, %get3A_19, %dot_general3A_20 {dimension_numbers = #tpu.dot_dimension_numbers<[1], [0], [0], [1], [0, 0, 1, 1], [], []>, transpose_lhs_hint = false} : vector<1000x128xf32>, vector<128x128xf32>, vector<1000x128xf32> -> vector<1000x128xf32>
    %add3A_22 = arith.addf %add3A_13, %dot_general3A_21 : vector<1000x128xf32>
    %max3A = arith.constant 0.000000e+00 : f32
    %max3A_23 = vector.broadcast %max3A : f32 to vector<1000x128xf32>
    %max3A_24 = arith.maximumf %add3A_22, %max3A_23 : vector<1000x128xf32>
    %swap3A = arith.constant 0 : index
    %swap3A_25 = arith.constant 0 : index
    %swap3A_26 = vector.load %arg7[%swap3A, %swap3A_25] : memref<1000x128xf32, #tpu.memory_space<vmem>>, vector<1000x128xf32>
    tpu.vector_store %arg7[%swap3A, %swap3A_25], %max3A_24 {strides = array<i32>} : memref<1000x128xf32, #tpu.memory_space<vmem>>, vector<1000x128xf32>,
    return
  }
  func.func @transform_0(%arg0: i32) -> (i32, i32) {
    %c0_i32 = arith.constant 0 : i32
    %c0_i32_0 = arith.constant 0 : i32
    return %arg0, %c0_i32 : i32, i32
  }
  func.func @transform_1(%arg0: i32) -> (i32, i32) {
    %c0_i32 = arith.constant 0 : i32
    %c0_i32_0 = arith.constant 0 : i32
    return %arg0, %c0_i32 : i32, i32
  }
  func.func @transform_2(%arg0: i32) -> (i32, i32) {
    %c0_i32 = arith.constant 0 : i32
    %c0_i32_0 = arith.constant 0 : i32
    return %arg0, %c0_i32 : i32, i32
  }
  func.func @transform_3(%arg0: i32) -> (i32, i32) {
    %c0_i32 = arith.constant 0 : i32
    %c0_i32_0 = arith.constant 0 : i32
    %c0_i32_1 = arith.constant 0 : i32
    return %c0_i32, %c0_i32_0 : i32, i32
  }
  func.func @transform_4(%arg0: i32) -> (i32, i32) {
    %c0_i32 = arith.constant 0 : i32
    %c0_i32_0 = arith.constant 0 : i32
    %c0_i32_1 = arith.constant 0 : i32
    return %c0_i32, %c0_i32_0 : i32, i32
  }
  func.func @transform_5(%arg0: i32) -> (i32, i32) {
    %c0_i32 = arith.constant 0 : i32
    %c0_i32_0 = arith.constant 0 : i32
    %c0_i32_1 = arith.constant 0 : i32
    return %c0_i32, %c0_i32_0 : i32, i32
  }
  func.func @transform_6(%arg0: i32) -> (i32, i32) {
    %c0_i32 = arith.constant 0 : i32
    %c0_i32_0 = arith.constant 0 : i32
    return %arg0, %c0_i32 : i32, i32
  }
}

module attributes {stable_mosaic.version = 14 : i64} {
  func.func @_tc3_body(%arg0: i32, %arg1: memref<1000x128xf32, #tpu.memory_space<vmem>>, %arg2: memref<1000x128xf32, #tpu.memory_space<vmem>>, %arg3: memref<1000x128xf32, #tpu.memory_space<vmem>>, %arg4: memref<1x1x1000xi32, #tpu.memory_space<vmem>>, %arg5: memref<128x128xf32, #tpu.memory_space<vmem>>, %arg6: memref<128x128xf32, #tpu.memory_space<vmem>>, %arg7: memref<1x128xf32, #tpu.memory_space<vmem>>, %arg8: memref<128x1xf32, #tpu.memory_space<vmem>>, %arg9: memref<1x1xf32, #tpu.memory_space<vmem>>, %arg10: memref<128x1xf32, #tpu.memory_space<vmem>>, %arg11: memref<1x1xf32, #tpu.memory_space<vmem>>, %arg12: memref<64x1xf32, #tpu.memory_space<vmem>>, %arg13: memref<64x1xf32, #tpu.memory_space<vmem>>, %arg14: memref<64x128xf32, #tpu.memory_space<vmem>>, %arg15: memref<1x64xf32, #tpu.memory_space<vmem>>) attributes {dimension_semantics = [#tpu.dimension_semantics<arbitrary>], iteration_bounds = array<i64: 10>, scalar_prefetch = 0 : i64, scratch_operands = 2 : i64, tpu.core_type = #tpu.core_type<tc>, window_params = [{transform_indices = @transform_0, window_bounds = array<i64: 1000, 128>}, {transform_indices = @transform_1, window_bounds = array<i64: 1000, 128>}, {transform_indices = @transform_2, window_bounds = array<i64: 1000, 128>}, {transform_indices = @transform_3, window_bounds = array<i64: 1, 1, 1000>}, {pipeline_mode = #tpu.pipeline_mode<synchronous>, transform_indices = @transform_4, window_bounds = array<i64: 128, 128>}, {pipeline_mode = #tpu.pipeline_mode<synchronous>, transform_indices = @transform_5, window_bounds = array<i64: 128, 128>}, {pipeline_mode = #tpu.pipeline_mode<synchronous>, transform_indices = @transform_6, window_bounds = array<i64: 1, 128>}, {pipeline_mode = #tpu.pipeline_mode<synchronous>, transform_indices = @transform_7, window_bounds = array<i64: 128, 1>}, {pipeline_mode = #tpu.pipeline_mode<synchronous>, transform_indices = @transform_8, window_bounds = array<i64: 1, 1>}, {pipeline_mode = #tpu.pipeline_mode<synchronous>, transform_indices = @transform_9, window_bounds = array<i64: 128, 1>}, {pipeline_mode = #tpu.pipeline_mode<synchronous>, transform_indices = @transform_10, window_bounds = array<i64: 1, 1>}, {pipeline_mode = #tpu.pipeline_mode<synchronous>, transform_indices = @transform_11, window_bounds = array<i64: 64, 1>}, {pipeline_mode = #tpu.pipeline_mode<synchronous>, transform_indices = @transform_12, window_bounds = array<i64: 64, 1>}]} {
    %eq3A = arith.constant 0 : i32
    %eq3A_0 = arith.cmpi eq, %arg0, %eq3A : i32
    %convert_element_type3A = arith.extui %eq3A_0 : i1 to i32
    %cond3A = arith.constant 0 : i32
    %cond3A_1 = arith.cmpi ne, %convert_element_type3A, %cond3A : i32
    scf.if %cond3A_1 {
      %broadcast_in_dim3A_56 = arith.constant 0.000000e+00 : f32
      %broadcast_in_dim3A_57 = vector.broadcast %broadcast_in_dim3A_56 : f32 to vector<64x128xf32>
      %swap3A_58 = arith.constant 0 : index
      %swap3A_59 = arith.constant 0 : index
      %swap3A_60 = vector.load %arg14[%swap3A_58, %swap3A_59] : memref<64x128xf32, #tpu.memory_space<vmem>>, vector<64x128xf32>
      tpu.vector_store %arg14[%swap3A_58, %swap3A_59], %broadcast_in_dim3A_57 {strides = array<i32>} : memref<64x128xf32, #tpu.memory_space<vmem>>, vector<64x128xf32>,
      %broadcast_in_dim3A_61 = arith.constant 0.000000e+00 : f32
      %broadcast_in_dim3A_62 = vector.broadcast %broadcast_in_dim3A_61 : f32 to vector<1x64xf32>
      %swap3A_63 = arith.constant 0 : index
      %swap3A_64 = arith.constant 0 : index
      %swap3A_65 = vector.load %arg15[%swap3A_63, %swap3A_64] : memref<1x64xf32, #tpu.memory_space<vmem>>, vector<1x64xf32>
      tpu.vector_store %arg15[%swap3A_63, %swap3A_64], %broadcast_in_dim3A_62 {strides = array<i32>} : memref<1x64xf32, #tpu.memory_space<vmem>>, vector<1x64xf32>,
    } else {
    }
    %get3A = arith.constant 0 : index
    %get3A_2 = arith.constant 0 : index
    %get3A_3 = vector.load %arg1[%get3A, %get3A_2] : memref<1000x128xf32, #tpu.memory_space<vmem>>, vector<1000x128xf32>
    %get3A_4 = arith.constant 0 : index
    %get3A_5 = arith.constant 0 : index
    %get3A_6 = vector.load %arg2[%get3A_4, %get3A_5] : memref<1000x128xf32, #tpu.memory_space<vmem>>, vector<1000x128xf32>
    %add3A = arith.addf %get3A_3, %get3A_6 : vector<1000x128xf32>
    %get3A_7 = arith.constant 0 : index
    %get3A_8 = arith.constant 0 : index
    %get3A_9 = vector.load %arg5[%get3A_7, %get3A_8] : memref<128x128xf32, #tpu.memory_space<vmem>>, vector<128x128xf32>
    %dot_general3A = arith.constant dense<0.000000e+00> : vector<1000x128xf32>
    %dot_general3A_10 = tpu.matmul %add3A, %get3A_9, %dot_general3A {dimension_numbers = #tpu.dot_dimension_numbers<[1], [0], [0], [1], [0, 0, 1, 1], [], []>, transpose_lhs_hint = false} : vector<1000x128xf32>, vector<128x128xf32>, vector<1000x128xf32> -> vector<1000x128xf32>
    %get3A_11 = arith.constant 0 : index
    %get3A_12 = arith.constant 0 : index
    %get3A_13 = vector.load %arg7[%get3A_11, %get3A_12] : memref<1x128xf32, #tpu.memory_space<vmem>>, vector<1x128xf32>
    %add3A_14 = vector.broadcast %get3A_13 : vector<1x128xf32> to vector<1000x128xf32>
    %add3A_15 = arith.addf %dot_general3A_10, %add3A_14 : vector<1000x128xf32>
    %get3A_16 = arith.constant 0 : index
    %get3A_17 = arith.constant 0 : index
    %get3A_18 = vector.load %arg3[%get3A_16, %get3A_17] : memref<1000x128xf32, #tpu.memory_space<vmem>>, vector<1000x128xf32>
    %get3A_19 = arith.constant 0 : index
    %get3A_20 = arith.constant 0 : index
    %get3A_21 = vector.load %arg6[%get3A_19, %get3A_20] : memref<128x128xf32, #tpu.memory_space<vmem>>, vector<128x128xf32>
    %dot_general3A_22 = arith.constant dense<0.000000e+00> : vector<1000x128xf32>
    %dot_general3A_23 = tpu.matmul %get3A_18, %get3A_21, %dot_general3A_22 {dimension_numbers = #tpu.dot_dimension_numbers<[1], [0], [0], [1], [0, 0, 1, 1], [], []>, transpose_lhs_hint = false} : vector<1000x128xf32>, vector<128x128xf32>, vector<1000x128xf32> -> vector<1000x128xf32>
    %add3A_24 = arith.addf %add3A_15, %dot_general3A_23 : vector<1000x128xf32>
    %get3A_25 = arith.constant 0 : index
    %get3A_26 = arith.constant 0 : index
    %get3A_27 = arith.constant 0 : index
    %get3A_28 = vector.load %arg4[%get3A_25, %get3A_26, %get3A_27] : memref<1x1x1000xi32, #tpu.memory_space<vmem>>, vector<1x1x1000xi32>
    %get3A_29 = vector.shape_cast %get3A_28 : vector<1x1x1000xi32> to vector<1000xi32>
    %broadcast_in_dim3A = vector.shape_cast %get3A_29 : vector<1000xi32> to vector<1000x1xi32>
    %iota3A = tpu.iota {dimensions = array<i32: 1>} : vector<1000x64xi32>
    %eq3A_30 = vector.broadcast %broadcast_in_dim3A : vector<1000x1xi32> to vector<1000x64xi32>
    %eq3A_31 = arith.cmpi eq, %eq3A_30, %iota3A : vector<1000x64xi32>
    %convert_element_type3A_32 = arith.extui %eq3A_31 : vector<1000x64xi1> to vector<1000x64xi32>
    %convert_element_type3A_33 = arith.sitofp %convert_element_type3A_32 : vector<1000x64xi32> to vector<1000x64xf32>
    %get3A_34 = arith.constant 0 : index
    %get3A_35 = arith.constant 0 : index
    %get3A_36 = vector.load %arg14[%get3A_34, %get3A_35] : memref<64x128xf32, #tpu.memory_space<vmem>>, vector<64x128xf32>
    %dot_general3A_37 = arith.constant dense<0.000000e+00> : vector<64x128xf32>
    %dot_general3A_38 = tpu.matmul %convert_element_type3A_33, %add3A_24, %dot_general3A_37 {dimension_numbers = #tpu.dot_dimension_numbers<[0], [0], [1], [1], [0, 1, 1, 1], [], []>, precision = #tpu.contract_precision<fp32>, transpose_lhs_hint = false} : vector<1000x64xf32>, vector<1000x128xf32>, vector<64x128xf32> -> vector<64x128xf32>
    %add3A_39 = arith.addf %get3A_36, %dot_general3A_38 : vector<64x128xf32>
    %swap3A = arith.constant 0 : index
    %swap3A_40 = arith.constant 0 : index
    %swap3A_41 = vector.load %arg14[%swap3A, %swap3A_40] : memref<64x128xf32, #tpu.memory_space<vmem>>, vector<64x128xf32>
    tpu.vector_store %arg14[%swap3A, %swap3A_40], %add3A_39 {strides = array<i32>} : memref<64x128xf32, #tpu.memory_space<vmem>>, vector<64x128xf32>,
    %get3A_42 = arith.constant 0 : index
    %get3A_43 = arith.constant 0 : index
    %get3A_44 = vector.load %arg15[%get3A_42, %get3A_43] : memref<1x64xf32, #tpu.memory_space<vmem>>, vector<1x64xf32>
    %reduce_sum3A = arith.constant dense<0.000000e+00> : vector<64xf32>
    %reduce_sum3A_45 = vector.multi_reduction <add>, %convert_element_type3A_33, %reduce_sum3A [0] : vector<1000x64xf32> to vector<64xf32>
    %broadcast_in_dim3A_46 = vector.shape_cast %reduce_sum3A_45 : vector<64xf32> to vector<1x64xf32>
    %add3A_47 = arith.addf %get3A_44, %broadcast_in_dim3A_46 : vector<1x64xf32>
    %swap3A_48 = arith.constant 0 : index
    %swap3A_49 = arith.constant 0 : index
    %swap3A_50 = vector.load %arg15[%swap3A_48, %swap3A_49] : memref<1x64xf32, #tpu.memory_space<vmem>>, vector<1x64xf32>
    tpu.vector_store %arg15[%swap3A_48, %swap3A_49], %add3A_47 {strides = array<i32>} : memref<1x64xf32, #tpu.memory_space<vmem>>, vector<1x64xf32>,
    %eq3A_51 = arith.constant 9 : i32
    %eq3A_52 = arith.cmpi eq, %arg0, %eq3A_51 : i32
    %convert_element_type3A_53 = arith.extui %eq3A_52 : i1 to i32
    %cond3A_54 = arith.constant 0 : i32
    %cond3A_55 = arith.cmpi ne, %convert_element_type3A_53, %cond3A_54 : i32
    scf.if %cond3A_55 {
      %get3A_56 = arith.constant 0 : index
      %get3A_57 = arith.constant 0 : index
      %get3A_58 = vector.load %arg15[%get3A_56, %get3A_57] : memref<1x64xf32, #tpu.memory_space<vmem>>, vector<1x64xf32>
      %get3A_59 = vector.shape_cast %get3A_58 : vector<1x64xf32> to vector<64xf32>
      %get3A_60 = arith.constant 0 : index
      %get3A_61 = arith.constant 0 : index
      %get3A_62 = vector.load %arg14[%get3A_60, %get3A_61] : memref<64x128xf32, #tpu.memory_space<vmem>>, vector<64x128xf32>
      %jit3A = arith.constant 1.000000e+00 : f32
      %max3A = vector.broadcast %jit3A : f32 to vector<64xf32>
      %max3A_63 = arith.maximumf %max3A, %get3A_59 : vector<64xf32>
      %broadcast_in_dim3A_64 = vector.shape_cast %max3A_63 : vector<64xf32> to vector<64x1xf32>
      %div3A = vector.broadcast %broadcast_in_dim3A_64 : vector<64x1xf32> to vector<64x128xf32>
      %div3A_65 = arith.divf %get3A_62, %div3A : vector<64x128xf32>
      %get3A_66 = arith.constant 0 : index
      %get3A_67 = arith.constant 0 : index
      %get3A_68 = vector.load %arg8[%get3A_66, %get3A_67] : memref<128x1xf32, #tpu.memory_space<vmem>>, vector<128x1xf32>
      %dot_general3A_69 = arith.constant dense<0.000000e+00> : vector<64x1xf32>
      %dot_general3A_70 = tpu.matmul %div3A_65, %get3A_68, %dot_general3A_69 {dimension_numbers = #tpu.dot_dimension_numbers<[1], [0], [0], [1], [0, 0, 1, 1], [], []>, transpose_lhs_hint = false} : vector<64x128xf32>, vector<128x1xf32>, vector<64x1xf32> -> vector<64x1xf32>
      %get3A_71 = arith.constant 0 : index
      %get3A_72 = arith.constant 0 : index
      %get3A_73 = vector.load %arg9[%get3A_71, %get3A_72] : memref<1x1xf32, #tpu.memory_space<vmem>>, vector<1x1xf32>
      %add3A_74 = vector.broadcast %get3A_73 : vector<1x1xf32> to vector<64x1xf32>
      %add3A_75 = arith.addf %dot_general3A_70, %add3A_74 : vector<64x1xf32>
      %swap3A_76 = arith.constant 0 : index
      %swap3A_77 = arith.constant 0 : index
      %swap3A_78 = vector.load %arg12[%swap3A_76, %swap3A_77] : memref<64x1xf32, #tpu.memory_space<vmem>>, vector<64x1xf32>
      tpu.vector_store %arg12[%swap3A_76, %swap3A_77], %add3A_75 {strides = array<i32>} : memref<64x1xf32, #tpu.memory_space<vmem>>, vector<64x1xf32>,
      %get3A_79 = arith.constant 0 : index
      %get3A_80 = arith.constant 0 : index
      %get3A_81 = vector.load %arg10[%get3A_79, %get3A_80] : memref<128x1xf32, #tpu.memory_space<vmem>>, vector<128x1xf32>
      %dot_general3A_82 = arith.constant dense<0.000000e+00> : vector<64x1xf32>
      %dot_general3A_83 = tpu.matmul %div3A_65, %get3A_81, %dot_general3A_82 {dimension_numbers = #tpu.dot_dimension_numbers<[1], [0], [0], [1], [0, 0, 1, 1], [], []>, transpose_lhs_hint = false} : vector<64x128xf32>, vector<128x1xf32>, vector<64x1xf32> -> vector<64x1xf32>
      %get3A_84 = arith.constant 0 : index
      %get3A_85 = arith.constant 0 : index
      %get3A_86 = vector.load %arg11[%get3A_84, %get3A_85] : memref<1x1xf32, #tpu.memory_space<vmem>>, vector<1x1xf32>
      %add3A_87 = vector.broadcast %get3A_86 : vector<1x1xf32> to vector<64x1xf32>
      %add3A_88 = arith.addf %dot_general3A_83, %add3A_87 : vector<64x1xf32>
      %swap3A_89 = arith.constant 0 : index
      %swap3A_90 = arith.constant 0 : index
      %swap3A_91 = vector.load %arg13[%swap3A_89, %swap3A_90] : memref<64x1xf32, #tpu.memory_space<vmem>>, vector<64x1xf32>
      tpu.vector_store %arg13[%swap3A_89, %swap3A_90], %add3A_88 {strides = array<i32>} : memref<64x1xf32, #tpu.memory_space<vmem>>, vector<64x1xf32>,
    } else {
    }
    return
  }
  func.func @transform_0(%arg0: i32) -> (i32, i32) {
    %c0_i32 = arith.constant 0 : i32
    %c0_i32_0 = arith.constant 0 : i32
    return %arg0, %c0_i32 : i32, i32
  }
  func.func @transform_1(%arg0: i32) -> (i32, i32) {
    %c0_i32 = arith.constant 0 : i32
    %c0_i32_0 = arith.constant 0 : i32
    return %arg0, %c0_i32 : i32, i32
  }
  func.func @transform_2(%arg0: i32) -> (i32, i32) {
    %c0_i32 = arith.constant 0 : i32
    %c0_i32_0 = arith.constant 0 : i32
    return %arg0, %c0_i32 : i32, i32
  }
  func.func @transform_3(%arg0: i32) -> (i32, i32, i32) {
    %c0_i32 = arith.constant 0 : i32
    %c0_i32_0 = arith.constant 0 : i32
    %c0_i32_1 = arith.constant 0 : i32
    return %arg0, %c0_i32, %c0_i32_0 : i32, i32, i32
  }
  func.func @transform_4(%arg0: i32) -> (i32, i32) {
    %c0_i32 = arith.constant 0 : i32
    %c0_i32_0 = arith.constant 0 : i32
    %c0_i32_1 = arith.constant 0 : i32
    return %c0_i32, %c0_i32_0 : i32, i32
  }
  func.func @transform_5(%arg0: i32) -> (i32, i32) {
    %c0_i32 = arith.constant 0 : i32
    %c0_i32_0 = arith.constant 0 : i32
    %c0_i32_1 = arith.constant 0 : i32
    return %c0_i32, %c0_i32_0 : i32, i32
  }
  func.func @transform_6(%arg0: i32) -> (i32, i32) {
    %c0_i32 = arith.constant 0 : i32
    %c0_i32_0 = arith.constant 0 : i32
    %c0_i32_1 = arith.constant 0 : i32
    return %c0_i32, %c0_i32_0 : i32, i32
  }
  func.func @transform_7(%arg0: i32) -> (i32, i32) {
    %c0_i32 = arith.constant 0 : i32
    %c0_i32_0 = arith.constant 0 : i32
    %c0_i32_1 = arith.constant 0 : i32
    return %c0_i32, %c0_i32_0 : i32, i32
  }
  func.func @transform_8(%arg0: i32) -> (i32, i32) {
    %c0_i32 = arith.constant 0 : i32
    %c0_i32_0 = arith.constant 0 : i32
    %c0_i32_1 = arith.constant 0 : i32
    return %c0_i32, %c0_i32_0 : i32, i32
  }
  func.func @transform_9(%arg0: i32) -> (i32, i32) {
    %c0_i32 = arith.constant 0 : i32
    %c0_i32_0 = arith.constant 0 : i32
    %c0_i32_1 = arith.constant 0 : i32
    return %c0_i32, %c0_i32_0 : i32, i32
  }
  func.func @transform_10(%arg0: i32) -> (i32, i32) {
    %c0_i32 = arith.constant 0 : i32
    %c0_i32_0 = arith.constant 0 : i32
    %c0_i32_1 = arith.constant 0 : i32
    return %c0_i32, %c0_i32_0 : i32, i32
  }
  func.func @transform_11(%arg0: i32) -> (i32, i32) {
    %c0_i32 = arith.constant 0 : i32
    %c0_i32_0 = arith.constant 0 : i32
    %c0_i32_1 = arith.constant 0 : i32
    return %c0_i32, %c0_i32_0 : i32, i32
  }
  func.func @transform_12(%arg0: i32) -> (i32, i32) {
    %c0_i32 = arith.constant 0 : i32
    %c0_i32_0 = arith.constant 0 : i32
    %c0_i32_1 = arith.constant 0 : i32
    return %c0_i32, %c0_i32_0 : i32, i32
  }
}

</mosaic_0001>

<sc_bundles>
// kernel: kernel.11.cloned.1.call-start
scs
__scs_entry_jumppad:
0x0: {  	(pc) =	sbr.rel $0x88, $3  }
0x1: {  	(tag) =	ssettag $0x0;
	lr =	simm.s32 $0x1  }
0x2: {  	[smem:$0x3F91] =	sst lr;
	_ =	strace $0xD0000000  }
0x3: {  	_ = 	snop  }
0x4: {  	_ = 	snop  }
0x5: {  	_ = 	snop  }
0x6: {  	_ = 	snop  }
0x7: {  	_ = 	snop  }
__scs_overlays_trampoline_lowered:
0x8: {  	[smem:$0x3FA0] =	sst s0  }
0x9: {  	[smem:$0x3FA1] =	sst s1  }
0xa: {  	[smem:$0x3FA2] =	sst s2  }
0xb: {  	[smem:$0x3FA3] =	sst s3  }
0xc: {  	[smem:$0x3FA4] =	sst s4  }
0xd: {  	[smem:$0x3FA5] =	sst s5  }
0xe: {  	[smem:$0x3FA6] =	sst s6  }
0xf: {  	[smem:$0x3FA7] =	sst s7  }
0x10: {  	[smem:$0x3FA8] =	sst s8  }
0x11: {  	[smem:$0x3FA9] =	sst s9;
	s0 =	simm.s32 @!p0 $0x0  }
0x12: {  	s1 =	sld [smem:$0x3F8F];
	s0 =	simm.s32 @p0 $0x1  }
0x13: {  	[smem:$0x3FAA] =	sst s0;
	s0 =	simm.s32 @!p1 $0x0  }
0x14: {  	s2 =	sld [smem:$0x3F8E];
	s0 =	simm.s32 @p1 $0x1  }
0x15: {  	[smem:$0x3FAB] =	sst s0;
	s0 =	simm.s32 @!p2 $0x0  }
0x16: {  	s3 =	sld [smem:$0x3FDB];
	s0 =	simm.s32 @p2 $0x1  }
0x17: {  	s4 =	simm.s32 $0x1BF5;
	[smem:$0x3FAD] =	sst s0  }
0x18: {  	s0 =	sld [smem:$0x3F90];
	_ =	swait.ge [sflag:s4], $0x0  }
0x19: {  	s7 =	sld [smem:$0x3F91]  }
0x1a: {  	s8 =	sadd.s32 $0xFFFFE003, lr  }
0x1b: {  	s9 =	sadd.s32 $0xFFFFFEF7, lr;
	s5 =	simm.s32 $0xFFFFFFFF;
	p2 =	slt.u32 s8, $0xFFFFF086  }
0x1c: {  	p1 =	slt.u32 s9, $0xF7A;
	s5 =	simm.s32 @!p2 $0x0  }
0x1d: {  	s5 =	simm.s32 @p1 $0x1;
	p0 =	seq.s32 s7, s2  }
0x1e: {  	s7 =	smul.u32 @!p0 $0xF7A, s2;
	p2 =	seq.s32 @!p0 s5, $0x0  }
0x1f: {  	s9 =	smul.u32 $0xF7A, s1;
	s8 =	simm.s32 @!p0 $0x1BF5;
	p2 =	por !p2, p0  }
0x20: {  	[sflag:s8] =	ssyncset.s32 @!p0 $0xFFFFF086;
	s6 =	sadd.s32 @!p0 s3, s7;
	s7 =	simm.s32 @!p0 $0x108  }
0x21: {  	s3 =	sadd.s32 s3, s9;
	s6 =	sadd.s32 @!p0 $0x88, s6;
	s7 =	simm.s32 @p2 $0x1082  }
0x22: {  	[simem:s7], [sflag:s8] =	dma.local @!p0 [hbm:s6], $0xF7A  }
0x23: {  	s9 =	sor.u32 $0xD0000000, s2;
	s6 =	simm.s32 $0x108;
	_ =	swait.ge @!p0 [sflag:s8], $0x0  }
0x24: {  	s3 =	sadd.s32 $0x88, s3;
	s6 =	simm.s32 @!p1 $0x1082;
	[sflag:s4] =	ssyncset.s32 $0xFFFFF086  }
0x25: {  	[simem:s6], [sflag:s4] =	dma.local [hbm:s3], $0xF7A  }
0x26: {  	[smem:$0x3F91] =	sst s1;
	(tag) =	ssettag s2;
	_ =	strace s9  }
0x27: {  	s1 =	sld [smem:$0x3FA1]  }
0x28: {  	s2 =	sld [smem:$0x3FA2]  }
0x29: {  	s4 =	sld [smem:$0x3FA4]  }
0x2a: {  	p0 =	seq.s32 s5, $0x0;
	s5 =	sld [smem:$0x3FA5]  }
0x2b: {  	s6 =	sld [smem:$0x3FA6]  }
0x2c: {  	s7 =	sld [smem:$0x3FA7]  }
0x2d: {  	s3 =	simm.s32 $0x108;
	s8 =	sld [smem:$0x3FA8]  }
0x2e: {  	s3 =	simm.s32 @!p0 $0x1082;
	s9 =	sld [smem:$0x3FA9]  }
0x2f: {  	lr =	sadd.s32 s0, s3;
	s0 =	sld [smem:$0x3FA0]  }
0x30: {  	s3 =	sld [smem:$0x3FA3]  }
0x31: {  	[smem:$0x3FAC] =	sst s10  }
0x32: {  	s10 =	sld [smem:$0x3FAA];
	_ =	sdelay $0x3  }
0x33: {  	p0 =	seq.s32 s10, $0x1;
	s10 =	sld [smem:$0x3FAC];
	_ =	sdelay $0x3  }
0x34: {  	[smem:$0x3FAC] =	sst s10  }
0x35: {  	s10 =	sld [smem:$0x3FAB];
	_ =	sdelay $0x3  }
0x36: {  	p1 =	seq.s32 s10, $0x1;
	s10 =	sld [smem:$0x3FAC];
	_ =	sdelay $0x3  }
0x37: {  	[smem:$0x3FAC] =	sst s10  }
0x38: {  	s10 =	sld [smem:$0x3FAD]  }
0x39: {  	_ = 	snop;
	(pc) =	sbr.ind lr, $3  }
0x3a: {  	_ = 	snop  }
0x3b: {  	_ = 	snop  }
0x3c: {  	p2 =	seq.s32 s10, $0x1;
	s10 =	sld [smem:$0x3FAC]  }
0x3d: {  	_ =	shalt  }
0x3e: {  	_ =	shalt  }
0x3f: {  	_ =	shalt  }
0x40: {  	_ =	shalt  }
0x41: {  	_ =	shalt  }
0x42: {  	_ =	shalt  }
0x43: {  	_ =	shalt  }
0x44: {  	_ =	shalt  }
0x45: {  	_ =	shalt  }
0x46: {  	_ =	shalt  }
0x47: {  	_ =	shalt  }
0x48: {  	_ =	shalt  }
0x49: {  	_ =	shalt  }
0x4a: {  	_ =	shalt  }
0x4b: {  	_ =	shalt  }
0x4c: {  	_ =	shalt  }
0x4d: {  	_ =	shalt  }
0x4e: {  	_ =	shalt  }
0x4f: {  	_ =	shalt  }
0x50: {  	_ =	shalt  }
0x51: {  	_ =	shalt  }
0x52: {  	_ =	shalt  }
0x53: {  	_ =	shalt  }
0x54: {  	_ =	shalt  }
0x55: {  	_ =	shalt  }
0x56: {  	_ =	shalt  }
0x57: {  	_ =	shalt  }
0x58: {  	_ =	shalt  }
0x59: {  	_ =	shalt  }
0x5a: {  	_ =	shalt  }
0x5b: {  	_ =	shalt  }
0x5c: {  	_ =	shalt  }
0x5d: {  	_ =	shalt  }
0x5e: {  	_ =	shalt  }
0x5f: {  	_ =	shalt  }
0x60: {  	_ =	shalt  }
0x61: {  	_ =	shalt  }
0x62: {  	_ =	shalt  }
0x63: {  	_ =	shalt  }
0x64: {  	_ =	shalt  }
0x65: {  	_ =	shalt  }
0x66: {  	_ =	shalt  }
0x67: {  	_ =	shalt  }
0x68: {  	_ =	shalt  }
0x69: {  	_ =	shalt  }
0x6a: {  	_ =	shalt  }
0x6b: {  	_ =	shalt  }
0x6c: {  	_ =	shalt  }
0x6d: {  	_ =	shalt  }
0x6e: {  	_ =	shalt  }
0x6f: {  	_ =	shalt  }
0x70: {  	_ =	shalt  }
0x71: {  	_ =	shalt  }
0x72: {  	_ =	shalt  }
0x73: {  	_ =	shalt  }
0x74: {  	_ =	shalt  }
0x75: {  	_ =	shalt  }
0x76: {  	_ =	shalt  }
0x77: {  	_ =	shalt  }
0x78: {  	_ =	shalt  }
0x79: {  	_ =	shalt  }
0x7a: {  	_ =	shalt  }
0x7b: {  	_ =	shalt  }
0x7c: {  	_ =	shalt  }
0x7d: {  	_ =	shalt  }
0x7e: {  	_ =	shalt  }
0x7f: {  	_ =	shalt  }
0x80: {  	_ =	shalt  }
0x81: {  	_ =	shalt  }
0x82: {  	_ =	shalt  }
0x83: {  	_ =	shalt  }
0x84: {  	_ =	shalt  }
0x85: {  	_ =	shalt  }
0x86: {  	_ =	shalt  }
0x87: {  	_ =	shalt  }
.Lfunc_end0:
.L_simem_size_0:
called_computation.1_lowered:
.L_overlay_start_0:
0x88: {  	s2 =	sld [smem:$0x3FD9]  }
0x89: {  	s3 =	sld [smem:$0x3FFE];
	_ =	sdelay $0x1  }
0x8a: {  	s1 =	srdreg.scid  }
0x8b: {  	s0 =	sand.u32 $0x1, s1  }
0x8c: {  	s16 =	sshll.u32 s0, $0xA;
	s2 =	sadd.s32 s3, s2  }
0x8d: {  	s2 =	sadd.s32 s2, s16  }
0x8e: {  	[smem:$0x3FB8] =	sst s2  }
0x8f: {  	_ = 	snop  }
0x90: {  	(tm) =	ssettm $0x1  }
0x91: {  	s17 =	sld [smem:$0x3FFB];
	_ =	sdelay $0x3  }
0x92: {  	_ =	strace s17  }
0x93: {  	s2 =	sld [smem:$0x3FFC];
	_ =	sdelay $0x3  }
0x94: {  	_ =	strace s2  }
0x95: {  	s2 =	sld [smem:$0x3FFD];
	_ =	sdelay $0x3  }
0x96: {  	_ =	strace s2  }
0x97: {  	_ =	strace $0x8FFFFFFF  }
0x98: {  	s18 =	sld [smem:$0x3FDB];
	_ =	sdelay $0x1  }
0x99: {  	s19 =	simm.s32 $_scs_section_size  }
0x9a: {  	s4 =	simm.s32 $_size__tile_overlayer_lowered;
	s5 =	simm.s32 $_tile_overlayer_lowered  }
0x9b: {  	s22 =	simm.s32 $0x1BFF;
	s21 =	sshll.u32 s5, $0x1;
	s2 =	sadd.s32 s19, s18  }
0x9c: {  	s6 =	simm.s32 $0x0;
	s20 =	sshll.u32 s4, $0x1;
	s4 =	sadd.s32 s21, s2  }
0x9d: {  	[timem:s6], [sflag:s22] =	dma.local [hbm:s4], s20  }
0x9e: {  	_ =	swait.ge [sflag:s22], s20  }
0x9f: {  	s3 =	ssub.s32 $0x0, s20;
	[sflag:s22] =	ssyncset.done $0x0  }
0xa0: {  	[sflag:s22] =	ssyncadd.s32 s3;
	_ =	sdelay $0x1  }
0xa1: {  	s23 =	simm.s32 $0x1B8B  }
0xa2: {  	_ =	swait.ge [sflag:s23], $0x1  }
0xa3: {  	[sflag:s23] =	ssyncset.done $0x0  }
0xa4: {  	s25 =	simm.s32 $0x1B8E;
	s24 =	sld [smem:$0x3FFE];
	[sflag:s23] =	ssyncadd.s32 $0xFFFFFFFF  }
0xa5: {  	s26 =	simm.s32 $execute0_lowered;
	[smem:$0x3FD2] =	sst s25  }
0xa6: {  	s4 =	sshll.u32 s26, $0x1;
	_ =	strace $0x80000049;
	[dreg:$0x1] =	wrdreg $0xFFFFFFFF  }
0xa7: {  	s28 =	simm.s32 $_size_execute0_lowered;
	s2 =	sadd.s32 s2, s4;
	[dreg:$0x0] =	wrdreg $0x0  }
0xa8: {  	s4 =	sshll.u32 s28, $0x1;
	[dreg:$0x2] =	wrdreg s2  }
0xa9: {  	[dreg:$0x3] =	wrdreg s4  }
0xaa: {  	[dreg:$0x4] =	wrdreg $0xC0  }
0xab: {  	_ =	task [dreg:s6], $0x5FFFF  }
0xac: {  	[dreg:$0x1] =	wrdreg $0xFFFFFFFF  }
0xad: {  	[dreg:$0x0] =	wrdreg $0x60  }
0xae: {  	[dreg:$0x2] =	wrdreg s24  }
0xaf: {  	[dreg:$0x3] =	wrdreg $0x66000  }
0xb0: {  	[dreg:$0x4] =	wrdreg $0x9  }
0xb1: {  	_ =	task.clear_ibuf [dreg:s6], $0x5FFFF;
	_ =	strace $0x90000049  }
0xb2: {  	s29 =	simm.s32 $0x9;
	_ =	strace $0x8000004B  }
0xb3: {  	_ =	swait.ge [sflag:s29], $0x1  }
0xb4: {  	[sflag:s29] =	ssyncadd.s32 $0xFFFFFFFF  }
0xb5: {  	_ =	strace $0x9000004B  }
0xb6: {  	_ =	sfence  }
0xb7: {  	s30 =	sld [smem:$0x0];
	_ =	sdelay $0x2  }
0xb8: {  	s31 =	sshll.u32 s1, $0xD;
	s1 =	sshrl.u32 s1, $0x2  }
0xb9: {  	s3 =	sand.u32 $0x4000, s31;
	s1 =	sadd.s32 s1, s30  }
0xba: {  	s0 =	sor.u32 s3, s0;
	s1 =	sshll.u32 s1, $0x11  }
0xbb: {  	s0 =	sor.u32 s1, s0  }
0xbc: {  	s0 =	sadd.s32 $0x8F2B, s0  }
0xbd: {  	[sflag:s0] =	ssyncadd.remote.s32 $0x1  }
0xbe: {  	_ =	sfence.sel $0xFFFF  }
0xbf: {  	[dreg:$0x0] =	wrdreg $0xFFFFFFFF;
	(pc) =	sbr.abs _section_cstart, $3  }
0xc0: {  	[dreg:$0x1] =	wrdreg $0xFFFFFFFF  }
0xc1: {  	_ =	task.clear_ibuf [dreg:s6], $0x2FFFF;
	_ =	strace $0x9FFFFFFF  }
0xc2: {  	(tm) =	ssettm $0x7FFFFFFF  }
0xc3: {  	_ =	shalt  }
tec
execute0_lowered:
.L_overlay_start_1:
0x0: {  	(tag) =	ssettag $0x1  }
0x1: {  	s6 =	rddreg [dreg:$0x0]  }
0x2: {  	s1 =	srdreg.scid;
	s0 =	stileid.u32  }
0x3: {  	s2 =	rddreg [dreg:$0x1];
	s3 =	simm.s32 $0x0;
	s20 =	simm.s32 $0x2  }
0x4: {  	s21 =	simm.s32 $0x100;
	s22 =	simm.s32 $0xC8;
	s4 =	smul.u32 $0x4E20, s0  }
0x5: {  	s23 =	simm.s32 $0x1;
	s24 =	simm.s32 $0x0;
	s8 =	smul.u32 $0x50000, s0  }
0x6: {  	s7 =	sand.u32 $0x1, s1;
	s1 =	rddreg [dreg:$0x2];
	s11 =	smul.u32 $0x14000, s0  }
0x7: {  	[smem:$0x7FF] =	sst s3;
	s15 =	sadd.s32 $0x66800, s6;
	s5 =	smul.u32 $0x2710, s7  }
0x8: {  	_ =	strace $0x8000004A;
	s9 =	ssub.s32 $0x2, s7;
	s14 =	smul.u32 $0x140000, s7  }
0x9: {  	s10 =	sshrl.u32 s9, $0x1;
	s8 =	sshrl.u32 s8, $0x2;
	s29 =	sadd.s32 $0x4000, s11  }
0xa: {  	s13 =	sadd.s32 $0x8000, s11;
	s17 =	sadd.s32 $0xC000, s11;
	s19 =	sadd.s32 $0x10000, s11  }
0xb: {  	s5 =	sadd.s32 s5, s4;
	s4 =	sadd.s32 $0x17600, s6;
	s16 =	ssub.s32 s9, s10  }
0xc: {  	s7 =	sadd.s32 s29, s2;
	s9 =	sadd.s32 s17, s2;
	s12 =	sadd.s32 s11, s14  }
0xd: {  	s10 =	sadd.s32 s14, s29;
	s17 =	sadd.s32 s14, s17;
	s5 =	sshrl.u32 s5, $0x3  }
0xe: {  	s30 =	sshrl.u32 s12, $0x3;
	s31 =	sshrl.u32 s10, $0x3;
	s10 =	sadd.s32 s19, s2  }
0xf: {  	s17 =	sshrl.u32 s17, $0x3;
	s16 =	smax.u32 s16, $0x1;
	s18 =	sadd.s32 s5, s6  }
0x10: {  	s5 =	sadd.s32 $0x3E800, s6;
	s6 =	sadd.s32 s8, s2;
	s8 =	sadd.s32 s13, s2  }
0x11: {  	s11 =	sadd.s32 s15, s30;
	s13 =	sadd.s32 s14, s13;
	s14 =	sadd.s32 s14, s19  }
0x12: {  	s12 =	sadd.s32 s15, s31;
	s13 =	sshrl.u32 s13, $0x3;
	s19 =	sshrl.u32 s14, $0x3  }
0x13: {  	s14 =	sadd.s32 s15, s17;
	s17 =	sadd.s32 $0x3A00, s18;
	s18 =	sadd.s32 $0xD800, s18  }
0x14: {  	s13 =	sadd.s32 s15, s13;
	s15 =	sadd.s32 s15, s19;
	s19 =	simm.s32 $0x200  }
.LBB2_1:
0x15: {  	[tilespmem:s19], [sflag:$0x2] =	stream.linear.gather [hbm4b:s5+s3], $0x4000, $0x38;
	[tilespmem:$0x1A600] =	vst v63  }
0x16: {  	_ =	swait.ge [sflag:s20], $0x4000  }
0x17: {  	[sflag:s20] =	ssyncset.done $0x0  }
0x18: {  	[sflag:s20] =	ssyncadd.s32 $0xFFFFC000  }
0x19: {  	[spmem:s6] =	stream.linear.scatter [tilespmem:s19], [sflag:$0x2], $0x4000, $0x38;
	[tilespmem:$0x1A600] =	vst v63  }
0x1a: {  	_ =	swait.ge [sflag:s20], $0x4000  }
0x1b: {  	[sflag:s20] =	ssyncset.done $0x0  }
0x1c: {  	[sflag:s20] =	ssyncadd.s32 $0xFFFFC000  }
0x1d: {  	[spmem:s7] =	stream.linear.scatter [tilespmem:s19], [sflag:$0x2], $0x4000, $0x38;
	[tilespmem:$0x1A600] =	vst v63  }
0x1e: {  	_ =	swait.ge [sflag:s20], $0x4000  }
0x1f: {  	[sflag:s20] =	ssyncset.done $0x0  }
0x20: {  	[sflag:s20] =	ssyncadd.s32 $0xFFFFC000  }
0x21: {  	[spmem:s8] =	stream.linear.scatter [tilespmem:s19], [sflag:$0x2], $0x4000, $0x38;
	[tilespmem:$0x1A600] =	vst v63  }
0x22: {  	_ =	swait.ge [sflag:s20], $0x4000  }
0x23: {  	[sflag:s20] =	ssyncset.done $0x0  }
0x24: {  	[sflag:s20] =	ssyncadd.s32 $0xFFFFC000  }
0x25: {  	[spmem:s9] =	stream.linear.scatter [tilespmem:s19], [sflag:$0x2], $0x4000, $0x38;
	[tilespmem:$0x1A600] =	vst v63  }
0x26: {  	_ =	swait.ge [sflag:s20], $0x4000  }
0x27: {  	[sflag:s20] =	ssyncset.done $0x0  }
0x28: {  	[sflag:s20] =	ssyncadd.s32 $0xFFFFC000  }
0x29: {  	[spmem:s10] =	stream.linear.scatter [tilespmem:s19], [sflag:$0x2], $0x4000, $0x38;
	[tilespmem:$0x1A600] =	vst v63  }
0x2a: {  	_ =	swait.ge [sflag:s20], $0x4000  }
0x2b: {  	[sflag:s20] =	ssyncset.done $0x0  }
0x2c: {  	[sflag:s20] =	ssyncadd.s32 $0xFFFFC000  }
0x2d: {  	s25 =	sadd.s32 $0x0, s18;
	[bflag:$0x0] =	sbarrier.arrive $0xFFFF  }
0x2e: {  	[tilespmem:s3], [sflag:$0x2] =	stream.linear.gather [hbm4b:s25+s3], $0xC8, $0x38;
	[tilespmem:$0x1A600] =	vst v63  }
0x2f: {  	_ =	swait.ge [sflag:s20], $0xC8  }
0x30: {  	[sflag:s20] =	ssyncset.done $0x0  }
0x31: {  	s31 =	sadd.s32 $0x0, s17;
	[sflag:s20] =	ssyncadd.s32 $0xFFFFFF38  }
0x32: {  	[tilespmem:s21], [sflag:$0x2] =	stream.linear.gather [hbm4b:s31+s3], $0xC8, $0x38;
	[tilespmem:$0x1A600] =	vst v63  }
0x33: {  	_ =	swait.ge [sflag:s20], $0xC8  }
0x34: {  	[sflag:s20] =	ssyncset.done $0x0  }
0x35: {  	[sflag:s20] =	ssyncadd.s32 $0xFFFFFF38  }
0x36: {  	[tilespmem:s19], [sflag:$0x1] =	stream.indirect.gather [hbm4b:s4+s22], $0x80, s3, s22, $0xb8;
	[tilespmem:$0x1A600] =	vst v63  }
0x37: {  	_ =	swait.ge [sflag:s23], $0x6400  }
0x38: {  	[sflag:s23] =	ssyncset.done $0x0  }
0x39: {  	[sflag:s23] =	ssyncadd.s32 $0xFFFF9C00  }
0x3a: {  	[spmem:s2] =	stream.indirect.scatter.add.f32 [tilespmem:s19], [sflag:$0x2], $0x80, s21, s22, $0xb8;
	[tilespmem:$0x1A600] =	vst v63  }
0x3b: {  	_ =	swait.ge [sflag:s20], $0x6400  }
0x3c: {  	s26 =	simm.s32 $0x32;
	s25 =	simm.s32 $0x19;
	[sflag:s20] =	ssyncset.done $0x0  }
.LBB2_2:
0x3d: {  	s28 =	sadd.s32 s25, s18  }
0x3e: {  	[sflag:s20] =	ssyncadd.s32 $0xFFFF9C00;
	s29 =	smov.u32 s26;
	s30 =	sadd.s32 $0x19, s26  }
0x3f: {  	[tilespmem:s3], [sflag:$0x2] =	stream.linear.gather [hbm4b:s28+s3], $0xC8, $0x38;
	[tilespmem:$0x1A600] =	vst v63  }
0x40: {  	p0 =	sne.s32 s26, $0x4C9;
	_ =	swait.ge [sflag:s20], $0xC8  }
0x41: {  	[sflag:s20] =	ssyncset.done $0x0  }
0x42: {  	s26 =	sadd.s32 s25, s17;
	s25 =	smov.u32 s29;
	[sflag:s20] =	ssyncadd.s32 $0xFFFFFF38  }
0x43: {  	[tilespmem:s21], [sflag:$0x2] =	stream.linear.gather [hbm4b:s26+s3], $0xC8, $0x38;
	[tilespmem:$0x1A600] =	vst v63  }
0x44: {  	_ =	swait.ge [sflag:s20], $0xC8  }
0x45: {  	[sflag:s20] =	ssyncset.done $0x0  }
0x46: {  	[sflag:s20] =	ssyncadd.s32 $0xFFFFFF38  }
0x47: {  	[tilespmem:s19], [sflag:$0x1] =	stream.indirect.gather [hbm4b:s4+s22], $0x80, s3, s22, $0xb8;
	[tilespmem:$0x1A600] =	vst v63  }
0x48: {  	_ =	swait.ge [sflag:s23], $0x6400  }
.Ltmp0:
0x49: {  	[sflag:s23] =	ssyncset.done $0x0;
	(pc) =	sbr.rel @p0 .LBB2_2-.Ltmp0, $4  }
0x4a: {  	[sflag:s23] =	ssyncadd.s32 $0xFFFF9C00  }
0x4b: {  	[spmem:s2] =	stream.indirect.scatter.add.f32 [tilespmem:s19], [sflag:$0x2], $0x80, s21, s22, $0xb8;
	[tilespmem:$0x1A600] =	vst v63  }
0x4c: {  	_ =	swait.ge [sflag:s20], $0x6400  }
0x4d: {  	s26 =	smov.u32 s30;
	[sflag:s20] =	ssyncset.done $0x0  }
0x4e: {  	s26 =	sadd.s32 s25, s18;
	[sflag:s20] =	ssyncadd.s32 $0xFFFF9C00  }
0x4f: {  	[tilespmem:s3], [sflag:$0x2] =	stream.linear.gather [hbm4b:s26+s3], $0xC8, $0x38;
	[tilespmem:$0x1A600] =	vst v63  }
0x50: {  	_ =	swait.ge [sflag:s20], $0xC8  }
0x51: {  	[sflag:s20] =	ssyncset.done $0x0  }
0x52: {  	s31 =	sadd.s32 s25, s17;
	[sflag:s20] =	ssyncadd.s32 $0xFFFFFF38  }
0x53: {  	[tilespmem:s21], [sflag:$0x2] =	stream.linear.gather [hbm4b:s31+s3], $0xC8, $0x38;
	[tilespmem:$0x1A600] =	vst v63  }
0x54: {  	_ =	swait.ge [sflag:s20], $0xC8  }
0x55: {  	[sflag:s20] =	ssyncset.done $0x0  }
0x56: {  	[sflag:s20] =	ssyncadd.s32 $0xFFFFFF38  }
0x57: {  	[tilespmem:s19], [sflag:$0x1] =	stream.indirect.gather [hbm4b:s4+s22], $0x80, s3, s22, $0xb8;
	[tilespmem:$0x1A600] =	vst v63  }
0x58: {  	_ =	swait.ge [sflag:s23], $0x6400  }
0x59: {  	[sflag:s23] =	ssyncset.done $0x0  }
0x5a: {  	[sflag:s23] =	ssyncadd.s32 $0xFFFF9C00  }
0x5b: {  	[spmem:s2] =	stream.indirect.scatter.add.f32 [tilespmem:s19], [sflag:$0x2], $0x80, s21, s22, $0xb8;
	[tilespmem:$0x1A600] =	vst v63  }
0x5c: {  	_ =	swait.ge [sflag:s20], $0x6400  }
0x5d: {  	[sflag:s20] =	ssyncset.done $0x0  }
0x5e: {  	[sflag:s20] =	ssyncadd.s32 $0xFFFF9C00  }
0x5f: {  	[bflag:$0x0] =	sbarrier.arrive $0xFFFF  }
0x60: {  	[tilespmem:s19], [sflag:$0x2] =	stream.linear.gather [spmem:s6], $0x4000, $0x38;
	[tilespmem:$0x1A600] =	vst v63  }
0x61: {  	_ =	swait.ge [sflag:s20], $0x4000  }
0x62: {  	[sflag:s20] =	ssyncset.done $0x0  }
0x63: {  	[sflag:s20] =	ssyncadd.s32 $0xFFFFC000  }
0x64: {  	[hbm4b:s11+s3] =	stream.linear.scatter [tilespmem:s19], [sflag:$0x2], $0x4000, $0x38;
	[tilespmem:$0x1A600] =	vst v63  }
0x65: {  	_ =	swait.ge [sflag:s20], $0x4000  }
0x66: {  	[sflag:s20] =	ssyncset.done $0x0  }
0x67: {  	[sflag:s20] =	ssyncadd.s32 $0xFFFFC000  }
0x68: {  	[tilespmem:s19], [sflag:$0x2] =	stream.linear.gather [spmem:s7], $0x4000, $0x38;
	[tilespmem:$0x1A600] =	vst v63  }
0x69: {  	_ =	swait.ge [sflag:s20], $0x4000  }
0x6a: {  	[sflag:s20] =	ssyncset.done $0x0  }
0x6b: {  	[sflag:s20] =	ssyncadd.s32 $0xFFFFC000  }
0x6c: {  	[hbm4b:s12+s3] =	stream.linear.scatter [tilespmem:s19], [sflag:$0x2], $0x4000, $0x38;
	[tilespmem:$0x1A600] =	vst v63  }
0x6d: {  	_ =	swait.ge [sflag:s20], $0x4000  }
0x6e: {  	[sflag:s20] =	ssyncset.done $0x0  }
0x6f: {  	[sflag:s20] =	ssyncadd.s32 $0xFFFFC000  }
0x70: {  	[tilespmem:s19], [sflag:$0x2] =	stream.linear.gather [spmem:s8], $0x4000, $0x38;
	[tilespmem:$0x1A600] =	vst v63  }
0x71: {  	_ =	swait.ge [sflag:s20], $0x4000  }
0x72: {  	[sflag:s20] =	ssyncset.done $0x0  }
0x73: {  	[sflag:s20] =	ssyncadd.s32 $0xFFFFC000  }
0x74: {  	[hbm4b:s13+s3] =	stream.linear.scatter [tilespmem:s19], [sflag:$0x2], $0x4000, $0x38;
	[tilespmem:$0x1A600] =	vst v63  }
0x75: {  	_ =	swait.ge [sflag:s20], $0x4000  }
0x76: {  	[sflag:s20] =	ssyncset.done $0x0  }
0x77: {  	[sflag:s20] =	ssyncadd.s32 $0xFFFFC000  }
0x78: {  	[tilespmem:s19], [sflag:$0x2] =	stream.linear.gather [spmem:s9], $0x4000, $0x38;
	[tilespmem:$0x1A600] =	vst v63  }
0x79: {  	_ =	swait.ge [sflag:s20], $0x4000  }
0x7a: {  	[sflag:s20] =	ssyncset.done $0x0  }
0x7b: {  	[sflag:s20] =	ssyncadd.s32 $0xFFFFC000  }
0x7c: {  	[hbm4b:s14+s3] =	stream.linear.scatter [tilespmem:s19], [sflag:$0x2], $0x4000, $0x38;
	[tilespmem:$0x1A600] =	vst v63  }
0x7d: {  	_ =	swait.ge [sflag:s20], $0x4000  }
0x7e: {  	[sflag:s20] =	ssyncset.done $0x0  }
0x7f: {  	[sflag:s20] =	ssyncadd.s32 $0xFFFFC000  }
0x80: {  	[tilespmem:s19], [sflag:$0x2] =	stream.linear.gather [spmem:s10], $0x4000, $0x38;
	[tilespmem:$0x1A600] =	vst v63  }
0x81: {  	s24 =	sadd.s32 $0x1, s24;
	_ =	swait.ge [sflag:s20], $0x4000  }
0x82: {  	p0 =	sne.s32 s24, s16;
	[sflag:s20] =	ssyncset.done $0x0  }
.Ltmp1:
0x83: {  	[sflag:s20] =	ssyncadd.s32 $0xFFFFC000;
	(pc) =	sbr.rel @p0 .LBB2_1-.Ltmp1, $4  }
0x84: {  	[hbm4b:s15+s3] =	stream.linear.scatter [tilespmem:s19], [sflag:$0x2], $0x4000, $0x38;
	[tilespmem:$0x1A600] =	vst v63  }
0x85: {  	_ =	swait.ge [sflag:s20], $0x4000  }
0x86: {  	[sflag:s20] =	ssyncset.done $0x0  }
0x87: {  	[sflag:s20] =	ssyncadd.s32 $0xFFFFC000  }
0x88: {  	_ =	sfence.sel $0x180000  }
0x89: {  	[bflag:$0x0] =	sbarrier.arrive $0xFFFF  }
0x8a: {  	p0 =	sne.s32 s0, $0x0;
	_ =	strace $0x9000004A  }
0x8b: {  	s0 =	sadd.s32 @!p0 $0x100000, s1;
	[bflag:$0x2] =	sbarrier.arrive $0xFFFF  }
0x8c: {  	[sflag:s0] =	ssyncadd.tile.s32 @!p0 $0x1;
	_ =	shalt  }
.Lfunc_end2:
_tile_overlayer_lowered:
.L_overlay_start_2:
0x8d: {  	(tag) =	ssettag $0x2  }
0x8e: {  	s0 =	rddreg [dreg:$0x0];
	s2 =	stileid.u32  }
0x8f: {  	s1 =	rddreg [dreg:$0x1];
	p0 =	sne.s32 s2, $0x0  }
0x90: {  	s3 =	rddreg [dreg:$0x2];
	[bflag:$0x3] =	sbarrier.arrive $0xFFFF;
	s2 =	simm.s32 @!p0 $0x1C02  }
0x91: {  	[timem:s3], [sflag:s2] =	dma.local @!p0 [hbm:s0], s1  }
0x92: {  	s0 =	simm.s32 @!p0 $0x2  }
0x93: {  	_ =	swait.ge @!p0 [sflag:s0], s1  }
0x94: {  	s1 =	ssub.s32 @!p0 $0x0, s1;
	[sflag:s0] =	ssyncset.done @!p0 $0x0  }
0x95: {  	[sflag:s0] =	ssyncadd.s32 @!p0 s1  }
0x96: {  	[bflag:$0x3] =	sbarrier.arrive $0xFFFF  }
0x97: {  	_ =	shalt  }

// kernel: kernel.14.cloned.1.call-start
scs
__scs_entry_jumppad:
0x0: {  	(pc) =	sbr.rel $0x88, $3  }
0x1: {  	(tag) =	ssettag $0x0;
	lr =	simm.s32 $0x1  }
0x2: {  	[smem:$0x3F91] =	sst lr;
	_ =	strace $0xD0000000  }
0x3: {  	_ = 	snop  }
0x4: {  	_ = 	snop  }
0x5: {  	_ = 	snop  }
0x6: {  	_ = 	snop  }
0x7: {  	_ = 	snop  }
__scs_overlays_trampoline_lowered:
0x8: {  	[smem:$0x3FA0] =	sst s0  }
0x9: {  	[smem:$0x3FA1] =	sst s1  }
0xa: {  	[smem:$0x3FA2] =	sst s2  }
0xb: {  	[smem:$0x3FA3] =	sst s3  }
0xc: {  	[smem:$0x3FA4] =	sst s4  }
0xd: {  	[smem:$0x3FA5] =	sst s5  }
0xe: {  	[smem:$0x3FA6] =	sst s6  }
0xf: {  	[smem:$0x3FA7] =	sst s7  }
0x10: {  	[smem:$0x3FA8] =	sst s8  }
0x11: {  	[smem:$0x3FA9] =	sst s9;
	s0 =	simm.s32 @!p0 $0x0  }
0x12: {  	s1 =	sld [smem:$0x3F8F];
	s0 =	simm.s32 @p0 $0x1  }
0x13: {  	[smem:$0x3FAA] =	sst s0;
	s0 =	simm.s32 @!p1 $0x0  }
0x14: {  	s2 =	sld [smem:$0x3F8E];
	s0 =	simm.s32 @p1 $0x1  }
0x15: {  	[smem:$0x3FAB] =	sst s0;
	s0 =	simm.s32 @!p2 $0x0  }
0x16: {  	s3 =	sld [smem:$0x3FDB];
	s0 =	simm.s32 @p2 $0x1  }
0x17: {  	s4 =	simm.s32 $0x1BF5;
	[smem:$0x3FAD] =	sst s0  }
0x18: {  	s0 =	sld [smem:$0x3F90];
	_ =	swait.ge [sflag:s4], $0x0  }
0x19: {  	s7 =	sld [smem:$0x3F91]  }
0x1a: {  	s8 =	sadd.s32 $0xFFFFE003, lr  }
0x1b: {  	s9 =	sadd.s32 $0xFFFFFEF7, lr;
	s5 =	simm.s32 $0xFFFFFFFF;
	p2 =	slt.u32 s8, $0xFFFFF086  }
0x1c: {  	p1 =	slt.u32 s9, $0xF7A;
	s5 =	simm.s32 @!p2 $0x0  }
0x1d: {  	s5 =	simm.s32 @p1 $0x1;
	p0 =	seq.s32 s7, s2  }
0x1e: {  	s7 =	smul.u32 @!p0 $0xF7A, s2;
	p2 =	seq.s32 @!p0 s5, $0x0  }
0x1f: {  	s9 =	smul.u32 $0xF7A, s1;
	s8 =	simm.s32 @!p0 $0x1BF5;
	p2 =	por !p2, p0  }
0x20: {  	[sflag:s8] =	ssyncset.s32 @!p0 $0xFFFFF086;
	s6 =	sadd.s32 @!p0 s3, s7;
	s7 =	simm.s32 @!p0 $0x108  }
0x21: {  	s3 =	sadd.s32 s3, s9;
	s6 =	sadd.s32 @!p0 $0x88, s6;
	s7 =	simm.s32 @p2 $0x1082  }
0x22: {  	[simem:s7], [sflag:s8] =	dma.local @!p0 [hbm:s6], $0xF7A  }
0x23: {  	s9 =	sor.u32 $0xD0000000, s2;
	s6 =	simm.s32 $0x108;
	_ =	swait.ge @!p0 [sflag:s8], $0x0  }
0x24: {  	s3 =	sadd.s32 $0x88, s3;
	s6 =	simm.s32 @!p1 $0x1082;
	[sflag:s4] =	ssyncset.s32 $0xFFFFF086  }
0x25: {  	[simem:s6], [sflag:s4] =	dma.local [hbm:s3], $0xF7A  }
0x26: {  	[smem:$0x3F91] =	sst s1;
	(tag) =	ssettag s2;
	_ =	strace s9  }
0x27: {  	s1 =	sld [smem:$0x3FA1]  }
0x28: {  	s2 =	sld [smem:$0x3FA2]  }
0x29: {  	s4 =	sld [smem:$0x3FA4]  }
0x2a: {  	p0 =	seq.s32 s5, $0x0;
	s5 =	sld [smem:$0x3FA5]  }
0x2b: {  	s6 =	sld [smem:$0x3FA6]  }
0x2c: {  	s7 =	sld [smem:$0x3FA7]  }
0x2d: {  	s3 =	simm.s32 $0x108;
	s8 =	sld [smem:$0x3FA8]  }
0x2e: {  	s3 =	simm.s32 @!p0 $0x1082;
	s9 =	sld [smem:$0x3FA9]  }
0x2f: {  	lr =	sadd.s32 s0, s3;
	s0 =	sld [smem:$0x3FA0]  }
0x30: {  	s3 =	sld [smem:$0x3FA3]  }
0x31: {  	[smem:$0x3FAC] =	sst s10  }
0x32: {  	s10 =	sld [smem:$0x3FAA];
	_ =	sdelay $0x3  }
0x33: {  	p0 =	seq.s32 s10, $0x1;
	s10 =	sld [smem:$0x3FAC];
	_ =	sdelay $0x3  }
0x34: {  	[smem:$0x3FAC] =	sst s10  }
0x35: {  	s10 =	sld [smem:$0x3FAB];
	_ =	sdelay $0x3  }
0x36: {  	p1 =	seq.s32 s10, $0x1;
	s10 =	sld [smem:$0x3FAC];
	_ =	sdelay $0x3  }
0x37: {  	[smem:$0x3FAC] =	sst s10  }
0x38: {  	s10 =	sld [smem:$0x3FAD]  }
0x39: {  	_ = 	snop;
	(pc) =	sbr.ind lr, $3  }
0x3a: {  	_ = 	snop  }
0x3b: {  	_ = 	snop  }
0x3c: {  	p2 =	seq.s32 s10, $0x1;
	s10 =	sld [smem:$0x3FAC]  }
0x3d: {  	_ =	shalt  }
0x3e: {  	_ =	shalt  }
0x3f: {  	_ =	shalt  }
0x40: {  	_ =	shalt  }
0x41: {  	_ =	shalt  }
0x42: {  	_ =	shalt  }
0x43: {  	_ =	shalt  }
0x44: {  	_ =	shalt  }
0x45: {  	_ =	shalt  }
0x46: {  	_ =	shalt  }
0x47: {  	_ =	shalt  }
0x48: {  	_ =	shalt  }
0x49: {  	_ =	shalt  }
0x4a: {  	_ =	shalt  }
0x4b: {  	_ =	shalt  }
0x4c: {  	_ =	shalt  }
0x4d: {  	_ =	shalt  }
0x4e: {  	_ =	shalt  }
0x4f: {  	_ =	shalt  }
0x50: {  	_ =	shalt  }
0x51: {  	_ =	shalt  }
0x52: {  	_ =	shalt  }
0x53: {  	_ =	shalt  }
0x54: {  	_ =	shalt  }
0x55: {  	_ =	shalt  }
0x56: {  	_ =	shalt  }
0x57: {  	_ =	shalt  }
0x58: {  	_ =	shalt  }
0x59: {  	_ =	shalt  }
0x5a: {  	_ =	shalt  }
0x5b: {  	_ =	shalt  }
0x5c: {  	_ =	shalt  }
0x5d: {  	_ =	shalt  }
0x5e: {  	_ =	shalt  }
0x5f: {  	_ =	shalt  }
0x60: {  	_ =	shalt  }
0x61: {  	_ =	shalt  }
0x62: {  	_ =	shalt  }
0x63: {  	_ =	shalt  }
0x64: {  	_ =	shalt  }
0x65: {  	_ =	shalt  }
0x66: {  	_ =	shalt  }
0x67: {  	_ =	shalt  }
0x68: {  	_ =	shalt  }
0x69: {  	_ =	shalt  }
0x6a: {  	_ =	shalt  }
0x6b: {  	_ =	shalt  }
0x6c: {  	_ =	shalt  }
0x6d: {  	_ =	shalt  }
0x6e: {  	_ =	shalt  }
0x6f: {  	_ =	shalt  }
0x70: {  	_ =	shalt  }
0x71: {  	_ =	shalt  }
0x72: {  	_ =	shalt  }
0x73: {  	_ =	shalt  }
0x74: {  	_ =	shalt  }
0x75: {  	_ =	shalt  }
0x76: {  	_ =	shalt  }
0x77: {  	_ =	shalt  }
0x78: {  	_ =	shalt  }
0x79: {  	_ =	shalt  }
0x7a: {  	_ =	shalt  }
0x7b: {  	_ =	shalt  }
0x7c: {  	_ =	shalt  }
0x7d: {  	_ =	shalt  }
0x7e: {  	_ =	shalt  }
0x7f: {  	_ =	shalt  }
0x80: {  	_ =	shalt  }
0x81: {  	_ =	shalt  }
0x82: {  	_ =	shalt  }
0x83: {  	_ =	shalt  }
0x84: {  	_ =	shalt  }
0x85: {  	_ =	shalt  }
0x86: {  	_ =	shalt  }
0x87: {  	_ =	shalt  }
.Lfunc_end0:
.L_simem_size_0:
called_computation.2_lowered:
.L_overlay_start_0:
0x88: {  	s2 =	sld [smem:$0x3FD9]  }
0x89: {  	s3 =	sld [smem:$0x3FFE];
	_ =	sdelay $0x1  }
0x8a: {  	s1 =	srdreg.scid  }
0x8b: {  	s0 =	sand.u32 $0x1, s1  }
0x8c: {  	s16 =	sshll.u32 s0, $0xA;
	s2 =	sadd.s32 s3, s2  }
0x8d: {  	s2 =	sadd.s32 s2, s16  }
0x8e: {  	[smem:$0x3FB8] =	sst s2  }
0x8f: {  	_ = 	snop  }
0x90: {  	(tm) =	ssettm $0x1  }
0x91: {  	s17 =	sld [smem:$0x3FFB];
	_ =	sdelay $0x3  }
0x92: {  	_ =	strace s17  }
0x93: {  	s2 =	sld [smem:$0x3FFC];
	_ =	sdelay $0x3  }
0x94: {  	_ =	strace s2  }
0x95: {  	s2 =	sld [smem:$0x3FFD];
	_ =	sdelay $0x3  }
0x96: {  	_ =	strace s2  }
0x97: {  	_ =	strace $0x8FFFFFFF  }
0x98: {  	s18 =	sld [smem:$0x3FDB];
	_ =	sdelay $0x1  }
0x99: {  	s19 =	simm.s32 $_scs_section_size  }
0x9a: {  	s4 =	simm.s32 $_size__tile_overlayer_lowered;
	s5 =	simm.s32 $_tile_overlayer_lowered  }
0x9b: {  	s22 =	simm.s32 $0x1BFF;
	s21 =	sshll.u32 s5, $0x1;
	s2 =	sadd.s32 s19, s18  }
0x9c: {  	s6 =	simm.s32 $0x0;
	s20 =	sshll.u32 s4, $0x1;
	s4 =	sadd.s32 s21, s2  }
0x9d: {  	[timem:s6], [sflag:s22] =	dma.local [hbm:s4], s20  }
0x9e: {  	_ =	swait.ge [sflag:s22], s20  }
0x9f: {  	s3 =	ssub.s32 $0x0, s20;
	[sflag:s22] =	ssyncset.done $0x0  }
0xa0: {  	[sflag:s22] =	ssyncadd.s32 s3;
	_ =	sdelay $0x1  }
0xa1: {  	s23 =	simm.s32 $0x1B8B  }
0xa2: {  	_ =	swait.ge [sflag:s23], $0x1  }
0xa3: {  	[sflag:s23] =	ssyncset.done $0x0  }
0xa4: {  	s25 =	simm.s32 $0x1B8E;
	s24 =	sld [smem:$0x3FFE];
	[sflag:s23] =	ssyncadd.s32 $0xFFFFFFFF  }
0xa5: {  	s26 =	simm.s32 $execute0_lowered;
	[smem:$0x3FD2] =	sst s25  }
0xa6: {  	s4 =	sshll.u32 s26, $0x1;
	_ =	strace $0x8000004C;
	[dreg:$0x1] =	wrdreg $0xFFFFFFFF  }
0xa7: {  	s28 =	simm.s32 $_size_execute0_lowered;
	s2 =	sadd.s32 s2, s4;
	[dreg:$0x0] =	wrdreg $0x0  }
0xa8: {  	s4 =	sshll.u32 s28, $0x1;
	[dreg:$0x2] =	wrdreg s2  }
0xa9: {  	[dreg:$0x3] =	wrdreg s4  }
0xaa: {  	[dreg:$0x4] =	wrdreg $0xC0  }
0xab: {  	_ =	task [dreg:s6], $0x5FFFF  }
0xac: {  	[dreg:$0x1] =	wrdreg $0xFFFFFFFF  }
0xad: {  	[dreg:$0x0] =	wrdreg $0x60  }
0xae: {  	[dreg:$0x2] =	wrdreg s24  }
0xaf: {  	[dreg:$0x3] =	wrdreg $0x66000  }
0xb0: {  	[dreg:$0x4] =	wrdreg $0x9  }
0xb1: {  	_ =	task.clear_ibuf [dreg:s6], $0x5FFFF;
	_ =	strace $0x9000004C  }
0xb2: {  	s29 =	simm.s32 $0x9;
	_ =	strace $0x8000004E  }
0xb3: {  	_ =	swait.ge [sflag:s29], $0x1  }
0xb4: {  	[sflag:s29] =	ssyncadd.s32 $0xFFFFFFFF  }
0xb5: {  	_ =	strace $0x9000004E  }
0xb6: {  	_ =	sfence  }
0xb7: {  	s30 =	sld [smem:$0x0];
	_ =	sdelay $0x2  }
0xb8: {  	s31 =	sshll.u32 s1, $0xD;
	s1 =	sshrl.u32 s1, $0x2  }
0xb9: {  	s3 =	sand.u32 $0x4000, s31;
	s1 =	sadd.s32 s1, s30  }
0xba: {  	s0 =	sor.u32 s3, s0;
	s1 =	sshll.u32 s1, $0x11  }
0xbb: {  	s0 =	sor.u32 s1, s0  }
0xbc: {  	s0 =	sadd.s32 $0x8F2B, s0  }
0xbd: {  	[sflag:s0] =	ssyncadd.remote.s32 $0x1  }
0xbe: {  	_ =	sfence.sel $0xFFFF  }
0xbf: {  	[dreg:$0x0] =	wrdreg $0xFFFFFFFF;
	(pc) =	sbr.abs _section_cstart, $3  }
0xc0: {  	[dreg:$0x1] =	wrdreg $0xFFFFFFFF  }
0xc1: {  	_ =	task.clear_ibuf [dreg:s6], $0x2FFFF;
	_ =	strace $0x9FFFFFFF  }
0xc2: {  	(tm) =	ssettm $0x7FFFFFFF  }
0xc3: {  	_ =	shalt  }
tec
execute0_lowered:
.L_overlay_start_1:
0x0: {  	(tag) =	ssettag $0x1  }
0x1: {  	s6 =	rddreg [dreg:$0x0]  }
0x2: {  	s1 =	srdreg.scid;
	s0 =	stileid.u32  }
0x3: {  	s2 =	rddreg [dreg:$0x1];
	s3 =	simm.s32 $0x0;
	s20 =	simm.s32 $0x2  }
0x4: {  	s21 =	simm.s32 $0x100;
	s22 =	simm.s32 $0xC8;
	s4 =	smul.u32 $0x4E20, s0  }
0x5: {  	s23 =	simm.s32 $0x1;
	s24 =	simm.s32 $0x0;
	s8 =	smul.u32 $0x50000, s0  }
0x6: {  	s7 =	sand.u32 $0x1, s1;
	s1 =	rddreg [dreg:$0x2];
	s11 =	smul.u32 $0x14000, s0  }
0x7: {  	[smem:$0x7FF] =	sst s3;
	s15 =	sadd.s32 $0x66800, s6;
	s5 =	smul.u32 $0x2710, s7  }
0x8: {  	_ =	strace $0x8000004D;
	s9 =	ssub.s32 $0x2, s7;
	s14 =	smul.u32 $0x140000, s7  }
0x9: {  	s10 =	sshrl.u32 s9, $0x1;
	s8 =	sshrl.u32 s8, $0x2;
	s29 =	sadd.s32 $0x4000, s11  }
0xa: {  	s13 =	sadd.s32 $0x8000, s11;
	s17 =	sadd.s32 $0xC000, s11;
	s19 =	sadd.s32 $0x10000, s11  }
0xb: {  	s5 =	sadd.s32 s5, s4;
	s4 =	sadd.s32 $0x17600, s6;
	s16 =	ssub.s32 s9, s10  }
0xc: {  	s7 =	sadd.s32 s29, s2;
	s9 =	sadd.s32 s17, s2;
	s12 =	sadd.s32 s11, s14  }
0xd: {  	s10 =	sadd.s32 s14, s29;
	s17 =	sadd.s32 s14, s17;
	s5 =	sshrl.u32 s5, $0x3  }
0xe: {  	s30 =	sshrl.u32 s12, $0x3;
	s31 =	sshrl.u32 s10, $0x3;
	s10 =	sadd.s32 s19, s2  }
0xf: {  	s17 =	sshrl.u32 s17, $0x3;
	s16 =	smax.u32 s16, $0x1;
	s18 =	sadd.s32 s5, s6  }
0x10: {  	s5 =	sadd.s32 $0x3E800, s6;
	s6 =	sadd.s32 s8, s2;
	s8 =	sadd.s32 s13, s2  }
0x11: {  	s11 =	sadd.s32 s15, s30;
	s13 =	sadd.s32 s14, s13;
	s14 =	sadd.s32 s14, s19  }
0x12: {  	s12 =	sadd.s32 s15, s31;
	s13 =	sshrl.u32 s13, $0x3;
	s19 =	sshrl.u32 s14, $0x3  }
0x13: {  	s14 =	sadd.s32 s15, s17;
	s17 =	sadd.s32 $0x3A00, s18;
	s18 =	sadd.s32 $0xD800, s18  }
0x14: {  	s13 =	sadd.s32 s15, s13;
	s15 =	sadd.s32 s15, s19;
	s19 =	simm.s32 $0x200  }
.LBB2_1:
0x15: {  	[tilespmem:s19], [sflag:$0x2] =	stream.linear.gather [hbm4b:s5+s3], $0x4000, $0x38;
	[tilespmem:$0x1A600] =	vst v63  }
0x16: {  	_ =	swait.ge [sflag:s20], $0x4000  }
0x17: {  	[sflag:s20] =	ssyncset.done $0x0  }
0x18: {  	[sflag:s20] =	ssyncadd.s32 $0xFFFFC000  }
0x19: {  	[spmem:s6] =	stream.linear.scatter [tilespmem:s19], [sflag:$0x2], $0x4000, $0x38;
	[tilespmem:$0x1A600] =	vst v63  }
0x1a: {  	_ =	swait.ge [sflag:s20], $0x4000  }
0x1b: {  	[sflag:s20] =	ssyncset.done $0x0  }
0x1c: {  	[sflag:s20] =	ssyncadd.s32 $0xFFFFC000  }
0x1d: {  	[spmem:s7] =	stream.linear.scatter [tilespmem:s19], [sflag:$0x2], $0x4000, $0x38;
	[tilespmem:$0x1A600] =	vst v63  }
0x1e: {  	_ =	swait.ge [sflag:s20], $0x4000  }
0x1f: {  	[sflag:s20] =	ssyncset.done $0x0  }
0x20: {  	[sflag:s20] =	ssyncadd.s32 $0xFFFFC000  }
0x21: {  	[spmem:s8] =	stream.linear.scatter [tilespmem:s19], [sflag:$0x2], $0x4000, $0x38;
	[tilespmem:$0x1A600] =	vst v63  }
0x22: {  	_ =	swait.ge [sflag:s20], $0x4000  }
0x23: {  	[sflag:s20] =	ssyncset.done $0x0  }
0x24: {  	[sflag:s20] =	ssyncadd.s32 $0xFFFFC000  }
0x25: {  	[spmem:s9] =	stream.linear.scatter [tilespmem:s19], [sflag:$0x2], $0x4000, $0x38;
	[tilespmem:$0x1A600] =	vst v63  }
0x26: {  	_ =	swait.ge [sflag:s20], $0x4000  }
0x27: {  	[sflag:s20] =	ssyncset.done $0x0  }
0x28: {  	[sflag:s20] =	ssyncadd.s32 $0xFFFFC000  }
0x29: {  	[spmem:s10] =	stream.linear.scatter [tilespmem:s19], [sflag:$0x2], $0x4000, $0x38;
	[tilespmem:$0x1A600] =	vst v63  }
0x2a: {  	_ =	swait.ge [sflag:s20], $0x4000  }
0x2b: {  	[sflag:s20] =	ssyncset.done $0x0  }
0x2c: {  	[sflag:s20] =	ssyncadd.s32 $0xFFFFC000  }
0x2d: {  	s25 =	sadd.s32 $0x0, s18;
	[bflag:$0x0] =	sbarrier.arrive $0xFFFF  }
0x2e: {  	[tilespmem:s3], [sflag:$0x2] =	stream.linear.gather [hbm4b:s25+s3], $0xC8, $0x38;
	[tilespmem:$0x1A600] =	vst v63  }
0x2f: {  	_ =	swait.ge [sflag:s20], $0xC8  }
0x30: {  	[sflag:s20] =	ssyncset.done $0x0  }
0x31: {  	s31 =	sadd.s32 $0x0, s17;
	[sflag:s20] =	ssyncadd.s32 $0xFFFFFF38  }
0x32: {  	[tilespmem:s21], [sflag:$0x2] =	stream.linear.gather [hbm4b:s31+s3], $0xC8, $0x38;
	[tilespmem:$0x1A600] =	vst v63  }
0x33: {  	_ =	swait.ge [sflag:s20], $0xC8  }
0x34: {  	[sflag:s20] =	ssyncset.done $0x0  }
0x35: {  	[sflag:s20] =	ssyncadd.s32 $0xFFFFFF38  }
0x36: {  	[tilespmem:s19], [sflag:$0x1] =	stream.indirect.gather [hbm4b:s4+s22], $0x80, s3, s22, $0xb8;
	[tilespmem:$0x1A600] =	vst v63  }
0x37: {  	_ =	swait.ge [sflag:s23], $0x6400  }
0x38: {  	[sflag:s23] =	ssyncset.done $0x0  }
0x39: {  	[sflag:s23] =	ssyncadd.s32 $0xFFFF9C00  }
0x3a: {  	[spmem:s2] =	stream.indirect.scatter.add.f32 [tilespmem:s19], [sflag:$0x2], $0x80, s21, s22, $0xb8;
	[tilespmem:$0x1A600] =	vst v63  }
0x3b: {  	_ =	swait.ge [sflag:s20], $0x6400  }
0x3c: {  	s26 =	simm.s32 $0x32;
	s25 =	simm.s32 $0x19;
	[sflag:s20] =	ssyncset.done $0x0  }
.LBB2_2:
0x3d: {  	s28 =	sadd.s32 s25, s18  }
0x3e: {  	[sflag:s20] =	ssyncadd.s32 $0xFFFF9C00;
	s29 =	smov.u32 s26;
	s30 =	sadd.s32 $0x19, s26  }
0x3f: {  	[tilespmem:s3], [sflag:$0x2] =	stream.linear.gather [hbm4b:s28+s3], $0xC8, $0x38;
	[tilespmem:$0x1A600] =	vst v63  }
0x40: {  	p0 =	sne.s32 s26, $0x4C9;
	_ =	swait.ge [sflag:s20], $0xC8  }
0x41: {  	[sflag:s20] =	ssyncset.done $0x0  }
0x42: {  	s26 =	sadd.s32 s25, s17;
	s25 =	smov.u32 s29;
	[sflag:s20] =	ssyncadd.s32 $0xFFFFFF38  }
0x43: {  	[tilespmem:s21], [sflag:$0x2] =	stream.linear.gather [hbm4b:s26+s3], $0xC8, $0x38;
	[tilespmem:$0x1A600] =	vst v63  }
0x44: {  	_ =	swait.ge [sflag:s20], $0xC8  }
0x45: {  	[sflag:s20] =	ssyncset.done $0x0  }
0x46: {  	[sflag:s20] =	ssyncadd.s32 $0xFFFFFF38  }
0x47: {  	[tilespmem:s19], [sflag:$0x1] =	stream.indirect.gather [hbm4b:s4+s22], $0x80, s3, s22, $0xb8;
	[tilespmem:$0x1A600] =	vst v63  }
0x48: {  	_ =	swait.ge [sflag:s23], $0x6400  }
.Ltmp0:
0x49: {  	[sflag:s23] =	ssyncset.done $0x0;
	(pc) =	sbr.rel @p0 .LBB2_2-.Ltmp0, $4  }
0x4a: {  	[sflag:s23] =	ssyncadd.s32 $0xFFFF9C00  }
0x4b: {  	[spmem:s2] =	stream.indirect.scatter.add.f32 [tilespmem:s19], [sflag:$0x2], $0x80, s21, s22, $0xb8;
	[tilespmem:$0x1A600] =	vst v63  }
0x4c: {  	_ =	swait.ge [sflag:s20], $0x6400  }
0x4d: {  	s26 =	smov.u32 s30;
	[sflag:s20] =	ssyncset.done $0x0  }
0x4e: {  	s26 =	sadd.s32 s25, s18;
	[sflag:s20] =	ssyncadd.s32 $0xFFFF9C00  }
0x4f: {  	[tilespmem:s3], [sflag:$0x2] =	stream.linear.gather [hbm4b:s26+s3], $0xC8, $0x38;
	[tilespmem:$0x1A600] =	vst v63  }
0x50: {  	_ =	swait.ge [sflag:s20], $0xC8  }
0x51: {  	[sflag:s20] =	ssyncset.done $0x0  }
0x52: {  	s31 =	sadd.s32 s25, s17;
	[sflag:s20] =	ssyncadd.s32 $0xFFFFFF38  }
0x53: {  	[tilespmem:s21], [sflag:$0x2] =	stream.linear.gather [hbm4b:s31+s3], $0xC8, $0x38;
	[tilespmem:$0x1A600] =	vst v63  }
0x54: {  	_ =	swait.ge [sflag:s20], $0xC8  }
0x55: {  	[sflag:s20] =	ssyncset.done $0x0  }
0x56: {  	[sflag:s20] =	ssyncadd.s32 $0xFFFFFF38  }
0x57: {  	[tilespmem:s19], [sflag:$0x1] =	stream.indirect.gather [hbm4b:s4+s22], $0x80, s3, s22, $0xb8;
	[tilespmem:$0x1A600] =	vst v63  }
0x58: {  	_ =	swait.ge [sflag:s23], $0x6400  }
0x59: {  	[sflag:s23] =	ssyncset.done $0x0  }
0x5a: {  	[sflag:s23] =	ssyncadd.s32 $0xFFFF9C00  }
0x5b: {  	[spmem:s2] =	stream.indirect.scatter.add.f32 [tilespmem:s19], [sflag:$0x2], $0x80, s21, s22, $0xb8;
	[tilespmem:$0x1A600] =	vst v63  }
0x5c: {  	_ =	swait.ge [sflag:s20], $0x6400  }
0x5d: {  	[sflag:s20] =	ssyncset.done $0x0  }
0x5e: {  	[sflag:s20] =	ssyncadd.s32 $0xFFFF9C00  }
0x5f: {  	[bflag:$0x0] =	sbarrier.arrive $0xFFFF  }
0x60: {  	[tilespmem:s19], [sflag:$0x2] =	stream.linear.gather [spmem:s6], $0x4000, $0x38;
	[tilespmem:$0x1A600] =	vst v63  }
0x61: {  	_ =	swait.ge [sflag:s20], $0x4000  }
0x62: {  	[sflag:s20] =	ssyncset.done $0x0  }
0x63: {  	[sflag:s20] =	ssyncadd.s32 $0xFFFFC000  }
0x64: {  	[hbm4b:s11+s3] =	stream.linear.scatter [tilespmem:s19], [sflag:$0x2], $0x4000, $0x38;
	[tilespmem:$0x1A600] =	vst v63  }
0x65: {  	_ =	swait.ge [sflag:s20], $0x4000  }
0x66: {  	[sflag:s20] =	ssyncset.done $0x0  }
0x67: {  	[sflag:s20] =	ssyncadd.s32 $0xFFFFC000  }
0x68: {  	[tilespmem:s19], [sflag:$0x2] =	stream.linear.gather [spmem:s7], $0x4000, $0x38;
	[tilespmem:$0x1A600] =	vst v63  }
0x69: {  	_ =	swait.ge [sflag:s20], $0x4000  }
0x6a: {  	[sflag:s20] =	ssyncset.done $0x0  }
0x6b: {  	[sflag:s20] =	ssyncadd.s32 $0xFFFFC000  }
0x6c: {  	[hbm4b:s12+s3] =	stream.linear.scatter [tilespmem:s19], [sflag:$0x2], $0x4000, $0x38;
	[tilespmem:$0x1A600] =	vst v63  }
0x6d: {  	_ =	swait.ge [sflag:s20], $0x4000  }
0x6e: {  	[sflag:s20] =	ssyncset.done $0x0  }
0x6f: {  	[sflag:s20] =	ssyncadd.s32 $0xFFFFC000  }
0x70: {  	[tilespmem:s19], [sflag:$0x2] =	stream.linear.gather [spmem:s8], $0x4000, $0x38;
	[tilespmem:$0x1A600] =	vst v63  }
0x71: {  	_ =	swait.ge [sflag:s20], $0x4000  }
0x72: {  	[sflag:s20] =	ssyncset.done $0x0  }
0x73: {  	[sflag:s20] =	ssyncadd.s32 $0xFFFFC000  }
0x74: {  	[hbm4b:s13+s3] =	stream.linear.scatter [tilespmem:s19], [sflag:$0x2], $0x4000, $0x38;
	[tilespmem:$0x1A600] =	vst v63  }
0x75: {  	_ =	swait.ge [sflag:s20], $0x4000  }
0x76: {  	[sflag:s20] =	ssyncset.done $0x0  }
0x77: {  	[sflag:s20] =	ssyncadd.s32 $0xFFFFC000  }
0x78: {  	[tilespmem:s19], [sflag:$0x2] =	stream.linear.gather [spmem:s9], $0x4000, $0x38;
	[tilespmem:$0x1A600] =	vst v63  }
0x79: {  	_ =	swait.ge [sflag:s20], $0x4000  }
0x7a: {  	[sflag:s20] =	ssyncset.done $0x0  }
0x7b: {  	[sflag:s20] =	ssyncadd.s32 $0xFFFFC000  }
0x7c: {  	[hbm4b:s14+s3] =	stream.linear.scatter [tilespmem:s19], [sflag:$0x2], $0x4000, $0x38;
	[tilespmem:$0x1A600] =	vst v63  }
0x7d: {  	_ =	swait.ge [sflag:s20], $0x4000  }
0x7e: {  	[sflag:s20] =	ssyncset.done $0x0  }
0x7f: {  	[sflag:s20] =	ssyncadd.s32 $0xFFFFC000  }
0x80: {  	[tilespmem:s19], [sflag:$0x2] =	stream.linear.gather [spmem:s10], $0x4000, $0x38;
	[tilespmem:$0x1A600] =	vst v63  }
0x81: {  	s24 =	sadd.s32 $0x1, s24;
	_ =	swait.ge [sflag:s20], $0x4000  }
0x82: {  	p0 =	sne.s32 s24, s16;
	[sflag:s20] =	ssyncset.done $0x0  }
.Ltmp1:
0x83: {  	[sflag:s20] =	ssyncadd.s32 $0xFFFFC000;
	(pc) =	sbr.rel @p0 .LBB2_1-.Ltmp1, $4  }
0x84: {  	[hbm4b:s15+s3] =	stream.linear.scatter [tilespmem:s19], [sflag:$0x2], $0x4000, $0x38;
	[tilespmem:$0x1A600] =	vst v63  }
0x85: {  	_ =	swait.ge [sflag:s20], $0x4000  }
0x86: {  	[sflag:s20] =	ssyncset.done $0x0  }
0x87: {  	[sflag:s20] =	ssyncadd.s32 $0xFFFFC000  }
0x88: {  	_ =	sfence.sel $0x180000  }
0x89: {  	[bflag:$0x0] =	sbarrier.arrive $0xFFFF  }
0x8a: {  	p0 =	sne.s32 s0, $0x0;
	_ =	strace $0x9000004D  }
0x8b: {  	s0 =	sadd.s32 @!p0 $0x100000, s1;
	[bflag:$0x2] =	sbarrier.arrive $0xFFFF  }
0x8c: {  	[sflag:s0] =	ssyncadd.tile.s32 @!p0 $0x1;
	_ =	shalt  }
.Lfunc_end2:
_tile_overlayer_lowered:
.L_overlay_start_2:
0x8d: {  	(tag) =	ssettag $0x2  }
0x8e: {  	s0 =	rddreg [dreg:$0x0];
	s2 =	stileid.u32  }
0x8f: {  	s1 =	rddreg [dreg:$0x1];
	p0 =	sne.s32 s2, $0x0  }
0x90: {  	s3 =	rddreg [dreg:$0x2];
	[bflag:$0x3] =	sbarrier.arrive $0xFFFF;
	s2 =	simm.s32 @!p0 $0x1C02  }
0x91: {  	[timem:s3], [sflag:s2] =	dma.local @!p0 [hbm:s0], s1  }
0x92: {  	s0 =	simm.s32 @!p0 $0x2  }
0x93: {  	_ =	swait.ge @!p0 [sflag:s0], s1  }
0x94: {  	s1 =	ssub.s32 @!p0 $0x0, s1;
	[sflag:s0] =	ssyncset.done @!p0 $0x0  }
0x95: {  	[sflag:s0] =	ssyncadd.s32 @!p0 s1  }
0x96: {  	[bflag:$0x3] =	sbarrier.arrive $0xFFFF  }
0x97: {  	_ =	shalt  }

// kernel: kernel.8.cloned.1.call-start
scs
__scs_entry_jumppad:
0x0: {  	(pc) =	sbr.rel $0x88, $3  }
0x1: {  	(tag) =	ssettag $0x0;
	lr =	simm.s32 $0x1  }
0x2: {  	[smem:$0x3F91] =	sst lr;
	_ =	strace $0xD0000000  }
0x3: {  	_ = 	snop  }
0x4: {  	_ = 	snop  }
0x5: {  	_ = 	snop  }
0x6: {  	_ = 	snop  }
0x7: {  	_ = 	snop  }
__scs_overlays_trampoline_lowered:
0x8: {  	[smem:$0x3FA0] =	sst s0  }
0x9: {  	[smem:$0x3FA1] =	sst s1  }
0xa: {  	[smem:$0x3FA2] =	sst s2  }
0xb: {  	[smem:$0x3FA3] =	sst s3  }
0xc: {  	[smem:$0x3FA4] =	sst s4  }
0xd: {  	[smem:$0x3FA5] =	sst s5  }
0xe: {  	[smem:$0x3FA6] =	sst s6  }
0xf: {  	[smem:$0x3FA7] =	sst s7  }
0x10: {  	[smem:$0x3FA8] =	sst s8  }
0x11: {  	[smem:$0x3FA9] =	sst s9;
	s0 =	simm.s32 @!p0 $0x0  }
0x12: {  	s1 =	sld [smem:$0x3F8F];
	s0 =	simm.s32 @p0 $0x1  }
0x13: {  	[smem:$0x3FAA] =	sst s0;
	s0 =	simm.s32 @!p1 $0x0  }
0x14: {  	s2 =	sld [smem:$0x3F8E];
	s0 =	simm.s32 @p1 $0x1  }
0x15: {  	[smem:$0x3FAB] =	sst s0;
	s0 =	simm.s32 @!p2 $0x0  }
0x16: {  	s3 =	sld [smem:$0x3FDB];
	s0 =	simm.s32 @p2 $0x1  }
0x17: {  	s4 =	simm.s32 $0x1BF5;
	[smem:$0x3FAD] =	sst s0  }
0x18: {  	s0 =	sld [smem:$0x3F90];
	_ =	swait.ge [sflag:s4], $0x0  }
0x19: {  	s7 =	sld [smem:$0x3F91]  }
0x1a: {  	s8 =	sadd.s32 $0xFFFFE003, lr  }
0x1b: {  	s9 =	sadd.s32 $0xFFFFFEF7, lr;
	s5 =	simm.s32 $0xFFFFFFFF;
	p2 =	slt.u32 s8, $0xFFFFF086  }
0x1c: {  	p1 =	slt.u32 s9, $0xF7A;
	s5 =	simm.s32 @!p2 $0x0  }
0x1d: {  	s5 =	simm.s32 @p1 $0x1;
	p0 =	seq.s32 s7, s2  }
0x1e: {  	s7 =	smul.u32 @!p0 $0xF7A, s2;
	p2 =	seq.s32 @!p0 s5, $0x0  }
0x1f: {  	s9 =	smul.u32 $0xF7A, s1;
	s8 =	simm.s32 @!p0 $0x1BF5;
	p2 =	por !p2, p0  }
0x20: {  	[sflag:s8] =	ssyncset.s32 @!p0 $0xFFFFF086;
	s6 =	sadd.s32 @!p0 s3, s7;
	s7 =	simm.s32 @!p0 $0x108  }
0x21: {  	s3 =	sadd.s32 s3, s9;
	s6 =	sadd.s32 @!p0 $0x88, s6;
	s7 =	simm.s32 @p2 $0x1082  }
0x22: {  	[simem:s7], [sflag:s8] =	dma.local @!p0 [hbm:s6], $0xF7A  }
0x23: {  	s9 =	sor.u32 $0xD0000000, s2;
	s6 =	simm.s32 $0x108;
	_ =	swait.ge @!p0 [sflag:s8], $0x0  }
0x24: {  	s3 =	sadd.s32 $0x88, s3;
	s6 =	simm.s32 @!p1 $0x1082;
	[sflag:s4] =	ssyncset.s32 $0xFFFFF086  }
0x25: {  	[simem:s6], [sflag:s4] =	dma.local [hbm:s3], $0xF7A  }
0x26: {  	[smem:$0x3F91] =	sst s1;
	(tag) =	ssettag s2;
	_ =	strace s9  }
0x27: {  	s1 =	sld [smem:$0x3FA1]  }
0x28: {  	s2 =	sld [smem:$0x3FA2]  }
0x29: {  	s4 =	sld [smem:$0x3FA4]  }
0x2a: {  	p0 =	seq.s32 s5, $0x0;
	s5 =	sld [smem:$0x3FA5]  }
0x2b: {  	s6 =	sld [smem:$0x3FA6]  }
0x2c: {  	s7 =	sld [smem:$0x3FA7]  }
0x2d: {  	s3 =	simm.s32 $0x108;
	s8 =	sld [smem:$0x3FA8]  }
0x2e: {  	s3 =	simm.s32 @!p0 $0x1082;
	s9 =	sld [smem:$0x3FA9]  }
0x2f: {  	lr =	sadd.s32 s0, s3;
	s0 =	sld [smem:$0x3FA0]  }
0x30: {  	s3 =	sld [smem:$0x3FA3]  }
0x31: {  	[smem:$0x3FAC] =	sst s10  }
0x32: {  	s10 =	sld [smem:$0x3FAA];
	_ =	sdelay $0x3  }
0x33: {  	p0 =	seq.s32 s10, $0x1;
	s10 =	sld [smem:$0x3FAC];
	_ =	sdelay $0x3  }
0x34: {  	[smem:$0x3FAC] =	sst s10  }
0x35: {  	s10 =	sld [smem:$0x3FAB];
	_ =	sdelay $0x3  }
0x36: {  	p1 =	seq.s32 s10, $0x1;
	s10 =	sld [smem:$0x3FAC];
	_ =	sdelay $0x3  }
0x37: {  	[smem:$0x3FAC] =	sst s10  }
0x38: {  	s10 =	sld [smem:$0x3FAD]  }
0x39: {  	_ = 	snop;
	(pc) =	sbr.ind lr, $3  }
0x3a: {  	_ = 	snop  }
0x3b: {  	_ = 	snop  }
0x3c: {  	p2 =	seq.s32 s10, $0x1;
	s10 =	sld [smem:$0x3FAC]  }
0x3d: {  	_ =	shalt  }
0x3e: {  	_ =	shalt  }
0x3f: {  	_ =	shalt  }
0x40: {  	_ =	shalt  }
0x41: {  	_ =	shalt  }
0x42: {  	_ =	shalt  }
0x43: {  	_ =	shalt  }
0x44: {  	_ =	shalt  }
0x45: {  	_ =	shalt  }
0x46: {  	_ =	shalt  }
0x47: {  	_ =	shalt  }
0x48: {  	_ =	shalt  }
0x49: {  	_ =	shalt  }
0x4a: {  	_ =	shalt  }
0x4b: {  	_ =	shalt  }
0x4c: {  	_ =	shalt  }
0x4d: {  	_ =	shalt  }
0x4e: {  	_ =	shalt  }
0x4f: {  	_ =	shalt  }
0x50: {  	_ =	shalt  }
0x51: {  	_ =	shalt  }
0x52: {  	_ =	shalt  }
0x53: {  	_ =	shalt  }
0x54: {  	_ =	shalt  }
0x55: {  	_ =	shalt  }
0x56: {  	_ =	shalt  }
0x57: {  	_ =	shalt  }
0x58: {  	_ =	shalt  }
0x59: {  	_ =	shalt  }
0x5a: {  	_ =	shalt  }
0x5b: {  	_ =	shalt  }
0x5c: {  	_ =	shalt  }
0x5d: {  	_ =	shalt  }
0x5e: {  	_ =	shalt  }
0x5f: {  	_ =	shalt  }
0x60: {  	_ =	shalt  }
0x61: {  	_ =	shalt  }
0x62: {  	_ =	shalt  }
0x63: {  	_ =	shalt  }
0x64: {  	_ =	shalt  }
0x65: {  	_ =	shalt  }
0x66: {  	_ =	shalt  }
0x67: {  	_ =	shalt  }
0x68: {  	_ =	shalt  }
0x69: {  	_ =	shalt  }
0x6a: {  	_ =	shalt  }
0x6b: {  	_ =	shalt  }
0x6c: {  	_ =	shalt  }
0x6d: {  	_ =	shalt  }
0x6e: {  	_ =	shalt  }
0x6f: {  	_ =	shalt  }
0x70: {  	_ =	shalt  }
0x71: {  	_ =	shalt  }
0x72: {  	_ =	shalt  }
0x73: {  	_ =	shalt  }
0x74: {  	_ =	shalt  }
0x75: {  	_ =	shalt  }
0x76: {  	_ =	shalt  }
0x77: {  	_ =	shalt  }
0x78: {  	_ =	shalt  }
0x79: {  	_ =	shalt  }
0x7a: {  	_ =	shalt  }
0x7b: {  	_ =	shalt  }
0x7c: {  	_ =	shalt  }
0x7d: {  	_ =	shalt  }
0x7e: {  	_ =	shalt  }
0x7f: {  	_ =	shalt  }
0x80: {  	_ =	shalt  }
0x81: {  	_ =	shalt  }
0x82: {  	_ =	shalt  }
0x83: {  	_ =	shalt  }
0x84: {  	_ =	shalt  }
0x85: {  	_ =	shalt  }
0x86: {  	_ =	shalt  }
0x87: {  	_ =	shalt  }
.Lfunc_end0:
.L_simem_size_0:
called_computation_lowered:
.L_overlay_start_0:
0x88: {  	s2 =	sld [smem:$0x3FD9]  }
0x89: {  	s3 =	sld [smem:$0x3FFE];
	_ =	sdelay $0x1  }
0x8a: {  	s1 =	srdreg.scid  }
0x8b: {  	s0 =	sand.u32 $0x1, s1  }
0x8c: {  	s16 =	sshll.u32 s0, $0xA;
	s2 =	sadd.s32 s3, s2  }
0x8d: {  	s2 =	sadd.s32 s2, s16  }
0x8e: {  	[smem:$0x3FB8] =	sst s2  }
0x8f: {  	_ = 	snop  }
0x90: {  	(tm) =	ssettm $0x1  }
0x91: {  	s17 =	sld [smem:$0x3FFB];
	_ =	sdelay $0x3  }
0x92: {  	_ =	strace s17  }
0x93: {  	s2 =	sld [smem:$0x3FFC];
	_ =	sdelay $0x3  }
0x94: {  	_ =	strace s2  }
0x95: {  	s2 =	sld [smem:$0x3FFD];
	_ =	sdelay $0x3  }
0x96: {  	_ =	strace s2  }
0x97: {  	_ =	strace $0x8FFFFFFF  }
0x98: {  	s18 =	sld [smem:$0x3FDB];
	_ =	sdelay $0x1  }
0x99: {  	s19 =	simm.s32 $_scs_section_size  }
0x9a: {  	s4 =	simm.s32 $_size__tile_overlayer_lowered;
	s5 =	simm.s32 $_tile_overlayer_lowered  }
0x9b: {  	s22 =	simm.s32 $0x1BFF;
	s21 =	sshll.u32 s5, $0x1;
	s2 =	sadd.s32 s19, s18  }
0x9c: {  	s6 =	simm.s32 $0x0;
	s20 =	sshll.u32 s4, $0x1;
	s4 =	sadd.s32 s21, s2  }
0x9d: {  	[timem:s6], [sflag:s22] =	dma.local [hbm:s4], s20  }
0x9e: {  	_ =	swait.ge [sflag:s22], s20  }
0x9f: {  	s3 =	ssub.s32 $0x0, s20;
	[sflag:s22] =	ssyncset.done $0x0  }
0xa0: {  	[sflag:s22] =	ssyncadd.s32 s3;
	_ =	sdelay $0x1  }
0xa1: {  	s23 =	simm.s32 $0x1B8B  }
0xa2: {  	_ =	swait.ge [sflag:s23], $0x1  }
0xa3: {  	[sflag:s23] =	ssyncset.done $0x0  }
0xa4: {  	s25 =	simm.s32 $0x1B8E;
	s24 =	sld [smem:$0x3FFE];
	[sflag:s23] =	ssyncadd.s32 $0xFFFFFFFF  }
0xa5: {  	s26 =	simm.s32 $execute0_lowered;
	[smem:$0x3FD2] =	sst s25  }
0xa6: {  	s4 =	sshll.u32 s26, $0x1;
	_ =	strace $0x80000046;
	[dreg:$0x1] =	wrdreg $0xFFFFFFFF  }
0xa7: {  	s28 =	simm.s32 $_size_execute0_lowered;
	s2 =	sadd.s32 s2, s4;
	[dreg:$0x0] =	wrdreg $0x0  }
0xa8: {  	s4 =	sshll.u32 s28, $0x1;
	[dreg:$0x2] =	wrdreg s2  }
0xa9: {  	[dreg:$0x3] =	wrdreg s4  }
0xaa: {  	[dreg:$0x4] =	wrdreg $0xC0  }
0xab: {  	_ =	task [dreg:s6], $0x5FFFF  }
0xac: {  	[dreg:$0x1] =	wrdreg $0xFFFFFFFF  }
0xad: {  	[dreg:$0x0] =	wrdreg $0x60  }
0xae: {  	[dreg:$0x2] =	wrdreg s24  }
0xaf: {  	[dreg:$0x3] =	wrdreg $0xB4A00  }
0xb0: {  	[dreg:$0x4] =	wrdreg $0x9  }
0xb1: {  	_ =	task.clear_ibuf [dreg:s6], $0x5FFFF;
	_ =	strace $0x90000046  }
0xb2: {  	s29 =	simm.s32 $0x9;
	_ =	strace $0x80000048  }
0xb3: {  	_ =	swait.ge [sflag:s29], $0x1  }
0xb4: {  	[sflag:s29] =	ssyncadd.s32 $0xFFFFFFFF  }
0xb5: {  	_ =	strace $0x90000048  }
0xb6: {  	_ =	sfence  }
0xb7: {  	s30 =	sld [smem:$0x0];
	_ =	sdelay $0x2  }
0xb8: {  	s31 =	sshll.u32 s1, $0xD;
	s1 =	sshrl.u32 s1, $0x2  }
0xb9: {  	s3 =	sand.u32 $0x4000, s31;
	s1 =	sadd.s32 s1, s30  }
0xba: {  	s0 =	sor.u32 s3, s0;
	s1 =	sshll.u32 s1, $0x11  }
0xbb: {  	s0 =	sor.u32 s1, s0  }
0xbc: {  	s0 =	sadd.s32 $0x8F2B, s0  }
0xbd: {  	[sflag:s0] =	ssyncadd.remote.s32 $0x1  }
0xbe: {  	_ =	sfence.sel $0xFFFF  }
0xbf: {  	[dreg:$0x0] =	wrdreg $0xFFFFFFFF;
	(pc) =	sbr.abs _section_cstart, $3  }
0xc0: {  	[dreg:$0x1] =	wrdreg $0xFFFFFFFF  }
0xc1: {  	_ =	task.clear_ibuf [dreg:s6], $0x2FFFF;
	_ =	strace $0x9FFFFFFF  }
0xc2: {  	(tm) =	ssettm $0x7FFFFFFF  }
0xc3: {  	_ =	shalt  }
tec
execute0_lowered:
.L_overlay_start_1:
0x0: {  	(tag) =	ssettag $0x1  }
0x1: {  	s0 =	stileid.u32  }
0x2: {  	s22 =	rddreg [dreg:$0x0];
	s23 =	smul.u32 $0x2800, s0  }
0x3: {  	s2 =	rddreg [dreg:$0x1]  }
0x4: {  	s1 =	rddreg [dreg:$0x2];
	s3 =	simm.s32 $0x0;
	s4 =	sshrl.u32 s23, $0x3  }
0x5: {  	s6 =	simm.s32 $0x8CA0;
	[smem:$0x7FF] =	sst s3;
	s4 =	sadd.s32 s4, s22  }
0x6: {  	s5 =	simm.s32 $0x2;
	_ =	strace $0x80000047;
	s4 =	sadd.s32 $0x1C600, s4  }
0x7: {  	[tilespmem:s6], [sflag:$0x2] =	stream.linear.gather [hbm4b:s4+s3], $0x2800, $0x38;
	[tilespmem:$0xDCA0] =	vst v63  }
0x8: {  	s7 =	srdreg.scid;
	_ =	swait.ge [sflag:s5], $0x2800  }
0x9: {  	s24 =	sand.u32 $0x1, s7;
	s8 =	sshll.u32 s0, $0x1;
	[sflag:s5] =	ssyncset.done $0x0  }
0xa: {  	s8 =	sor.u32 s24, s8;
	s7 =	sadd.s32 s23, s2;
	[sflag:s5] =	ssyncadd.s32 $0xFFFFD800  }
0xb: {  	[spmem:s7] =	stream.linear.scatter [tilespmem:s6], [sflag:$0x2], $0x2800, $0x38;
	[tilespmem:$0xDCA0] =	vst v63  }
0xc: {  	s8 =	smul.u32 $0x2710, s8;
	_ =	swait.ge [sflag:s5], $0x2800  }
0xd: {  	[sflag:s5] =	ssyncset.done $0x0  }
0xe: {  	s20 =	sadd.s32 $0xD800, s22;
	s25 =	sshrl.u32 s8, $0x3;
	[sflag:s5] =	ssyncadd.s32 $0xFFFFD800  }
0xf: {  	s8 =	sadd.s32 s20, s25;
	[bflag:$0x0] =	sbarrier.arrive $0xFFFF  }
0x10: {  	[tilespmem:s3], [sflag:$0x2] =	stream.linear.gather [hbm4b:s8+s3], $0x7D0, $0x38;
	[tilespmem:$0xDCA0] =	vst v63  }
0x11: {  	_ =	swait.ge [sflag:s5], $0x7D0  }
0x12: {  	s21 =	sadd.s32 $0x3A00, s22;
	[sflag:s5] =	ssyncset.done $0x0  }
0x13: {  	s10 =	simm.s32 $0x7D0;
	s9 =	sadd.s32 s21, s25;
	[sflag:s5] =	ssyncadd.s32 $0xFFFFF830  }
0x14: {  	[tilespmem:s10], [sflag:$0x2] =	stream.linear.gather [hbm4b:s9+s3], $0x7D0, $0x38;
	[tilespmem:$0xDCA0] =	vst v63  }
0x15: {  	_ =	swait.ge [sflag:s5], $0x7D0  }
0x16: {  	s12 =	simm.s32 $0xFA0;
	[sflag:s5] =	ssyncset.done $0x0  }
0x17: {  	s13 =	simm.s32 $0x1;
	s11 =	sadd.s32 $0x17600, s22;
	[sflag:s5] =	ssyncadd.s32 $0xFFFFF830  }
0x18: {  	[tilespmem:s12], [sflag:$0x1] =	stream.indirect.gather [hbm4b:s11+s10], $0x10, s3, s10, $0xb8;
	[tilespmem:$0xDCA0] =	vst v63  }
0x19: {  	_ =	swait.ge [sflag:s13], $0x7D00  }
0x1a: {  	[sflag:s13] =	ssyncset.done $0x0  }
0x1b: {  	[sflag:s13] =	ssyncadd.s32 $0xFFFF8300  }
0x1c: {  	[spmem:s2] =	stream.indirect.scatter.add.f32 [tilespmem:s12], [sflag:$0x2], $0x10, s10, s10, $0xb8;
	[tilespmem:$0xDCA0] =	vst v63  }
0x1d: {  	_ =	swait.ge [sflag:s5], $0x7D00  }
0x1e: {  	s15 =	sadd.s32 $0xFA, s25;
	[sflag:s5] =	ssyncset.done $0x0  }
0x1f: {  	s14 =	sadd.s32 s20, s15;
	[sflag:s5] =	ssyncadd.s32 $0xFFFF8300  }
0x20: {  	[tilespmem:s3], [sflag:$0x2] =	stream.linear.gather [hbm4b:s14+s3], $0x7D0, $0x38;
	[tilespmem:$0xDCA0] =	vst v63  }
0x21: {  	_ =	swait.ge [sflag:s5], $0x7D0  }
0x22: {  	[sflag:s5] =	ssyncset.done $0x0  }
0x23: {  	s15 =	sadd.s32 s21, s15;
	[sflag:s5] =	ssyncadd.s32 $0xFFFFF830  }
0x24: {  	[tilespmem:s10], [sflag:$0x2] =	stream.linear.gather [hbm4b:s15+s3], $0x7D0, $0x38;
	[tilespmem:$0xDCA0] =	vst v63  }
0x25: {  	_ =	swait.ge [sflag:s5], $0x7D0  }
0x26: {  	[sflag:s5] =	ssyncset.done $0x0  }
0x27: {  	[sflag:s5] =	ssyncadd.s32 $0xFFFFF830  }
0x28: {  	[tilespmem:s12], [sflag:$0x1] =	stream.indirect.gather [hbm4b:s11+s10], $0x10, s3, s10, $0xb8;
	[tilespmem:$0xDCA0] =	vst v63  }
0x29: {  	_ =	swait.ge [sflag:s13], $0x7D00  }
0x2a: {  	[sflag:s13] =	ssyncset.done $0x0  }
0x2b: {  	[sflag:s13] =	ssyncadd.s32 $0xFFFF8300  }
0x2c: {  	[spmem:s2] =	stream.indirect.scatter.add.f32 [tilespmem:s12], [sflag:$0x2], $0x10, s10, s10, $0xb8;
	[tilespmem:$0xDCA0] =	vst v63  }
0x2d: {  	_ =	swait.ge [sflag:s5], $0x7D00  }
0x2e: {  	s17 =	sadd.s32 $0x1F4, s25;
	[sflag:s5] =	ssyncset.done $0x0  }
0x2f: {  	s16 =	sadd.s32 s20, s17;
	[sflag:s5] =	ssyncadd.s32 $0xFFFF8300  }
0x30: {  	[tilespmem:s3], [sflag:$0x2] =	stream.linear.gather [hbm4b:s16+s3], $0x7D0, $0x38;
	[tilespmem:$0xDCA0] =	vst v63  }
0x31: {  	_ =	swait.ge [sflag:s5], $0x7D0  }
0x32: {  	[sflag:s5] =	ssyncset.done $0x0  }
0x33: {  	s17 =	sadd.s32 s21, s17;
	[sflag:s5] =	ssyncadd.s32 $0xFFFFF830  }
0x34: {  	[tilespmem:s10], [sflag:$0x2] =	stream.linear.gather [hbm4b:s17+s3], $0x7D0, $0x38;
	[tilespmem:$0xDCA0] =	vst v63  }
0x35: {  	_ =	swait.ge [sflag:s5], $0x7D0  }
0x36: {  	[sflag:s5] =	ssyncset.done $0x0  }
0x37: {  	[sflag:s5] =	ssyncadd.s32 $0xFFFFF830  }
0x38: {  	[tilespmem:s12], [sflag:$0x1] =	stream.indirect.gather [hbm4b:s11+s10], $0x10, s3, s10, $0xb8;
	[tilespmem:$0xDCA0] =	vst v63  }
0x39: {  	_ =	swait.ge [sflag:s13], $0x7D00  }
0x3a: {  	[sflag:s13] =	ssyncset.done $0x0  }
0x3b: {  	[sflag:s13] =	ssyncadd.s32 $0xFFFF8300  }
0x3c: {  	[spmem:s2] =	stream.indirect.scatter.add.f32 [tilespmem:s12], [sflag:$0x2], $0x10, s10, s10, $0xb8;
	[tilespmem:$0xDCA0] =	vst v63  }
0x3d: {  	_ =	swait.ge [sflag:s5], $0x7D00  }
0x3e: {  	s19 =	sadd.s32 $0x2EE, s25;
	[sflag:s5] =	ssyncset.done $0x0  }
0x3f: {  	s18 =	sadd.s32 s20, s19;
	[sflag:s5] =	ssyncadd.s32 $0xFFFF8300  }
0x40: {  	[tilespmem:s3], [sflag:$0x2] =	stream.linear.gather [hbm4b:s18+s3], $0x7D0, $0x38;
	[tilespmem:$0xDCA0] =	vst v63  }
0x41: {  	_ =	swait.ge [sflag:s5], $0x7D0  }
0x42: {  	[sflag:s5] =	ssyncset.done $0x0  }
0x43: {  	s19 =	sadd.s32 s21, s19;
	[sflag:s5] =	ssyncadd.s32 $0xFFFFF830  }
0x44: {  	[tilespmem:s10], [sflag:$0x2] =	stream.linear.gather [hbm4b:s19+s3], $0x7D0, $0x38;
	[tilespmem:$0xDCA0] =	vst v63  }
0x45: {  	_ =	swait.ge [sflag:s5], $0x7D0  }
0x46: {  	[sflag:s5] =	ssyncset.done $0x0  }
0x47: {  	[sflag:s5] =	ssyncadd.s32 $0xFFFFF830  }
0x48: {  	[tilespmem:s12], [sflag:$0x1] =	stream.indirect.gather [hbm4b:s11+s10], $0x10, s3, s10, $0xb8;
	[tilespmem:$0xDCA0] =	vst v63  }
0x49: {  	_ =	swait.ge [sflag:s13], $0x7D00  }
0x4a: {  	[sflag:s13] =	ssyncset.done $0x0  }
0x4b: {  	[sflag:s13] =	ssyncadd.s32 $0xFFFF8300  }
0x4c: {  	[spmem:s2] =	stream.indirect.scatter.add.f32 [tilespmem:s12], [sflag:$0x2], $0x10, s10, s10, $0xb8;
	[tilespmem:$0xDCA0] =	vst v63  }
0x4d: {  	_ =	swait.ge [sflag:s5], $0x7D00  }
0x4e: {  	s25 =	sadd.s32 $0x3E8, s25;
	[sflag:s5] =	ssyncset.done $0x0  }
0x4f: {  	s20 =	sadd.s32 s20, s25;
	[sflag:s5] =	ssyncadd.s32 $0xFFFF8300  }
0x50: {  	[tilespmem:s3], [sflag:$0x2] =	stream.linear.gather [hbm4b:s20+s3], $0x7D0, $0x38;
	[tilespmem:$0xDCA0] =	vst v63  }
0x51: {  	_ =	swait.ge [sflag:s5], $0x7D0  }
0x52: {  	[sflag:s5] =	ssyncset.done $0x0  }
0x53: {  	s21 =	sadd.s32 s21, s25;
	[sflag:s5] =	ssyncadd.s32 $0xFFFFF830  }
0x54: {  	[tilespmem:s10], [sflag:$0x2] =	stream.linear.gather [hbm4b:s21+s3], $0x7D0, $0x38;
	[tilespmem:$0xDCA0] =	vst v63  }
0x55: {  	_ =	swait.ge [sflag:s5], $0x7D0  }
0x56: {  	[sflag:s5] =	ssyncset.done $0x0  }
0x57: {  	[sflag:s5] =	ssyncadd.s32 $0xFFFFF830  }
0x58: {  	[tilespmem:s12], [sflag:$0x1] =	stream.indirect.gather [hbm4b:s11+s10], $0x10, s3, s10, $0xb8;
	[tilespmem:$0xDCA0] =	vst v63  }
0x59: {  	_ =	swait.ge [sflag:s13], $0x7D00  }
0x5a: {  	[sflag:s13] =	ssyncset.done $0x0  }
0x5b: {  	s29 =	smul.u32 $0x28000, s24;
	[sflag:s13] =	ssyncadd.s32 $0xFFFF8300  }
0x5c: {  	[spmem:s2] =	stream.indirect.scatter.add.f32 [tilespmem:s12], [sflag:$0x2], $0x10, s10, s10, $0xb8;
	[tilespmem:$0xDCA0] =	vst v63  }
0x5d: {  	s24 =	ssub.s32 $0x2, s24;
	_ =	swait.ge [sflag:s5], $0x7D00  }
0x5e: {  	s30 =	sshrl.u32 s24, $0x1;
	s23 =	sadd.s32 s23, s29;
	[sflag:s5] =	ssyncset.done $0x0  }
0x5f: {  	s31 =	ssub.s32 s24, s30;
	s23 =	sshrl.u32 s23, $0x3;
	[sflag:s5] =	ssyncadd.s32 $0xFFFF8300  }
0x60: {  	s22 =	sadd.s32 s23, s22;
	s23 =	smax.u32 s31, $0x1;
	[bflag:$0x0] =	sbarrier.arrive $0xFFFF  }
0x61: {  	[tilespmem:s6], [sflag:$0x2] =	stream.linear.gather [spmem:s7], $0x2800, $0x38;
	[tilespmem:$0xDCA0] =	vst v63  }
0x62: {  	p0 =	sne.s32 s23, $0x1;
	_ =	swait.ge [sflag:s5], $0x2800  }
.Ltmp0:
0x63: {  	[sflag:s5] =	ssyncset.done $0x0;
	(pc) =	sbr.rel @!p0 .LBB2_2-.Ltmp0, $4  }
0x64: {  	s22 =	sadd.s32 $0x21600, s22;
	[sflag:s5] =	ssyncadd.s32 $0xFFFFD800  }
0x65: {  	[hbm4b:s22+s3] =	stream.linear.scatter [tilespmem:s6], [sflag:$0x2], $0x2800, $0x38;
	[tilespmem:$0xDCA0] =	vst v63  }
0x66: {  	_ =	swait.ge [sflag:s5], $0x2800  }
0x67: {  	s23 =	sadd.s32 $0xFFFFFFFF, s23;
	[sflag:s5] =	ssyncset.done $0x0  }
.LBB2_1:
0x68: {  	p0 =	sne.s32 s23, $0x1;
	s23 =	sadd.s32 $0xFFFFFFFF, s23;
	[sflag:s5] =	ssyncadd.s32 $0xFFFFD800  }
0x69: {  	[tilespmem:s6], [sflag:$0x2] =	stream.linear.gather [hbm4b:s4+s3], $0x2800, $0x38;
	[tilespmem:$0xDCA0] =	vst v63  }
0x6a: {  	_ =	swait.ge [sflag:s5], $0x2800  }
0x6b: {  	[sflag:s5] =	ssyncset.done $0x0  }
0x6c: {  	[sflag:s5] =	ssyncadd.s32 $0xFFFFD800  }
0x6d: {  	[spmem:s7] =	stream.linear.scatter [tilespmem:s6], [sflag:$0x2], $0x2800, $0x38;
	[tilespmem:$0xDCA0] =	vst v63  }
0x6e: {  	_ =	swait.ge [sflag:s5], $0x2800  }
0x6f: {  	[sflag:s5] =	ssyncset.done $0x0  }
0x70: {  	[sflag:s5] =	ssyncadd.s32 $0xFFFFD800  }
0x71: {  	[bflag:$0x0] =	sbarrier.arrive $0xFFFF  }
0x72: {  	[tilespmem:s3], [sflag:$0x2] =	stream.linear.gather [hbm4b:s8+s3], $0x7D0, $0x38;
	[tilespmem:$0xDCA0] =	vst v63  }
0x73: {  	_ =	swait.ge [sflag:s5], $0x7D0  }
0x74: {  	[sflag:s5] =	ssyncset.done $0x0  }
0x75: {  	[sflag:s5] =	ssyncadd.s32 $0xFFFFF830  }
0x76: {  	[tilespmem:s10], [sflag:$0x2] =	stream.linear.gather [hbm4b:s9+s3], $0x7D0, $0x38;
	[tilespmem:$0xDCA0] =	vst v63  }
0x77: {  	_ =	swait.ge [sflag:s5], $0x7D0  }
0x78: {  	[sflag:s5] =	ssyncset.done $0x0  }
0x79: {  	[sflag:s5] =	ssyncadd.s32 $0xFFFFF830  }
0x7a: {  	[tilespmem:s12], [sflag:$0x1] =	stream.indirect.gather [hbm4b:s11+s10], $0x10, s3, s10, $0xb8;
	[tilespmem:$0xDCA0] =	vst v63  }
0x7b: {  	_ =	swait.ge [sflag:s13], $0x7D00  }
0x7c: {  	[sflag:s13] =	ssyncset.done $0x0  }
0x7d: {  	[sflag:s13] =	ssyncadd.s32 $0xFFFF8300  }
0x7e: {  	[spmem:s2] =	stream.indirect.scatter.add.f32 [tilespmem:s12], [sflag:$0x2], $0x10, s10, s10, $0xb8;
	[tilespmem:$0xDCA0] =	vst v63  }
0x7f: {  	_ =	swait.ge [sflag:s5], $0x7D00  }
0x80: {  	[sflag:s5] =	ssyncset.done $0x0  }
0x81: {  	[sflag:s5] =	ssyncadd.s32 $0xFFFF8300  }
0x82: {  	[tilespmem:s3], [sflag:$0x2] =	stream.linear.gather [hbm4b:s14+s3], $0x7D0, $0x38;
	[tilespmem:$0xDCA0] =	vst v63  }
0x83: {  	_ =	swait.ge [sflag:s5], $0x7D0  }
0x84: {  	[sflag:s5] =	ssyncset.done $0x0  }
0x85: {  	[sflag:s5] =	ssyncadd.s32 $0xFFFFF830  }
0x86: {  	[tilespmem:s10], [sflag:$0x2] =	stream.linear.gather [hbm4b:s15+s3], $0x7D0, $0x38;
	[tilespmem:$0xDCA0] =	vst v63  }
0x87: {  	_ =	swait.ge [sflag:s5], $0x7D0  }
0x88: {  	[sflag:s5] =	ssyncset.done $0x0  }
0x89: {  	[sflag:s5] =	ssyncadd.s32 $0xFFFFF830  }
0x8a: {  	[tilespmem:s12], [sflag:$0x1] =	stream.indirect.gather [hbm4b:s11+s10], $0x10, s3, s10, $0xb8;
	[tilespmem:$0xDCA0] =	vst v63  }
0x8b: {  	_ =	swait.ge [sflag:s13], $0x7D00  }
0x8c: {  	[sflag:s13] =	ssyncset.done $0x0  }
0x8d: {  	[sflag:s13] =	ssyncadd.s32 $0xFFFF8300  }
0x8e: {  	[spmem:s2] =	stream.indirect.scatter.add.f32 [tilespmem:s12], [sflag:$0x2], $0x10, s10, s10, $0xb8;
	[tilespmem:$0xDCA0] =	vst v63  }
0x8f: {  	_ =	swait.ge [sflag:s5], $0x7D00  }
0x90: {  	[sflag:s5] =	ssyncset.done $0x0  }
0x91: {  	[sflag:s5] =	ssyncadd.s32 $0xFFFF8300  }
0x92: {  	[tilespmem:s3], [sflag:$0x2] =	stream.linear.gather [hbm4b:s16+s3], $0x7D0, $0x38;
	[tilespmem:$0xDCA0] =	vst v63  }
0x93: {  	_ =	swait.ge [sflag:s5], $0x7D0  }
0x94: {  	[sflag:s5] =	ssyncset.done $0x0  }
0x95: {  	[sflag:s5] =	ssyncadd.s32 $0xFFFFF830  }
0x96: {  	[tilespmem:s10], [sflag:$0x2] =	stream.linear.gather [hbm4b:s17+s3], $0x7D0, $0x38;
	[tilespmem:$0xDCA0] =	vst v63  }
0x97: {  	_ =	swait.ge [sflag:s5], $0x7D0  }
0x98: {  	[sflag:s5] =	ssyncset.done $0x0  }
0x99: {  	[sflag:s5] =	ssyncadd.s32 $0xFFFFF830  }
0x9a: {  	[tilespmem:s12], [sflag:$0x1] =	stream.indirect.gather [hbm4b:s11+s10], $0x10, s3, s10, $0xb8;
	[tilespmem:$0xDCA0] =	vst v63  }
0x9b: {  	_ =	swait.ge [sflag:s13], $0x7D00  }
0x9c: {  	[sflag:s13] =	ssyncset.done $0x0  }
0x9d: {  	[sflag:s13] =	ssyncadd.s32 $0xFFFF8300  }
0x9e: {  	[spmem:s2] =	stream.indirect.scatter.add.f32 [tilespmem:s12], [sflag:$0x2], $0x10, s10, s10, $0xb8;
	[tilespmem:$0xDCA0] =	vst v63  }
0x9f: {  	_ =	swait.ge [sflag:s5], $0x7D00  }
0xa0: {  	[sflag:s5] =	ssyncset.done $0x0  }
0xa1: {  	[sflag:s5] =	ssyncadd.s32 $0xFFFF8300  }
0xa2: {  	[tilespmem:s3], [sflag:$0x2] =	stream.linear.gather [hbm4b:s18+s3], $0x7D0, $0x38;
	[tilespmem:$0xDCA0] =	vst v63  }
0xa3: {  	_ =	swait.ge [sflag:s5], $0x7D0  }
0xa4: {  	[sflag:s5] =	ssyncset.done $0x0  }
0xa5: {  	[sflag:s5] =	ssyncadd.s32 $0xFFFFF830  }
0xa6: {  	[tilespmem:s10], [sflag:$0x2] =	stream.linear.gather [hbm4b:s19+s3], $0x7D0, $0x38;
	[tilespmem:$0xDCA0] =	vst v63  }
0xa7: {  	_ =	swait.ge [sflag:s5], $0x7D0  }
0xa8: {  	[sflag:s5] =	ssyncset.done $0x0  }
0xa9: {  	[sflag:s5] =	ssyncadd.s32 $0xFFFFF830  }
0xaa: {  	[tilespmem:s12], [sflag:$0x1] =	stream.indirect.gather [hbm4b:s11+s10], $0x10, s3, s10, $0xb8;
	[tilespmem:$0xDCA0] =	vst v63  }
0xab: {  	_ =	swait.ge [sflag:s13], $0x7D00  }
0xac: {  	[sflag:s13] =	ssyncset.done $0x0  }
0xad: {  	[sflag:s13] =	ssyncadd.s32 $0xFFFF8300  }
0xae: {  	[spmem:s2] =	stream.indirect.scatter.add.f32 [tilespmem:s12], [sflag:$0x2], $0x10, s10, s10, $0xb8;
	[tilespmem:$0xDCA0] =	vst v63  }
0xaf: {  	_ =	swait.ge [sflag:s5], $0x7D00  }
0xb0: {  	[sflag:s5] =	ssyncset.done $0x0  }
0xb1: {  	[sflag:s5] =	ssyncadd.s32 $0xFFFF8300  }
0xb2: {  	[tilespmem:s3], [sflag:$0x2] =	stream.linear.gather [hbm4b:s20+s3], $0x7D0, $0x38;
	[tilespmem:$0xDCA0] =	vst v63  }
0xb3: {  	_ =	swait.ge [sflag:s5], $0x7D0  }
0xb4: {  	[sflag:s5] =	ssyncset.done $0x0  }
0xb5: {  	[sflag:s5] =	ssyncadd.s32 $0xFFFFF830  }
0xb6: {  	[tilespmem:s10], [sflag:$0x2] =	stream.linear.gather [hbm4b:s21+s3], $0x7D0, $0x38;
	[tilespmem:$0xDCA0] =	vst v63  }
0xb7: {  	_ =	swait.ge [sflag:s5], $0x7D0  }
0xb8: {  	[sflag:s5] =	ssyncset.done $0x0  }
0xb9: {  	[sflag:s5] =	ssyncadd.s32 $0xFFFFF830  }
0xba: {  	[tilespmem:s12], [sflag:$0x1] =	stream.indirect.gather [hbm4b:s11+s10], $0x10, s3, s10, $0xb8;
	[tilespmem:$0xDCA0] =	vst v63  }
0xbb: {  	_ =	swait.ge [sflag:s13], $0x7D00  }
0xbc: {  	[sflag:s13] =	ssyncset.done $0x0  }
0xbd: {  	[sflag:s13] =	ssyncadd.s32 $0xFFFF8300  }
0xbe: {  	[spmem:s2] =	stream.indirect.scatter.add.f32 [tilespmem:s12], [sflag:$0x2], $0x10, s10, s10, $0xb8;
	[tilespmem:$0xDCA0] =	vst v63  }
0xbf: {  	_ =	swait.ge [sflag:s5], $0x7D00  }
0xc0: {  	[sflag:s5] =	ssyncset.done $0x0  }
0xc1: {  	[sflag:s5] =	ssyncadd.s32 $0xFFFF8300  }
0xc2: {  	[bflag:$0x0] =	sbarrier.arrive $0xFFFF  }
0xc3: {  	[tilespmem:s6], [sflag:$0x2] =	stream.linear.gather [spmem:s7], $0x2800, $0x38;
	[tilespmem:$0xDCA0] =	vst v63  }
0xc4: {  	_ =	swait.ge [sflag:s5], $0x2800  }
.Ltmp1:
0xc5: {  	[sflag:s5] =	ssyncset.done $0x0;
	(pc) =	sbr.rel @p0 .LBB2_1-.Ltmp1, $4  }
0xc6: {  	[sflag:s5] =	ssyncadd.s32 $0xFFFFD800  }
0xc7: {  	[hbm4b:s22+s3] =	stream.linear.scatter [tilespmem:s6], [sflag:$0x2], $0x2800, $0x38;
	[tilespmem:$0xDCA0] =	vst v63  }
0xc8: {  	_ =	swait.ge [sflag:s5], $0x2800  }
0xc9: {  	[sflag:s5] =	ssyncset.done $0x0  }
.LBB2_2:
0xca: {  	[sflag:s5] =	ssyncadd.s32 $0xFFFFD800  }
0xcb: {  	_ =	sfence.sel $0x180000  }
0xcc: {  	[bflag:$0x0] =	sbarrier.arrive $0xFFFF  }
0xcd: {  	p0 =	sne.s32 s0, $0x0;
	_ =	strace $0x90000047  }
0xce: {  	s0 =	sadd.s32 @!p0 $0x100000, s1;
	[bflag:$0x2] =	sbarrier.arrive $0xFFFF  }
0xcf: {  	[sflag:s0] =	ssyncadd.tile.s32 @!p0 $0x1;
	_ =	shalt  }
.Lfunc_end2:
_tile_overlayer_lowered:
.L_overlay_start_2:
0xd0: {  	(tag) =	ssettag $0x2  }
0xd1: {  	s0 =	rddreg [dreg:$0x0];
	s2 =	stileid.u32  }
0xd2: {  	s1 =	rddreg [dreg:$0x1];
	p0 =	sne.s32 s2, $0x0  }
0xd3: {  	s3 =	rddreg [dreg:$0x2];
	[bflag:$0x3] =	sbarrier.arrive $0xFFFF;
	s2 =	simm.s32 @!p0 $0x1C02  }
0xd4: {  	[timem:s3], [sflag:s2] =	dma.local @!p0 [hbm:s0], s1  }
0xd5: {  	s0 =	simm.s32 @!p0 $0x2  }
0xd6: {  	_ =	swait.ge @!p0 [sflag:s0], s1  }
0xd7: {  	s1 =	ssub.s32 @!p0 $0x0, s1;
	[sflag:s0] =	ssyncset.done @!p0 $0x0  }
0xd8: {  	[sflag:s0] =	ssyncadd.s32 @!p0 s1  }
0xd9: {  	[bflag:$0x3] =	sbarrier.arrive $0xFFFF  }
0xda: {  	_ =	shalt  }

</sc_bundles>
